<compile_context>
chip_gen: v7x
topology: tpu7x:2x2x1
jax: 0.10.2.dev20260603
libtpu: 0.0.44.dev20260713+nightly
codegen_flags: <defaults>
</compile_context>

<pallas_src>
import functools

import jax
import jax.numpy as jnp
from jax import lax
from jax.experimental import pallas as pl
from jax.experimental.pallas import tpu as pltpu
from jax.experimental.pallas import tpu_sc as plsc

B = 16384
N = 4096
K = 409
L = 16
NG = (K + L - 1) // L
TAIL = K - (NG - 1) * L
NW = 32
RPW = B // NW
C = 8
NCHUNK = RPW // C
NBUF = 3

_mesh = plsc.VectorSubcoreMesh(core_axis_name="c", subcore_axis_name="s")

_scratch = []
for _ in range(NBUF):
    _scratch += [
        pltpu.VMEM((C * N,), jnp.float32),
        pltpu.VMEM((C * K + 8,), jnp.int32),
        pltpu.VMEM((C * K + 8,), jnp.float32),
        pltpu.SemaphoreType.DMA,
        pltpu.SemaphoreType.DMA,
        pltpu.SemaphoreType.DMA,
        pltpu.SemaphoreType.DMA,
    ]


@functools.partial(
    pl.kernel,
    mesh=_mesh,
    out_type=jax.ShapeDtypeStruct((B * N,), jnp.float32),
    scratch_types=_scratch,
    compiler_params=pltpu.CompilerParams(needs_layout_passes=False),
)
def _sp_noise(x_hbm, lin_hbm, val_hbm, out_hbm, *bufs):
    sets = [tuple(bufs[7 * i:7 * i + 7]) for i in range(NBUF)]
    wid = lax.axis_index("s") * 2 + lax.axis_index("c")
    row0 = wid * RPW
    lane = lax.iota(jnp.int32, L)
    lane_lt_tail1 = lane < TAIL - 1
    lane_eq_tail1 = lane == TAIL - 1

    def in_copies(c, S):
        xb, ib, vb, sx, si, sv, so = S
        base = row0 + c * C
        return (
            pltpu.make_async_copy(x_hbm.at[pl.ds(base * N, C * N)], xb, sx),
            pltpu.make_async_copy(
                lin_hbm.at[pl.ds(base * K, C * K)], ib.at[pl.ds(0, C * K)], si),
            pltpu.make_async_copy(
                val_hbm.at[pl.ds(base * K, C * K)], vb.at[pl.ds(0, C * K)], sv),
        )

    def out_copy(c, S):
        xb, ib, vb, sx, si, sv, so = S
        base = row0 + c * C
        return pltpu.make_async_copy(xb, out_hbm.at[pl.ds(base * N, C * N)], so)

    def issue_in(c, S):
        for cp in in_copies(c, S):
            cp.start()

    def wait_in(c, S):
        for cp in in_copies(c, S):
            cp.wait()

    def compute(S):
        xb, ib, vb, sx, si, sv, so = S

        def row_body(r, rcarry):
            p0 = r * K
            for j in range(NG):
                lin = ib[pl.ds(p0 + j * L, L)]
                nxt = ib[pl.ds(p0 + j * L + 1, L)]
                sp = vb[pl.ds(p0 + j * L, L)]
                neq = lin != nxt
                if j == NG - 1:
                    m = lane_eq_tail1 | (lane_lt_tail1 & neq)
                else:
                    m = neq
                plsc.store_scatter(xb, [lin & (C * N - 1)], sp, mask=m)
            return rcarry

        lax.fori_loop(0, C, row_body, 0)

    issue_in(0, sets[0])
    issue_in(1, sets[1])

    def loop_body(k, carry):
        for j in range(NBUF):
            c = NBUF * k + j
            S = sets[j]
            wait_in(c, S)
            compute(S)
            out_copy(c, S).start()
            Sn = sets[(j + 2) % NBUF]

            @pl.when(c >= 1)
            def _():
                out_copy(c - 1, Sn).wait()

            @pl.when(c <= NCHUNK - 3)
            def _():
                issue_in(c + 2, Sn)
        return carry

    lax.fori_loop(0, (NCHUNK - 1) // NBUF, loop_body, 0)

    c_last = NCHUNK - 1
    S = sets[c_last % NBUF]
    wait_in(c_last, S)
    compute(S)
    out_copy(c_last, S).start()
    out_copy(c_last - 1, sets[(c_last - 1) % NBUF]).wait()
    out_copy(c_last, S).wait()


def kernel(x, noise_vals, noise_idx):
    lin = (jnp.arange(B, dtype=jnp.int32)[:, None] * N + noise_idx).reshape(-1)
    spb = (noise_vals >= 0.5).astype(jnp.int16).reshape(-1)
    s_lin, s_spb = lax.sort((lin, spb), dimension=0,
                            num_keys=1, is_stable=False)
    s_val = s_spb.astype(jnp.float32)
    s_tld = ((s_lin >> 15) << 15) | ((s_lin & 0x0F80) << 3) \
            | ((s_lin & 0x7000) >> 5) | (s_lin & 0x7F)
    x_t = x.reshape(B // 8, 8, N // 128, 128).transpose(0, 2, 1, 3).reshape(-1)
    out = _sp_noise(x_t, s_tld, s_val)
    out = out.reshape(B // 8, N // 128, 8, 128).transpose(0, 2, 1, 3)
    return out.reshape(B, N)

# --- scband reference (transcript-rebuilt; emitter-appended) ---
"""Pipeline reference for scband-salt-pepper-noise-72112500900286 (READ-ONLY COPY).

The authoritative reference and input builder live on the scoring server;
editing this copy changes nothing except your own understanding.
"""

import jax, jax.numpy as jnp
import numpy as np

B = 16384
N_UNITS = 4096
NOISE_AMOUNT = 0.1
NUM_NOISE = int(N_UNITS * NOISE_AMOUNT)  # 409 per row
MAX_VALUE = 1.0
MIN_VALUE = 0.0


def setup_inputs(seed: int = 0) -> dict:
    key = jax.random.key(seed)
    k1, k2, k3 = jax.random.split(key, 3)
    x = jax.random.normal(k1, (B, N_UNITS), dtype=jnp.float32)
    noise_vals = jax.random.uniform(k2, (B, NUM_NOISE), dtype=jnp.float32)
    noise_idx = jax.random.randint(k3, (B, NUM_NOISE), 0, N_UNITS, dtype=jnp.int32)
    return {"x": x, "noise_vals": noise_vals, "noise_idx": noise_idx}


def reference(x, noise_vals, noise_idx):
    # salt_pepper_noise: for each row, pick NUM_NOISE random column positions;
    # half become salt (max_value) and half pepper (min_value).
    sp_values = jnp.where(noise_vals < 0.5, jnp.float32(MIN_VALUE), jnp.float32(MAX_VALUE))
    # dense_put: scatter-overwrite the noise values into the dense layer output.
    rows = jnp.arange(B, dtype=jnp.int32)[:, None]
    rows = jnp.broadcast_to(rows, noise_idx.shape)
    out = x.at[rows, noise_idx].set(sp_values)
    return out

if __name__ == "__main__":
    import jax
    _d = setup_inputs()
    print(jax.jit(kernel)(*tuple(_d.values())))

</pallas_src>

<mosaic_0001>
#map = affine_map<(d0, d1) -> (0)>
module attributes {stable_mosaic.version = 14 : i64} {
  func.func @_sp_noise(%arg0: i32, %arg1: i32, %arg2: memref<67108864xf32, #tpu.memory_space<hbm>>, %arg3: memref<6701056xi32, #tpu.memory_space<hbm>>, %arg4: memref<6701056xf32, #tpu.memory_space<hbm>>, %arg5: memref<67108864xf32, #tpu.memory_space<hbm>>, %arg6: memref<32768xf32, #tpu.memory_space<vmem>>, %arg7: memref<3280xi32, #tpu.memory_space<vmem>>, %arg8: memref<3280xf32, #tpu.memory_space<vmem>>, %arg9: memref<!tpu.dma_semaphore, #tpu.memory_space<semaphore_mem>>, %arg10: memref<!tpu.dma_semaphore, #tpu.memory_space<semaphore_mem>>, %arg11: memref<!tpu.dma_semaphore, #tpu.memory_space<semaphore_mem>>, %arg12: memref<!tpu.dma_semaphore, #tpu.memory_space<semaphore_mem>>, %arg13: memref<32768xf32, #tpu.memory_space<vmem>>, %arg14: memref<3280xi32, #tpu.memory_space<vmem>>, %arg15: memref<3280xf32, #tpu.memory_space<vmem>>, %arg16: memref<!tpu.dma_semaphore, #tpu.memory_space<semaphore_mem>>, %arg17: memref<!tpu.dma_semaphore, #tpu.memory_space<semaphore_mem>>, %arg18: memref<!tpu.dma_semaphore, #tpu.memory_space<semaphore_mem>>, %arg19: memref<!tpu.dma_semaphore, #tpu.memory_space<semaphore_mem>>, %arg20: memref<32768xf32, #tpu.memory_space<vmem>>, %arg21: memref<3280xi32, #tpu.memory_space<vmem>>, %arg22: memref<3280xf32, #tpu.memory_space<vmem>>, %arg23: memref<!tpu.dma_semaphore, #tpu.memory_space<semaphore_mem>>, %arg24: memref<!tpu.dma_semaphore, #tpu.memory_space<semaphore_mem>>, %arg25: memref<!tpu.dma_semaphore, #tpu.memory_space<semaphore_mem>>, %arg26: memref<!tpu.dma_semaphore, #tpu.memory_space<semaphore_mem>>) attributes {dimension_semantics = [#tpu.dimension_semantics<core_parallel>, #tpu.dimension_semantics<subcore_parallel>], iteration_bounds = array<i64: 2, 16>, scalar_prefetch = 0 : i64, scratch_operands = 21 : i64, tpu.core_type = #tpu.core_type<sc_vector_subcore>, window_params = [{transform_indices = #map}, {transform_indices = #map}, {transform_indices = #map}, {transform_indices = #map}]} {
    %mul3A = arith.constant 2 : i32
    %mul3A_0 = arith.muli %arg1, %mul3A : i32
    %add3A = arith.addi %mul3A_0, %arg0 : i32
    %mul3A_1 = arith.constant 512 : i32
    %mul3A_2 = arith.muli %add3A, %mul3A_1 : i32
    %iota3A = tpu.iota {dimensions = array<i32: 0>} : vector<16xi32>
    %lt3A = arith.constant 8 : i32
    %lt3A_3 = vector.broadcast %lt3A : i32 to vector<16xi32>
    %lt3A_4 = arith.cmpi slt, %iota3A, %lt3A_3 : vector<16xi32>
    %eq3A = arith.constant 8 : i32
    %eq3A_5 = vector.broadcast %eq3A : i32 to vector<16xi32>
    %eq3A_6 = arith.cmpi eq, %iota3A, %eq3A_5 : vector<16xi32>
    %add3A_7 = arith.constant 0 : i32
    %add3A_8 = arith.addi %mul3A_2, %add3A_7 : i32
    %mul3A_9 = arith.constant 4096 : i32
    %mul3A_10 = arith.muli %add3A_8, %mul3A_9 : i32
    %mul3A_11 = arith.constant 409 : i32
    %mul3A_12 = arith.muli %add3A_8, %mul3A_11 : i32
    %mul3A_13 = arith.constant 409 : i32
    %mul3A_14 = arith.muli %add3A_8, %mul3A_13 : i32
    %dma_start3A = tpu.memref_slice %arg2[%mul3A_10] : memref<67108864xf32, #tpu.memory_space<hbm>> -> memref<32768xf32, #tpu.memory_space<hbm>>
    %dma_start3A_15 = tpu.memref_slice %arg2[%mul3A_10] : memref<67108864xf32, #tpu.memory_space<hbm>> -> memref<32768xf32, #tpu.memory_space<hbm>>
    tpu.enqueue_dma source(%dma_start3A_15 : memref<32768xf32, #tpu.memory_space<hbm>>) target(%arg6 : memref<32768xf32, #tpu.memory_space<vmem>>) target_semaphore(%arg9 : memref<!tpu.dma_semaphore, #tpu.memory_space<semaphore_mem>>)
    %dma_start3A_16 = arith.constant 0 : i32
    %dma_start3A_17 = tpu.memref_slice %arg7[%dma_start3A_16] : memref<3280xi32, #tpu.memory_space<vmem>> -> memref<3272xi32, #tpu.memory_space<vmem>>
    %dma_start3A_18 = tpu.memref_slice %arg3[%mul3A_12] : memref<6701056xi32, #tpu.memory_space<hbm>> -> memref<3272xi32, #tpu.memory_space<hbm>>
    %dma_start3A_19 = arith.constant 0 : i32
    %dma_start3A_20 = tpu.memref_slice %arg7[%dma_start3A_19] : memref<3280xi32, #tpu.memory_space<vmem>> -> memref<3272xi32, #tpu.memory_space<vmem>>
    %dma_start3A_21 = tpu.memref_slice %arg3[%mul3A_12] : memref<6701056xi32, #tpu.memory_space<hbm>> -> memref<3272xi32, #tpu.memory_space<hbm>>
    tpu.enqueue_dma source(%dma_start3A_21 : memref<3272xi32, #tpu.memory_space<hbm>>) target(%dma_start3A_20 : memref<3272xi32, #tpu.memory_space<vmem>>) target_semaphore(%arg10 : memref<!tpu.dma_semaphore, #tpu.memory_space<semaphore_mem>>)
    %dma_start3A_22 = arith.constant 0 : i32
    %dma_start3A_23 = tpu.memref_slice %arg8[%dma_start3A_22] : memref<3280xf32, #tpu.memory_space<vmem>> -> memref<3272xf32, #tpu.memory_space<vmem>>
    %dma_start3A_24 = tpu.memref_slice %arg4[%mul3A_14] : memref<6701056xf32, #tpu.memory_space<hbm>> -> memref<3272xf32, #tpu.memory_space<hbm>>
    %dma_start3A_25 = arith.constant 0 : i32
    %dma_start3A_26 = tpu.memref_slice %arg8[%dma_start3A_25] : memref<3280xf32, #tpu.memory_space<vmem>> -> memref<3272xf32, #tpu.memory_space<vmem>>
    %dma_start3A_27 = tpu.memref_slice %arg4[%mul3A_14] : memref<6701056xf32, #tpu.memory_space<hbm>> -> memref<3272xf32, #tpu.memory_space<hbm>>
    tpu.enqueue_dma source(%dma_start3A_27 : memref<3272xf32, #tpu.memory_space<hbm>>) target(%dma_start3A_26 : memref<3272xf32, #tpu.memory_space<vmem>>) target_semaphore(%arg11 : memref<!tpu.dma_semaphore, #tpu.memory_space<semaphore_mem>>)
    %add3A_28 = arith.constant 8 : i32
    %add3A_29 = arith.addi %mul3A_2, %add3A_28 : i32
    %mul3A_30 = arith.constant 4096 : i32
    %mul3A_31 = arith.muli %add3A_29, %mul3A_30 : i32
    %mul3A_32 = arith.constant 409 : i32
    %mul3A_33 = arith.muli %add3A_29, %mul3A_32 : i32
    %mul3A_34 = arith.constant 409 : i32
    %mul3A_35 = arith.muli %add3A_29, %mul3A_34 : i32
    %dma_start3A_36 = tpu.memref_slice %arg2[%mul3A_31] : memref<67108864xf32, #tpu.memory_space<hbm>> -> memref<32768xf32, #tpu.memory_space<hbm>>
    %dma_start3A_37 = tpu.memref_slice %arg2[%mul3A_31] : memref<67108864xf32, #tpu.memory_space<hbm>> -> memref<32768xf32, #tpu.memory_space<hbm>>
    tpu.enqueue_dma source(%dma_start3A_37 : memref<32768xf32, #tpu.memory_space<hbm>>) target(%arg13 : memref<32768xf32, #tpu.memory_space<vmem>>) target_semaphore(%arg16 : memref<!tpu.dma_semaphore, #tpu.memory_space<semaphore_mem>>)
    %dma_start3A_38 = arith.constant 0 : i32
    %dma_start3A_39 = tpu.memref_slice %arg14[%dma_start3A_38] : memref<3280xi32, #tpu.memory_space<vmem>> -> memref<3272xi32, #tpu.memory_space<vmem>>
    %dma_start3A_40 = tpu.memref_slice %arg3[%mul3A_33] : memref<6701056xi32, #tpu.memory_space<hbm>> -> memref<3272xi32, #tpu.memory_space<hbm>>
    %dma_start3A_41 = arith.constant 0 : i32
    %dma_start3A_42 = tpu.memref_slice %arg14[%dma_start3A_41] : memref<3280xi32, #tpu.memory_space<vmem>> -> memref<3272xi32, #tpu.memory_space<vmem>>
    %dma_start3A_43 = tpu.memref_slice %arg3[%mul3A_33] : memref<6701056xi32, #tpu.memory_space<hbm>> -> memref<3272xi32, #tpu.memory_space<hbm>>
    tpu.enqueue_dma source(%dma_start3A_43 : memref<3272xi32, #tpu.memory_space<hbm>>) target(%dma_start3A_42 : memref<3272xi32, #tpu.memory_space<vmem>>) target_semaphore(%arg17 : memref<!tpu.dma_semaphore, #tpu.memory_space<semaphore_mem>>)
    %dma_start3A_44 = arith.constant 0 : i32
    %dma_start3A_45 = tpu.memref_slice %arg15[%dma_start3A_44] : memref<3280xf32, #tpu.memory_space<vmem>> -> memref<3272xf32, #tpu.memory_space<vmem>>
    %dma_start3A_46 = tpu.memref_slice %arg4[%mul3A_35] : memref<6701056xf32, #tpu.memory_space<hbm>> -> memref<3272xf32, #tpu.memory_space<hbm>>
    %dma_start3A_47 = arith.constant 0 : i32
    %dma_start3A_48 = tpu.memref_slice %arg15[%dma_start3A_47] : memref<3280xf32, #tpu.memory_space<vmem>> -> memref<3272xf32, #tpu.memory_space<vmem>>
    %dma_start3A_49 = tpu.memref_slice %arg4[%mul3A_35] : memref<6701056xf32, #tpu.memory_space<hbm>> -> memref<3272xf32, #tpu.memory_space<hbm>>
    tpu.enqueue_dma source(%dma_start3A_49 : memref<3272xf32, #tpu.memory_space<hbm>>) target(%dma_start3A_48 : memref<3272xf32, #tpu.memory_space<vmem>>) target_semaphore(%arg18 : memref<!tpu.dma_semaphore, #tpu.memory_space<semaphore_mem>>)
    %scan3A = arith.constant 0 : i32
    %scan3A_50 = arith.constant 0 : i32
    %scan3A_51 = arith.constant 21 : i32
    %scan3A_52 = arith.addi %scan3A_50, %scan3A_51 : i32
    %scan3A_53 = arith.constant 1 : i32
    scf.for %scan3A_100 = %scan3A_50 to %scan3A_52 step %scan3A_53  : i32 {
      %mul3A_101 = arith.constant 3 : i32
      %mul3A_102 = arith.muli %mul3A_101, %scan3A_100 : i32
      %add3A_103 = arith.constant 0 : i32
      %add3A_104 = arith.addi %mul3A_102, %add3A_103 : i32
      %mul3A_105 = arith.constant 8 : i32
      %mul3A_106 = arith.muli %add3A_104, %mul3A_105 : i32
      %add3A_107 = arith.addi %mul3A_2, %mul3A_106 : i32
      %mul3A_108 = arith.constant 4096 : i32
      %mul3A_109 = arith.muli %add3A_107, %mul3A_108 : i32
      %mul3A_110 = arith.constant 409 : i32
      %mul3A_111 = arith.muli %add3A_107, %mul3A_110 : i32
      %mul3A_112 = arith.constant 409 : i32
      %mul3A_113 = arith.muli %add3A_107, %mul3A_112 : i32
      %dma_wait3A_114 = tpu.memref_slice %arg2[%mul3A_109] : memref<67108864xf32, #tpu.memory_space<hbm>> -> memref<32768xf32, #tpu.memory_space<hbm>>
      %dma_wait3A_115 = tpu.memref_slice %arg2[%mul3A_109] : memref<67108864xf32, #tpu.memory_space<hbm>> -> memref<32768xf32, #tpu.memory_space<hbm>>
      tpu.wait_dma2 semaphore(%arg9 : memref<!tpu.dma_semaphore, #tpu.memory_space<semaphore_mem>>) src(%dma_wait3A_115 : memref<32768xf32, #tpu.memory_space<hbm>>) dst(%arg6 : memref<32768xf32, #tpu.memory_space<vmem>>)
      %dma_wait3A_116 = arith.constant 0 : i32
      %dma_wait3A_117 = tpu.memref_slice %arg7[%dma_wait3A_116] : memref<3280xi32, #tpu.memory_space<vmem>> -> memref<3272xi32, #tpu.memory_space<vmem>>
      %dma_wait3A_118 = tpu.memref_slice %arg3[%mul3A_111] : memref<6701056xi32, #tpu.memory_space<hbm>> -> memref<3272xi32, #tpu.memory_space<hbm>>
      %dma_wait3A_119 = arith.constant 0 : i32
      %dma_wait3A_120 = tpu.memref_slice %arg7[%dma_wait3A_119] : memref<3280xi32, #tpu.memory_space<vmem>> -> memref<3272xi32, #tpu.memory_space<vmem>>
      %dma_wait3A_121 = tpu.memref_slice %arg3[%mul3A_111] : memref<6701056xi32, #tpu.memory_space<hbm>> -> memref<3272xi32, #tpu.memory_space<hbm>>
      tpu.wait_dma2 semaphore(%arg10 : memref<!tpu.dma_semaphore, #tpu.memory_space<semaphore_mem>>) src(%dma_wait3A_121 : memref<3272xi32, #tpu.memory_space<hbm>>) dst(%dma_wait3A_120 : memref<3272xi32, #tpu.memory_space<vmem>>)
      %dma_wait3A_122 = arith.constant 0 : i32
      %dma_wait3A_123 = tpu.memref_slice %arg8[%dma_wait3A_122] : memref<3280xf32, #tpu.memory_space<vmem>> -> memref<3272xf32, #tpu.memory_space<vmem>>
      %dma_wait3A_124 = tpu.memref_slice %arg4[%mul3A_113] : memref<6701056xf32, #tpu.memory_space<hbm>> -> memref<3272xf32, #tpu.memory_space<hbm>>
      %dma_wait3A_125 = arith.constant 0 : i32
      %dma_wait3A_126 = tpu.memref_slice %arg8[%dma_wait3A_125] : memref<3280xf32, #tpu.memory_space<vmem>> -> memref<3272xf32, #tpu.memory_space<vmem>>
      %dma_wait3A_127 = tpu.memref_slice %arg4[%mul3A_113] : memref<6701056xf32, #tpu.memory_space<hbm>> -> memref<3272xf32, #tpu.memory_space<hbm>>
      tpu.wait_dma2 semaphore(%arg11 : memref<!tpu.dma_semaphore, #tpu.memory_space<semaphore_mem>>) src(%dma_wait3A_127 : memref<3272xf32, #tpu.memory_space<hbm>>) dst(%dma_wait3A_126 : memref<3272xf32, #tpu.memory_space<vmem>>)
      %scan3A_128 = arith.constant 0 : i32
      %scan3A_129 = arith.constant 0 : i32
      %scan3A_130 = arith.constant 8 : i32
      %scan3A_131 = arith.addi %scan3A_129, %scan3A_130 : i32
      %scan3A_132 = arith.constant 1 : i32
      scf.for %scan3A_247 = %scan3A_129 to %scan3A_131 step %scan3A_132  : i32 {
        %mul3A_248 = arith.constant 409 : i32
        %mul3A_249 = arith.muli %scan3A_247, %mul3A_248 : i32
        %add3A_250 = arith.constant 0 : i32
        %add3A_251 = arith.addi %mul3A_249, %add3A_250 : i32
        %get3A = arith.index_cast %add3A_251 : i32 to index
        %get3A_252 = tpu.vector_load %arg7[%get3A] {strides = array<i32>} : memref<3280xi32, #tpu.memory_space<vmem>>, vector<16xi32>,
        %add3A_253 = arith.constant 0 : i32
        %add3A_254 = arith.addi %mul3A_249, %add3A_253 : i32
        %add3A_255 = arith.constant 1 : i32
        %add3A_256 = arith.addi %add3A_254, %add3A_255 : i32
        %get3A_257 = arith.index_cast %add3A_256 : i32 to index
        %get3A_258 = tpu.vector_load %arg7[%get3A_257] {strides = array<i32>} : memref<3280xi32, #tpu.memory_space<vmem>>, vector<16xi32>,
        %add3A_259 = arith.constant 0 : i32
        %add3A_260 = arith.addi %mul3A_249, %add3A_259 : i32
        %get3A_261 = arith.index_cast %add3A_260 : i32 to index
        %get3A_262 = tpu.vector_load %arg8[%get3A_261] {strides = array<i32>} : memref<3280xf32, #tpu.memory_space<vmem>>, vector<16xf32>,
        %ne3A = arith.cmpi ne, %get3A_252, %get3A_258 : vector<16xi32>
        %and3A = arith.constant 32767 : i32
        %and3A_263 = vector.broadcast %and3A : i32 to vector<16xi32>
        %and3A_264 = arith.andi %get3A_252, %and3A_263 : vector<16xi32>
        tpu.vector_store_idx %arg6[%and3A_264], %get3A_262 masked %ne3A : memref<32768xf32, #tpu.memory_space<vmem>>[vector<16xi32>], vector<16xf32>, vector<16xi1>
        %add3A_265 = arith.constant 16 : i32
        %add3A_266 = arith.addi %mul3A_249, %add3A_265 : i32
        %get3A_267 = arith.index_cast %add3A_266 : i32 to index
        %get3A_268 = tpu.vector_load %arg7[%get3A_267] {strides = array<i32>} : memref<3280xi32, #tpu.memory_space<vmem>>, vector<16xi32>,
        %add3A_269 = arith.constant 16 : i32
        %add3A_270 = arith.addi %mul3A_249, %add3A_269 : i32
        %add3A_271 = arith.constant 1 : i32
        %add3A_272 = arith.addi %add3A_270, %add3A_271 : i32
        %get3A_273 = arith.index_cast %add3A_272 : i32 to index
        %get3A_274 = tpu.vector_load %arg7[%get3A_273] {strides = array<i32>} : memref<3280xi32, #tpu.memory_space<vmem>>, vector<16xi32>,
        %add3A_275 = arith.constant 16 : i32
        %add3A_276 = arith.addi %mul3A_249, %add3A_275 : i32
        %get3A_277 = arith.index_cast %add3A_276 : i32 to index
        %get3A_278 = tpu.vector_load %arg8[%get3A_277] {strides = array<i32>} : memref<3280xf32, #tpu.memory_space<vmem>>, vector<16xf32>,
        %ne3A_279 = arith.cmpi ne, %get3A_268, %get3A_274 : vector<16xi32>
        %and3A_280 = arith.constant 32767 : i32
        %and3A_281 = vector.broadcast %and3A_280 : i32 to vector<16xi32>
        %and3A_282 = arith.andi %get3A_268, %and3A_281 : vector<16xi32>
        tpu.vector_store_idx %arg6[%and3A_282], %get3A_278 masked %ne3A_279 : memref<32768xf32, #tpu.memory_space<vmem>>[vector<16xi32>], vector<16xf32>, vector<16xi1>
        %add3A_283 = arith.constant 32 : i32
        %add3A_284 = arith.addi %mul3A_249, %add3A_283 : i32
        %get3A_285 = arith.index_cast %add3A_284 : i32 to index
        %get3A_286 = tpu.vector_load %arg7[%get3A_285] {strides = array<i32>} : memref<3280xi32, #tpu.memory_space<vmem>>, vector<16xi32>,
        %add3A_287 = arith.constant 32 : i32
        %add3A_288 = arith.addi %mul3A_249, %add3A_287 : i32
        %add3A_289 = arith.constant 1 : i32
        %add3A_290 = arith.addi %add3A_288, %add3A_289 : i32
        %get3A_291 = arith.index_cast %add3A_290 : i32 to index
        %get3A_292 = tpu.vector_load %arg7[%get3A_291] {strides = array<i32>} : memref<3280xi32, #tpu.memory_space<vmem>>, vector<16xi32>,
        %add3A_293 = arith.constant 32 : i32
        %add3A_294 = arith.addi %mul3A_249, %add3A_293 : i32
        %get3A_295 = arith.index_cast %add3A_294 : i32 to index
        %get3A_296 = tpu.vector_load %arg8[%get3A_295] {strides = array<i32>} : memref<3280xf32, #tpu.memory_space<vmem>>, vector<16xf32>,
        %ne3A_297 = arith.cmpi ne, %get3A_286, %get3A_292 : vector<16xi32>
        %and3A_298 = arith.constant 32767 : i32
        %and3A_299 = vector.broadcast %and3A_298 : i32 to vector<16xi32>
        %and3A_300 = arith.andi %get3A_286, %and3A_299 : vector<16xi32>
        tpu.vector_store_idx %arg6[%and3A_300], %get3A_296 masked %ne3A_297 : memref<32768xf32, #tpu.memory_space<vmem>>[vector<16xi32>], vector<16xf32>, vector<16xi1>
        %add3A_301 = arith.constant 48 : i32
        %add3A_302 = arith.addi %mul3A_249, %add3A_301 : i32
        %get3A_303 = arith.index_cast %add3A_302 : i32 to index
        %get3A_304 = tpu.vector_load %arg7[%get3A_303] {strides = array<i32>} : memref<3280xi32, #tpu.memory_space<vmem>>, vector<16xi32>,
        %add3A_305 = arith.constant 48 : i32
        %add3A_306 = arith.addi %mul3A_249, %add3A_305 : i32
        %add3A_307 = arith.constant 1 : i32
        %add3A_308 = arith.addi %add3A_306, %add3A_307 : i32
        %get3A_309 = arith.index_cast %add3A_308 : i32 to index
        %get3A_310 = tpu.vector_load %arg7[%get3A_309] {strides = array<i32>} : memref<3280xi32, #tpu.memory_space<vmem>>, vector<16xi32>,
        %add3A_311 = arith.constant 48 : i32
        %add3A_312 = arith.addi %mul3A_249, %add3A_311 : i32
        %get3A_313 = arith.index_cast %add3A_312 : i32 to index
        %get3A_314 = tpu.vector_load %arg8[%get3A_313] {strides = array<i32>} : memref<3280xf32, #tpu.memory_space<vmem>>, vector<16xf32>,
        %ne3A_315 = arith.cmpi ne, %get3A_304, %get3A_310 : vector<16xi32>
        %and3A_316 = arith.constant 32767 : i32
        %and3A_317 = vector.broadcast %and3A_316 : i32 to vector<16xi32>
        %and3A_318 = arith.andi %get3A_304, %and3A_317 : vector<16xi32>
        tpu.vector_store_idx %arg6[%and3A_318], %get3A_314 masked %ne3A_315 : memref<32768xf32, #tpu.memory_space<vmem>>[vector<16xi32>], vector<16xf32>, vector<16xi1>
        %add3A_319 = arith.constant 64 : i32
        %add3A_320 = arith.addi %mul3A_249, %add3A_319 : i32
        %get3A_321 = arith.index_cast %add3A_320 : i32 to index
        %get3A_322 = tpu.vector_load %arg7[%get3A_321] {strides = array<i32>} : memref<3280xi32, #tpu.memory_space<vmem>>, vector<16xi32>,
        %add3A_323 = arith.constant 64 : i32
        %add3A_324 = arith.addi %mul3A_249, %add3A_323 : i32
        %add3A_325 = arith.constant 1 : i32
        %add3A_326 = arith.addi %add3A_324, %add3A_325 : i32
        %get3A_327 = arith.index_cast %add3A_326 : i32 to index
        %get3A_328 = tpu.vector_load %arg7[%get3A_327] {strides = array<i32>} : memref<3280xi32, #tpu.memory_space<vmem>>, vector<16xi32>,
        %add3A_329 = arith.constant 64 : i32
        %add3A_330 = arith.addi %mul3A_249, %add3A_329 : i32
        %get3A_331 = arith.index_cast %add3A_330 : i32 to index
        %get3A_332 = tpu.vector_load %arg8[%get3A_331] {strides = array<i32>} : memref<3280xf32, #tpu.memory_space<vmem>>, vector<16xf32>,
        %ne3A_333 = arith.cmpi ne, %get3A_322, %get3A_328 : vector<16xi32>
        %and3A_334 = arith.constant 32767 : i32
        %and3A_335 = vector.broadcast %and3A_334 : i32 to vector<16xi32>
        %and3A_336 = arith.andi %get3A_322, %and3A_335 : vector<16xi32>
        tpu.vector_store_idx %arg6[%and3A_336], %get3A_332 masked %ne3A_333 : memref<32768xf32, #tpu.memory_space<vmem>>[vector<16xi32>], vector<16xf32>, vector<16xi1>
        %add3A_337 = arith.constant 80 : i32
        %add3A_338 = arith.addi %mul3A_249, %add3A_337 : i32
        %get3A_339 = arith.index_cast %add3A_338 : i32 to index
        %get3A_340 = tpu.vector_load %arg7[%get3A_339] {strides = array<i32>} : memref<3280xi32, #tpu.memory_space<vmem>>, vector<16xi32>,
        %add3A_341 = arith.constant 80 : i32
        %add3A_342 = arith.addi %mul3A_249, %add3A_341 : i32
        %add3A_343 = arith.constant 1 : i32
        %add3A_344 = arith.addi %add3A_342, %add3A_343 : i32
        %get3A_345 = arith.index_cast %add3A_344 : i32 to index
        %get3A_346 = tpu.vector_load %arg7[%get3A_345] {strides = array<i32>} : memref<3280xi32, #tpu.memory_space<vmem>>, vector<16xi32>,
        %add3A_347 = arith.constant 80 : i32
        %add3A_348 = arith.addi %mul3A_249, %add3A_347 : i32
        %get3A_349 = arith.index_cast %add3A_348 : i32 to index
        %get3A_350 = tpu.vector_load %arg8[%get3A_349] {strides = array<i32>} : memref<3280xf32, #tpu.memory_space<vmem>>, vector<16xf32>,
        %ne3A_351 = arith.cmpi ne, %get3A_340, %get3A_346 : vector<16xi32>
        %and3A_352 = arith.constant 32767 : i32
        %and3A_353 = vector.broadcast %and3A_352 : i32 to vector<16xi32>
        %and3A_354 = arith.andi %get3A_340, %and3A_353 : vector<16xi32>
        tpu.vector_store_idx %arg6[%and3A_354], %get3A_350 masked %ne3A_351 : memref<32768xf32, #tpu.memory_space<vmem>>[vector<16xi32>], vector<16xf32>, vector<16xi1>
        %add3A_355 = arith.constant 96 : i32
        %add3A_356 = arith.addi %mul3A_249, %add3A_355 : i32
        %get3A_357 = arith.index_cast %add3A_356 : i32 to index
        %get3A_358 = tpu.vector_load %arg7[%get3A_357] {strides = array<i32>} : memref<3280xi32, #tpu.memory_space<vmem>>, vector<16xi32>,
        %add3A_359 = arith.constant 96 : i32
        %add3A_360 = arith.addi %mul3A_249, %add3A_359 : i32
        %add3A_361 = arith.constant 1 : i32
        %add3A_362 = arith.addi %add3A_360, %add3A_361 : i32
        %get3A_363 = arith.index_cast %add3A_362 : i32 to index
        %get3A_364 = tpu.vector_load %arg7[%get3A_363] {strides = array<i32>} : memref<3280xi32, #tpu.memory_space<vmem>>, vector<16xi32>,
        %add3A_365 = arith.constant 96 : i32
        %add3A_366 = arith.addi %mul3A_249, %add3A_365 : i32
        %get3A_367 = arith.index_cast %add3A_366 : i32 to index
        %get3A_368 = tpu.vector_load %arg8[%get3A_367] {strides = array<i32>} : memref<3280xf32, #tpu.memory_space<vmem>>, vector<16xf32>,
        %ne3A_369 = arith.cmpi ne, %get3A_358, %get3A_364 : vector<16xi32>
        %and3A_370 = arith.constant 32767 : i32
        %and3A_371 = vector.broadcast %and3A_370 : i32 to vector<16xi32>
        %and3A_372 = arith.andi %get3A_358, %and3A_371 : vector<16xi32>
        tpu.vector_store_idx %arg6[%and3A_372], %get3A_368 masked %ne3A_369 : memref<32768xf32, #tpu.memory_space<vmem>>[vector<16xi32>], vector<16xf32>, vector<16xi1>
        %add3A_373 = arith.constant 112 : i32
        %add3A_374 = arith.addi %mul3A_249, %add3A_373 : i32
        %get3A_375 = arith.index_cast %add3A_374 : i32 to index
        %get3A_376 = tpu.vector_load %arg7[%get3A_375] {strides = array<i32>} : memref<3280xi32, #tpu.memory_space<vmem>>, vector<16xi32>,
        %add3A_377 = arith.constant 112 : i32
        %add3A_378 = arith.addi %mul3A_249, %add3A_377 : i32
        %add3A_379 = arith.constant 1 : i32
        %add3A_380 = arith.addi %add3A_378, %add3A_379 : i32
        %get3A_381 = arith.index_cast %add3A_380 : i32 to index
        %get3A_382 = tpu.vector_load %arg7[%get3A_381] {strides = array<i32>} : memref<3280xi32, #tpu.memory_space<vmem>>, vector<16xi32>,
        %add3A_383 = arith.constant 112 : i32
        %add3A_384 = arith.addi %mul3A_249, %add3A_383 : i32
        %get3A_385 = arith.index_cast %add3A_384 : i32 to index
        %get3A_386 = tpu.vector_load %arg8[%get3A_385] {strides = array<i32>} : memref<3280xf32, #tpu.memory_space<vmem>>, vector<16xf32>,
        %ne3A_387 = arith.cmpi ne, %get3A_376, %get3A_382 : vector<16xi32>
        %and3A_388 = arith.constant 32767 : i32
        %and3A_389 = vector.broadcast %and3A_388 : i32 to vector<16xi32>
        %and3A_390 = arith.andi %get3A_376, %and3A_389 : vector<16xi32>
        tpu.vector_store_idx %arg6[%and3A_390], %get3A_386 masked %ne3A_387 : memref<32768xf32, #tpu.memory_space<vmem>>[vector<16xi32>], vector<16xf32>, vector<16xi1>
        %add3A_391 = arith.constant 128 : i32
        %add3A_392 = arith.addi %mul3A_249, %add3A_391 : i32
        %get3A_393 = arith.index_cast %add3A_392 : i32 to index
        %get3A_394 = tpu.vector_load %arg7[%get3A_393] {strides = array<i32>} : memref<3280xi32, #tpu.memory_space<vmem>>, vector<16xi32>,
        %add3A_395 = arith.constant 128 : i32
        %add3A_396 = arith.addi %mul3A_249, %add3A_395 : i32
        %add3A_397 = arith.constant 1 : i32
        %add3A_398 = arith.addi %add3A_396, %add3A_397 : i32
        %get3A_399 = arith.index_cast %add3A_398 : i32 to index
        %get3A_400 = tpu.vector_load %arg7[%get3A_399] {strides = array<i32>} : memref<3280xi32, #tpu.memory_space<vmem>>, vector<16xi32>,
        %add3A_401 = arith.constant 128 : i32
        %add3A_402 = arith.addi %mul3A_249, %add3A_401 : i32
        %get3A_403 = arith.index_cast %add3A_402 : i32 to index
        %get3A_404 = tpu.vector_load %arg8[%get3A_403] {strides = array<i32>} : memref<3280xf32, #tpu.memory_space<vmem>>, vector<16xf32>,
        %ne3A_405 = arith.cmpi ne, %get3A_394, %get3A_400 : vector<16xi32>
        %and3A_406 = arith.constant 32767 : i32
        %and3A_407 = vector.broadcast %and3A_406 : i32 to vector<16xi32>
        %and3A_408 = arith.andi %get3A_394, %and3A_407 : vector<16xi32>
        tpu.vector_store_idx %arg6[%and3A_408], %get3A_404 masked %ne3A_405 : memref<32768xf32, #tpu.memory_space<vmem>>[vector<16xi32>], vector<16xf32>, vector<16xi1>
        %add3A_409 = arith.constant 144 : i32
        %add3A_410 = arith.addi %mul3A_249, %add3A_409 : i32
        %get3A_411 = arith.index_cast %add3A_410 : i32 to index
        %get3A_412 = tpu.vector_load %arg7[%get3A_411] {strides = array<i32>} : memref<3280xi32, #tpu.memory_space<vmem>>, vector<16xi32>,
        %add3A_413 = arith.constant 144 : i32
        %add3A_414 = arith.addi %mul3A_249, %add3A_413 : i32
        %add3A_415 = arith.constant 1 : i32
        %add3A_416 = arith.addi %add3A_414, %add3A_415 : i32
        %get3A_417 = arith.index_cast %add3A_416 : i32 to index
        %get3A_418 = tpu.vector_load %arg7[%get3A_417] {strides = array<i32>} : memref<3280xi32, #tpu.memory_space<vmem>>, vector<16xi32>,
        %add3A_419 = arith.constant 144 : i32
        %add3A_420 = arith.addi %mul3A_249, %add3A_419 : i32
        %get3A_421 = arith.index_cast %add3A_420 : i32 to index
        %get3A_422 = tpu.vector_load %arg8[%get3A_421] {strides = array<i32>} : memref<3280xf32, #tpu.memory_space<vmem>>, vector<16xf32>,
        %ne3A_423 = arith.cmpi ne, %get3A_412, %get3A_418 : vector<16xi32>
        %and3A_424 = arith.constant 32767 : i32
        %and3A_425 = vector.broadcast %and3A_424 : i32 to vector<16xi32>
        %and3A_426 = arith.andi %get3A_412, %and3A_425 : vector<16xi32>
        tpu.vector_store_idx %arg6[%and3A_426], %get3A_422 masked %ne3A_423 : memref<32768xf32, #tpu.memory_space<vmem>>[vector<16xi32>], vector<16xf32>, vector<16xi1>
        %add3A_427 = arith.constant 160 : i32
        %add3A_428 = arith.addi %mul3A_249, %add3A_427 : i32
        %get3A_429 = arith.index_cast %add3A_428 : i32 to index
        %get3A_430 = tpu.vector_load %arg7[%get3A_429] {strides = array<i32>} : memref<3280xi32, #tpu.memory_space<vmem>>, vector<16xi32>,
        %add3A_431 = arith.constant 160 : i32
        %add3A_432 = arith.addi %mul3A_249, %add3A_431 : i32
        %add3A_433 = arith.constant 1 : i32
        %add3A_434 = arith.addi %add3A_432, %add3A_433 : i32
        %get3A_435 = arith.index_cast %add3A_434 : i32 to index
        %get3A_436 = tpu.vector_load %arg7[%get3A_435] {strides = array<i32>} : memref<3280xi32, #tpu.memory_space<vmem>>, vector<16xi32>,
        %add3A_437 = arith.constant 160 : i32
        %add3A_438 = arith.addi %mul3A_249, %add3A_437 : i32
        %get3A_439 = arith.index_cast %add3A_438 : i32 to index
        %get3A_440 = tpu.vector_load %arg8[%get3A_439] {strides = array<i32>} : memref<3280xf32, #tpu.memory_space<vmem>>, vector<16xf32>,
        %ne3A_441 = arith.cmpi ne, %get3A_430, %get3A_436 : vector<16xi32>
        %and3A_442 = arith.constant 32767 : i32
        %and3A_443 = vector.broadcast %and3A_442 : i32 to vector<16xi32>
        %and3A_444 = arith.andi %get3A_430, %and3A_443 : vector<16xi32>
        tpu.vector_store_idx %arg6[%and3A_444], %get3A_440 masked %ne3A_441 : memref<32768xf32, #tpu.memory_space<vmem>>[vector<16xi32>], vector<16xf32>, vector<16xi1>
        %add3A_445 = arith.constant 176 : i32
        %add3A_446 = arith.addi %mul3A_249, %add3A_445 : i32
        %get3A_447 = arith.index_cast %add3A_446 : i32 to index
        %get3A_448 = tpu.vector_load %arg7[%get3A_447] {strides = array<i32>} : memref<3280xi32, #tpu.memory_space<vmem>>, vector<16xi32>,
        %add3A_449 = arith.constant 176 : i32
        %add3A_450 = arith.addi %mul3A_249, %add3A_449 : i32
        %add3A_451 = arith.constant 1 : i32
        %add3A_452 = arith.addi %add3A_450, %add3A_451 : i32
        %get3A_453 = arith.index_cast %add3A_452 : i32 to index
        %get3A_454 = tpu.vector_load %arg7[%get3A_453] {strides = array<i32>} : memref<3280xi32, #tpu.memory_space<vmem>>, vector<16xi32>,
        %add3A_455 = arith.constant 176 : i32
        %add3A_456 = arith.addi %mul3A_249, %add3A_455 : i32
        %get3A_457 = arith.index_cast %add3A_456 : i32 to index
        %get3A_458 = tpu.vector_load %arg8[%get3A_457] {strides = array<i32>} : memref<3280xf32, #tpu.memory_space<vmem>>, vector<16xf32>,
        %ne3A_459 = arith.cmpi ne, %get3A_448, %get3A_454 : vector<16xi32>
        %and3A_460 = arith.constant 32767 : i32
        %and3A_461 = vector.broadcast %and3A_460 : i32 to vector<16xi32>
        %and3A_462 = arith.andi %get3A_448, %and3A_461 : vector<16xi32>
        tpu.vector_store_idx %arg6[%and3A_462], %get3A_458 masked %ne3A_459 : memref<32768xf32, #tpu.memory_space<vmem>>[vector<16xi32>], vector<16xf32>, vector<16xi1>
        %add3A_463 = arith.constant 192 : i32
        %add3A_464 = arith.addi %mul3A_249, %add3A_463 : i32
        %get3A_465 = arith.index_cast %add3A_464 : i32 to index
        %get3A_466 = tpu.vector_load %arg7[%get3A_465] {strides = array<i32>} : memref<3280xi32, #tpu.memory_space<vmem>>, vector<16xi32>,
        %add3A_467 = arith.constant 192 : i32
        %add3A_468 = arith.addi %mul3A_249, %add3A_467 : i32
        %add3A_469 = arith.constant 1 : i32
        %add3A_470 = arith.addi %add3A_468, %add3A_469 : i32
        %get3A_471 = arith.index_cast %add3A_470 : i32 to index
        %get3A_472 = tpu.vector_load %arg7[%get3A_471] {strides = array<i32>} : memref<3280xi32, #tpu.memory_space<vmem>>, vector<16xi32>,
        %add3A_473 = arith.constant 192 : i32
        %add3A_474 = arith.addi %mul3A_249, %add3A_473 : i32
        %get3A_475 = arith.index_cast %add3A_474 : i32 to index
        %get3A_476 = tpu.vector_load %arg8[%get3A_475] {strides = array<i32>} : memref<3280xf32, #tpu.memory_space<vmem>>, vector<16xf32>,
        %ne3A_477 = arith.cmpi ne, %get3A_466, %get3A_472 : vector<16xi32>
        %and3A_478 = arith.constant 32767 : i32
        %and3A_479 = vector.broadcast %and3A_478 : i32 to vector<16xi32>
        %and3A_480 = arith.andi %get3A_466, %and3A_479 : vector<16xi32>
        tpu.vector_store_idx %arg6[%and3A_480], %get3A_476 masked %ne3A_477 : memref<32768xf32, #tpu.memory_space<vmem>>[vector<16xi32>], vector<16xf32>, vector<16xi1>
        %add3A_481 = arith.constant 208 : i32
        %add3A_482 = arith.addi %mul3A_249, %add3A_481 : i32
        %get3A_483 = arith.index_cast %add3A_482 : i32 to index
        %get3A_484 = tpu.vector_load %arg7[%get3A_483] {strides = array<i32>} : memref<3280xi32, #tpu.memory_space<vmem>>, vector<16xi32>,
        %add3A_485 = arith.constant 208 : i32
        %add3A_486 = arith.addi %mul3A_249, %add3A_485 : i32
        %add3A_487 = arith.constant 1 : i32
        %add3A_488 = arith.addi %add3A_486, %add3A_487 : i32
        %get3A_489 = arith.index_cast %add3A_488 : i32 to index
        %get3A_490 = tpu.vector_load %arg7[%get3A_489] {strides = array<i32>} : memref<3280xi32, #tpu.memory_space<vmem>>, vector<16xi32>,
        %add3A_491 = arith.constant 208 : i32
        %add3A_492 = arith.addi %mul3A_249, %add3A_491 : i32
        %get3A_493 = arith.index_cast %add3A_492 : i32 to index
        %get3A_494 = tpu.vector_load %arg8[%get3A_493] {strides = array<i32>} : memref<3280xf32, #tpu.memory_space<vmem>>, vector<16xf32>,
        %ne3A_495 = arith.cmpi ne, %get3A_484, %get3A_490 : vector<16xi32>
        %and3A_496 = arith.constant 32767 : i32
        %and3A_497 = vector.broadcast %and3A_496 : i32 to vector<16xi32>
        %and3A_498 = arith.andi %get3A_484, %and3A_497 : vector<16xi32>
        tpu.vector_store_idx %arg6[%and3A_498], %get3A_494 masked %ne3A_495 : memref<32768xf32, #tpu.memory_space<vmem>>[vector<16xi32>], vector<16xf32>, vector<16xi1>
        %add3A_499 = arith.constant 224 : i32
        %add3A_500 = arith.addi %mul3A_249, %add3A_499 : i32
        %get3A_501 = arith.index_cast %add3A_500 : i32 to index
        %get3A_502 = tpu.vector_load %arg7[%get3A_501] {strides = array<i32>} : memref<3280xi32, #tpu.memory_space<vmem>>, vector<16xi32>,
        %add3A_503 = arith.constant 224 : i32
        %add3A_504 = arith.addi %mul3A_249, %add3A_503 : i32
        %add3A_505 = arith.constant 1 : i32
        %add3A_506 = arith.addi %add3A_504, %add3A_505 : i32
        %get3A_507 = arith.index_cast %add3A_506 : i32 to index
        %get3A_508 = tpu.vector_load %arg7[%get3A_507] {strides = array<i32>} : memref<3280xi32, #tpu.memory_space<vmem>>, vector<16xi32>,
        %add3A_509 = arith.constant 224 : i32
        %add3A_510 = arith.addi %mul3A_249, %add3A_509 : i32
        %get3A_511 = arith.index_cast %add3A_510 : i32 to index
        %get3A_512 = tpu.vector_load %arg8[%get3A_511] {strides = array<i32>} : memref<3280xf32, #tpu.memory_space<vmem>>, vector<16xf32>,
        %ne3A_513 = arith.cmpi ne, %get3A_502, %get3A_508 : vector<16xi32>
        %and3A_514 = arith.constant 32767 : i32
        %and3A_515 = vector.broadcast %and3A_514 : i32 to vector<16xi32>
        %and3A_516 = arith.andi %get3A_502, %and3A_515 : vector<16xi32>
        tpu.vector_store_idx %arg6[%and3A_516], %get3A_512 masked %ne3A_513 : memref<32768xf32, #tpu.memory_space<vmem>>[vector<16xi32>], vector<16xf32>, vector<16xi1>
        %add3A_517 = arith.constant 240 : i32
        %add3A_518 = arith.addi %mul3A_249, %add3A_517 : i32
        %get3A_519 = arith.index_cast %add3A_518 : i32 to index
        %get3A_520 = tpu.vector_load %arg7[%get3A_519] {strides = array<i32>} : memref<3280xi32, #tpu.memory_space<vmem>>, vector<16xi32>,
        %add3A_521 = arith.constant 240 : i32
        %add3A_522 = arith.addi %mul3A_249, %add3A_521 : i32
        %add3A_523 = arith.constant 1 : i32
        %add3A_524 = arith.addi %add3A_522, %add3A_523 : i32
        %get3A_525 = arith.index_cast %add3A_524 : i32 to index
        %get3A_526 = tpu.vector_load %arg7[%get3A_525] {strides = array<i32>} : memref<3280xi32, #tpu.memory_space<vmem>>, vector<16xi32>,
        %add3A_527 = arith.constant 240 : i32
        %add3A_528 = arith.addi %mul3A_249, %add3A_527 : i32
        %get3A_529 = arith.index_cast %add3A_528 : i32 to index
        %get3A_530 = tpu.vector_load %arg8[%get3A_529] {strides = array<i32>} : memref<3280xf32, #tpu.memory_space<vmem>>, vector<16xf32>,
        %ne3A_531 = arith.cmpi ne, %get3A_520, %get3A_526 : vector<16xi32>
        %and3A_532 = arith.constant 32767 : i32
        %and3A_533 = vector.broadcast %and3A_532 : i32 to vector<16xi32>
        %and3A_534 = arith.andi %get3A_520, %and3A_533 : vector<16xi32>
        tpu.vector_store_idx %arg6[%and3A_534], %get3A_530 masked %ne3A_531 : memref<32768xf32, #tpu.memory_space<vmem>>[vector<16xi32>], vector<16xf32>, vector<16xi1>
        %add3A_535 = arith.constant 256 : i32
        %add3A_536 = arith.addi %mul3A_249, %add3A_535 : i32
        %get3A_537 = arith.index_cast %add3A_536 : i32 to index
        %get3A_538 = tpu.vector_load %arg7[%get3A_537] {strides = array<i32>} : memref<3280xi32, #tpu.memory_space<vmem>>, vector<16xi32>,
        %add3A_539 = arith.constant 256 : i32
        %add3A_540 = arith.addi %mul3A_249, %add3A_539 : i32
        %add3A_541 = arith.constant 1 : i32
        %add3A_542 = arith.addi %add3A_540, %add3A_541 : i32
        %get3A_543 = arith.index_cast %add3A_542 : i32 to index
        %get3A_544 = tpu.vector_load %arg7[%get3A_543] {strides = array<i32>} : memref<3280xi32, #tpu.memory_space<vmem>>, vector<16xi32>,
        %add3A_545 = arith.constant 256 : i32
        %add3A_546 = arith.addi %mul3A_249, %add3A_545 : i32
        %get3A_547 = arith.index_cast %add3A_546 : i32 to index
        %get3A_548 = tpu.vector_load %arg8[%get3A_547] {strides = array<i32>} : memref<3280xf32, #tpu.memory_space<vmem>>, vector<16xf32>,
        %ne3A_549 = arith.cmpi ne, %get3A_538, %get3A_544 : vector<16xi32>
        %and3A_550 = arith.constant 32767 : i32
        %and3A_551 = vector.broadcast %and3A_550 : i32 to vector<16xi32>
        %and3A_552 = arith.andi %get3A_538, %and3A_551 : vector<16xi32>
        tpu.vector_store_idx %arg6[%and3A_552], %get3A_548 masked %ne3A_549 : memref<32768xf32, #tpu.memory_space<vmem>>[vector<16xi32>], vector<16xf32>, vector<16xi1>
        %add3A_553 = arith.constant 272 : i32
        %add3A_554 = arith.addi %mul3A_249, %add3A_553 : i32
        %get3A_555 = arith.index_cast %add3A_554 : i32 to index
        %get3A_556 = tpu.vector_load %arg7[%get3A_555] {strides = array<i32>} : memref<3280xi32, #tpu.memory_space<vmem>>, vector<16xi32>,
        %add3A_557 = arith.constant 272 : i32
        %add3A_558 = arith.addi %mul3A_249, %add3A_557 : i32
        %add3A_559 = arith.constant 1 : i32
        %add3A_560 = arith.addi %add3A_558, %add3A_559 : i32
        %get3A_561 = arith.index_cast %add3A_560 : i32 to index
        %get3A_562 = tpu.vector_load %arg7[%get3A_561] {strides = array<i32>} : memref<3280xi32, #tpu.memory_space<vmem>>, vector<16xi32>,
        %add3A_563 = arith.constant 272 : i32
        %add3A_564 = arith.addi %mul3A_249, %add3A_563 : i32
        %get3A_565 = arith.index_cast %add3A_564 : i32 to index
        %get3A_566 = tpu.vector_load %arg8[%get3A_565] {strides = array<i32>} : memref<3280xf32, #tpu.memory_space<vmem>>, vector<16xf32>,
        %ne3A_567 = arith.cmpi ne, %get3A_556, %get3A_562 : vector<16xi32>
        %and3A_568 = arith.constant 32767 : i32
        %and3A_569 = vector.broadcast %and3A_568 : i32 to vector<16xi32>
        %and3A_570 = arith.andi %get3A_556, %and3A_569 : vector<16xi32>
        tpu.vector_store_idx %arg6[%and3A_570], %get3A_566 masked %ne3A_567 : memref<32768xf32, #tpu.memory_space<vmem>>[vector<16xi32>], vector<16xf32>, vector<16xi1>
        %add3A_571 = arith.constant 288 : i32
        %add3A_572 = arith.addi %mul3A_249, %add3A_571 : i32
        %get3A_573 = arith.index_cast %add3A_572 : i32 to index
        %get3A_574 = tpu.vector_load %arg7[%get3A_573] {strides = array<i32>} : memref<3280xi32, #tpu.memory_space<vmem>>, vector<16xi32>,
        %add3A_575 = arith.constant 288 : i32
        %add3A_576 = arith.addi %mul3A_249, %add3A_575 : i32
        %add3A_577 = arith.constant 1 : i32
        %add3A_578 = arith.addi %add3A_576, %add3A_577 : i32
        %get3A_579 = arith.index_cast %add3A_578 : i32 to index
        %get3A_580 = tpu.vector_load %arg7[%get3A_579] {strides = array<i32>} : memref<3280xi32, #tpu.memory_space<vmem>>, vector<16xi32>,
        %add3A_581 = arith.constant 288 : i32
        %add3A_582 = arith.addi %mul3A_249, %add3A_581 : i32
        %get3A_583 = arith.index_cast %add3A_582 : i32 to index
        %get3A_584 = tpu.vector_load %arg8[%get3A_583] {strides = array<i32>} : memref<3280xf32, #tpu.memory_space<vmem>>, vector<16xf32>,
        %ne3A_585 = arith.cmpi ne, %get3A_574, %get3A_580 : vector<16xi32>
        %and3A_586 = arith.constant 32767 : i32
        %and3A_587 = vector.broadcast %and3A_586 : i32 to vector<16xi32>
        %and3A_588 = arith.andi %get3A_574, %and3A_587 : vector<16xi32>
        tpu.vector_store_idx %arg6[%and3A_588], %get3A_584 masked %ne3A_585 : memref<32768xf32, #tpu.memory_space<vmem>>[vector<16xi32>], vector<16xf32>, vector<16xi1>
        %add3A_589 = arith.constant 304 : i32
        %add3A_590 = arith.addi %mul3A_249, %add3A_589 : i32
        %get3A_591 = arith.index_cast %add3A_590 : i32 to index
        %get3A_592 = tpu.vector_load %arg7[%get3A_591] {strides = array<i32>} : memref<3280xi32, #tpu.memory_space<vmem>>, vector<16xi32>,
        %add3A_593 = arith.constant 304 : i32
        %add3A_594 = arith.addi %mul3A_249, %add3A_593 : i32
        %add3A_595 = arith.constant 1 : i32
        %add3A_596 = arith.addi %add3A_594, %add3A_595 : i32
        %get3A_597 = arith.index_cast %add3A_596 : i32 to index
        %get3A_598 = tpu.vector_load %arg7[%get3A_597] {strides = array<i32>} : memref<3280xi32, #tpu.memory_space<vmem>>, vector<16xi32>,
        %add3A_599 = arith.constant 304 : i32
        %add3A_600 = arith.addi %mul3A_249, %add3A_599 : i32
        %get3A_601 = arith.index_cast %add3A_600 : i32 to index
        %get3A_602 = tpu.vector_load %arg8[%get3A_601] {strides = array<i32>} : memref<3280xf32, #tpu.memory_space<vmem>>, vector<16xf32>,
        %ne3A_603 = arith.cmpi ne, %get3A_592, %get3A_598 : vector<16xi32>
        %and3A_604 = arith.constant 32767 : i32
        %and3A_605 = vector.broadcast %and3A_604 : i32 to vector<16xi32>
        %and3A_606 = arith.andi %get3A_592, %and3A_605 : vector<16xi32>
        tpu.vector_store_idx %arg6[%and3A_606], %get3A_602 masked %ne3A_603 : memref<32768xf32, #tpu.memory_space<vmem>>[vector<16xi32>], vector<16xf32>, vector<16xi1>
        %add3A_607 = arith.constant 320 : i32
        %add3A_608 = arith.addi %mul3A_249, %add3A_607 : i32
        %get3A_609 = arith.index_cast %add3A_608 : i32 to index
        %get3A_610 = tpu.vector_load %arg7[%get3A_609] {strides = array<i32>} : memref<3280xi32, #tpu.memory_space<vmem>>, vector<16xi32>,
        %add3A_611 = arith.constant 320 : i32
        %add3A_612 = arith.addi %mul3A_249, %add3A_611 : i32
        %add3A_613 = arith.constant 1 : i32
        %add3A_614 = arith.addi %add3A_612, %add3A_613 : i32
        %get3A_615 = arith.index_cast %add3A_614 : i32 to index
        %get3A_616 = tpu.vector_load %arg7[%get3A_615] {strides = array<i32>} : memref<3280xi32, #tpu.memory_space<vmem>>, vector<16xi32>,
        %add3A_617 = arith.constant 320 : i32
        %add3A_618 = arith.addi %mul3A_249, %add3A_617 : i32
        %get3A_619 = arith.index_cast %add3A_618 : i32 to index
        %get3A_620 = tpu.vector_load %arg8[%get3A_619] {strides = array<i32>} : memref<3280xf32, #tpu.memory_space<vmem>>, vector<16xf32>,
        %ne3A_621 = arith.cmpi ne, %get3A_610, %get3A_616 : vector<16xi32>
        %and3A_622 = arith.constant 32767 : i32
        %and3A_623 = vector.broadcast %and3A_622 : i32 to vector<16xi32>
        %and3A_624 = arith.andi %get3A_610, %and3A_623 : vector<16xi32>
        tpu.vector_store_idx %arg6[%and3A_624], %get3A_620 masked %ne3A_621 : memref<32768xf32, #tpu.memory_space<vmem>>[vector<16xi32>], vector<16xf32>, vector<16xi1>
        %add3A_625 = arith.constant 336 : i32
        %add3A_626 = arith.addi %mul3A_249, %add3A_625 : i32
        %get3A_627 = arith.index_cast %add3A_626 : i32 to index
        %get3A_628 = tpu.vector_load %arg7[%get3A_627] {strides = array<i32>} : memref<3280xi32, #tpu.memory_space<vmem>>, vector<16xi32>,
        %add3A_629 = arith.constant 336 : i32
        %add3A_630 = arith.addi %mul3A_249, %add3A_629 : i32
        %add3A_631 = arith.constant 1 : i32
        %add3A_632 = arith.addi %add3A_630, %add3A_631 : i32
        %get3A_633 = arith.index_cast %add3A_632 : i32 to index
        %get3A_634 = tpu.vector_load %arg7[%get3A_633] {strides = array<i32>} : memref<3280xi32, #tpu.memory_space<vmem>>, vector<16xi32>,
        %add3A_635 = arith.constant 336 : i32
        %add3A_636 = arith.addi %mul3A_249, %add3A_635 : i32
        %get3A_637 = arith.index_cast %add3A_636 : i32 to index
        %get3A_638 = tpu.vector_load %arg8[%get3A_637] {strides = array<i32>} : memref<3280xf32, #tpu.memory_space<vmem>>, vector<16xf32>,
        %ne3A_639 = arith.cmpi ne, %get3A_628, %get3A_634 : vector<16xi32>
        %and3A_640 = arith.constant 32767 : i32
        %and3A_641 = vector.broadcast %and3A_640 : i32 to vector<16xi32>
        %and3A_642 = arith.andi %get3A_628, %and3A_641 : vector<16xi32>
        tpu.vector_store_idx %arg6[%and3A_642], %get3A_638 masked %ne3A_639 : memref<32768xf32, #tpu.memory_space<vmem>>[vector<16xi32>], vector<16xf32>, vector<16xi1>
        %add3A_643 = arith.constant 352 : i32
        %add3A_644 = arith.addi %mul3A_249, %add3A_643 : i32
        %get3A_645 = arith.index_cast %add3A_644 : i32 to index
        %get3A_646 = tpu.vector_load %arg7[%get3A_645] {strides = array<i32>} : memref<3280xi32, #tpu.memory_space<vmem>>, vector<16xi32>,
        %add3A_647 = arith.constant 352 : i32
        %add3A_648 = arith.addi %mul3A_249, %add3A_647 : i32
        %add3A_649 = arith.constant 1 : i32
        %add3A_650 = arith.addi %add3A_648, %add3A_649 : i32
        %get3A_651 = arith.index_cast %add3A_650 : i32 to index
        %get3A_652 = tpu.vector_load %arg7[%get3A_651] {strides = array<i32>} : memref<3280xi32, #tpu.memory_space<vmem>>, vector<16xi32>,
        %add3A_653 = arith.constant 352 : i32
        %add3A_654 = arith.addi %mul3A_249, %add3A_653 : i32
        %get3A_655 = arith.index_cast %add3A_654 : i32 to index
        %get3A_656 = tpu.vector_load %arg8[%get3A_655] {strides = array<i32>} : memref<3280xf32, #tpu.memory_space<vmem>>, vector<16xf32>,
        %ne3A_657 = arith.cmpi ne, %get3A_646, %get3A_652 : vector<16xi32>
        %and3A_658 = arith.constant 32767 : i32
        %and3A_659 = vector.broadcast %and3A_658 : i32 to vector<16xi32>
        %and3A_660 = arith.andi %get3A_646, %and3A_659 : vector<16xi32>
        tpu.vector_store_idx %arg6[%and3A_660], %get3A_656 masked %ne3A_657 : memref<32768xf32, #tpu.memory_space<vmem>>[vector<16xi32>], vector<16xf32>, vector<16xi1>
        %add3A_661 = arith.constant 368 : i32
        %add3A_662 = arith.addi %mul3A_249, %add3A_661 : i32
        %get3A_663 = arith.index_cast %add3A_662 : i32 to index
        %get3A_664 = tpu.vector_load %arg7[%get3A_663] {strides = array<i32>} : memref<3280xi32, #tpu.memory_space<vmem>>, vector<16xi32>,
        %add3A_665 = arith.constant 368 : i32
        %add3A_666 = arith.addi %mul3A_249, %add3A_665 : i32
        %add3A_667 = arith.constant 1 : i32
        %add3A_668 = arith.addi %add3A_666, %add3A_667 : i32
        %get3A_669 = arith.index_cast %add3A_668 : i32 to index
        %get3A_670 = tpu.vector_load %arg7[%get3A_669] {strides = array<i32>} : memref<3280xi32, #tpu.memory_space<vmem>>, vector<16xi32>,
        %add3A_671 = arith.constant 368 : i32
        %add3A_672 = arith.addi %mul3A_249, %add3A_671 : i32
        %get3A_673 = arith.index_cast %add3A_672 : i32 to index
        %get3A_674 = tpu.vector_load %arg8[%get3A_673] {strides = array<i32>} : memref<3280xf32, #tpu.memory_space<vmem>>, vector<16xf32>,
        %ne3A_675 = arith.cmpi ne, %get3A_664, %get3A_670 : vector<16xi32>
        %and3A_676 = arith.constant 32767 : i32
        %and3A_677 = vector.broadcast %and3A_676 : i32 to vector<16xi32>
        %and3A_678 = arith.andi %get3A_664, %and3A_677 : vector<16xi32>
        tpu.vector_store_idx %arg6[%and3A_678], %get3A_674 masked %ne3A_675 : memref<32768xf32, #tpu.memory_space<vmem>>[vector<16xi32>], vector<16xf32>, vector<16xi1>
        %add3A_679 = arith.constant 384 : i32
        %add3A_680 = arith.addi %mul3A_249, %add3A_679 : i32
        %get3A_681 = arith.index_cast %add3A_680 : i32 to index
        %get3A_682 = tpu.vector_load %arg7[%get3A_681] {strides = array<i32>} : memref<3280xi32, #tpu.memory_space<vmem>>, vector<16xi32>,
        %add3A_683 = arith.constant 384 : i32
        %add3A_684 = arith.addi %mul3A_249, %add3A_683 : i32
        %add3A_685 = arith.constant 1 : i32
        %add3A_686 = arith.addi %add3A_684, %add3A_685 : i32
        %get3A_687 = arith.index_cast %add3A_686 : i32 to index
        %get3A_688 = tpu.vector_load %arg7[%get3A_687] {strides = array<i32>} : memref<3280xi32, #tpu.memory_space<vmem>>, vector<16xi32>,
        %add3A_689 = arith.constant 384 : i32
        %add3A_690 = arith.addi %mul3A_249, %add3A_689 : i32
        %get3A_691 = arith.index_cast %add3A_690 : i32 to index
        %get3A_692 = tpu.vector_load %arg8[%get3A_691] {strides = array<i32>} : memref<3280xf32, #tpu.memory_space<vmem>>, vector<16xf32>,
        %ne3A_693 = arith.cmpi ne, %get3A_682, %get3A_688 : vector<16xi32>
        %and3A_694 = arith.constant 32767 : i32
        %and3A_695 = vector.broadcast %and3A_694 : i32 to vector<16xi32>
        %and3A_696 = arith.andi %get3A_682, %and3A_695 : vector<16xi32>
        tpu.vector_store_idx %arg6[%and3A_696], %get3A_692 masked %ne3A_693 : memref<32768xf32, #tpu.memory_space<vmem>>[vector<16xi32>], vector<16xf32>, vector<16xi1>
        %add3A_697 = arith.constant 400 : i32
        %add3A_698 = arith.addi %mul3A_249, %add3A_697 : i32
        %get3A_699 = arith.index_cast %add3A_698 : i32 to index
        %get3A_700 = tpu.vector_load %arg7[%get3A_699] {strides = array<i32>} : memref<3280xi32, #tpu.memory_space<vmem>>, vector<16xi32>,
        %add3A_701 = arith.constant 400 : i32
        %add3A_702 = arith.addi %mul3A_249, %add3A_701 : i32
        %add3A_703 = arith.constant 1 : i32
        %add3A_704 = arith.addi %add3A_702, %add3A_703 : i32
        %get3A_705 = arith.index_cast %add3A_704 : i32 to index
        %get3A_706 = tpu.vector_load %arg7[%get3A_705] {strides = array<i32>} : memref<3280xi32, #tpu.memory_space<vmem>>, vector<16xi32>,
        %add3A_707 = arith.constant 400 : i32
        %add3A_708 = arith.addi %mul3A_249, %add3A_707 : i32
        %get3A_709 = arith.index_cast %add3A_708 : i32 to index
        %get3A_710 = tpu.vector_load %arg8[%get3A_709] {strides = array<i32>} : memref<3280xf32, #tpu.memory_space<vmem>>, vector<16xf32>,
        %ne3A_711 = arith.cmpi ne, %get3A_700, %get3A_706 : vector<16xi32>
        %and3A_712 = arith.andi %lt3A_4, %ne3A_711 : vector<16xi1>
        %or3A = arith.ori %eq3A_6, %and3A_712 : vector<16xi1>
        %and3A_713 = arith.constant 32767 : i32
        %and3A_714 = vector.broadcast %and3A_713 : i32 to vector<16xi32>
        %and3A_715 = arith.andi %get3A_700, %and3A_714 : vector<16xi32>
        tpu.vector_store_idx %arg6[%and3A_715], %get3A_710 masked %or3A : memref<32768xf32, #tpu.memory_space<vmem>>[vector<16xi32>], vector<16xf32>, vector<16xi1>
      }
      %scan3A_133 = arith.constant 8 : i32
      %mul3A_134 = arith.constant 8 : i32
      %mul3A_135 = arith.muli %add3A_104, %mul3A_134 : i32
      %add3A_136 = arith.addi %mul3A_2, %mul3A_135 : i32
      %mul3A_137 = arith.constant 4096 : i32
      %mul3A_138 = arith.muli %add3A_136, %mul3A_137 : i32
      %dma_start3A_139 = tpu.memref_slice %arg5[%mul3A_138] : memref<67108864xf32, #tpu.memory_space<hbm>> -> memref<32768xf32, #tpu.memory_space<hbm>>
      %dma_start3A_140 = tpu.memref_slice %arg5[%mul3A_138] : memref<67108864xf32, #tpu.memory_space<hbm>> -> memref<32768xf32, #tpu.memory_space<hbm>>
      tpu.enqueue_dma source(%arg6 : memref<32768xf32, #tpu.memory_space<vmem>>) target(%dma_start3A_140 : memref<32768xf32, #tpu.memory_space<hbm>>) target_semaphore(%arg12 : memref<!tpu.dma_semaphore, #tpu.memory_space<semaphore_mem>>)
      %ge3A = arith.constant 1 : i32
      %ge3A_141 = arith.cmpi sge, %add3A_104, %ge3A : i32
      %convert_element_type3A = arith.extui %ge3A_141 : i1 to i32
      %cond3A = arith.constant 0 : i32
      %cond3A_142 = arith.cmpi ne, %convert_element_type3A, %cond3A : i32
      scf.if %cond3A_142 {
        %sub3A = arith.constant 1 : i32
        %sub3A_247 = arith.subi %add3A_104, %sub3A : i32
        %mul3A_248 = arith.constant 8 : i32
        %mul3A_249 = arith.muli %sub3A_247, %mul3A_248 : i32
        %add3A_250 = arith.addi %mul3A_2, %mul3A_249 : i32
        %mul3A_251 = arith.constant 4096 : i32
        %mul3A_252 = arith.muli %add3A_250, %mul3A_251 : i32
        %dma_wait3A_253 = tpu.memref_slice %arg5[%mul3A_252] : memref<67108864xf32, #tpu.memory_space<hbm>> -> memref<32768xf32, #tpu.memory_space<hbm>>
        %dma_wait3A_254 = tpu.memref_slice %arg5[%mul3A_252] : memref<67108864xf32, #tpu.memory_space<hbm>> -> memref<32768xf32, #tpu.memory_space<hbm>>
        tpu.wait_dma2 semaphore(%arg26 : memref<!tpu.dma_semaphore, #tpu.memory_space<semaphore_mem>>) src(%arg20 : memref<32768xf32, #tpu.memory_space<vmem>>) dst(%dma_wait3A_254 : memref<32768xf32, #tpu.memory_space<hbm>>)
      } else {
      }
      %le3A = arith.constant 61 : i32
      %le3A_143 = arith.cmpi sle, %add3A_104, %le3A : i32
      %convert_element_type3A_144 = arith.extui %le3A_143 : i1 to i32
      %cond3A_145 = arith.constant 0 : i32
      %cond3A_146 = arith.cmpi ne, %convert_element_type3A_144, %cond3A_145 : i32
      scf.if %cond3A_146 {
        %add3A_247 = arith.constant 2 : i32
        %add3A_248 = arith.addi %add3A_104, %add3A_247 : i32
        %mul3A_249 = arith.constant 8 : i32
        %mul3A_250 = arith.muli %add3A_248, %mul3A_249 : i32
        %add3A_251 = arith.addi %mul3A_2, %mul3A_250 : i32
        %mul3A_252 = arith.constant 4096 : i32
        %mul3A_253 = arith.muli %add3A_251, %mul3A_252 : i32
        %mul3A_254 = arith.constant 409 : i32
        %mul3A_255 = arith.muli %add3A_251, %mul3A_254 : i32
        %mul3A_256 = arith.constant 409 : i32
        %mul3A_257 = arith.muli %add3A_251, %mul3A_256 : i32
        %dma_start3A_258 = tpu.memref_slice %arg2[%mul3A_253] : memref<67108864xf32, #tpu.memory_space<hbm>> -> memref<32768xf32, #tpu.memory_space<hbm>>
        %dma_start3A_259 = tpu.memref_slice %arg2[%mul3A_253] : memref<67108864xf32, #tpu.memory_space<hbm>> -> memref<32768xf32, #tpu.memory_space<hbm>>
        tpu.enqueue_dma source(%dma_start3A_259 : memref<32768xf32, #tpu.memory_space<hbm>>) target(%arg20 : memref<32768xf32, #tpu.memory_space<vmem>>) target_semaphore(%arg23 : memref<!tpu.dma_semaphore, #tpu.memory_space<semaphore_mem>>)
        %dma_start3A_260 = arith.constant 0 : i32
        %dma_start3A_261 = tpu.memref_slice %arg21[%dma_start3A_260] : memref<3280xi32, #tpu.memory_space<vmem>> -> memref<3272xi32, #tpu.memory_space<vmem>>
        %dma_start3A_262 = tpu.memref_slice %arg3[%mul3A_255] : memref<6701056xi32, #tpu.memory_space<hbm>> -> memref<3272xi32, #tpu.memory_space<hbm>>
        %dma_start3A_263 = arith.constant 0 : i32
        %dma_start3A_264 = tpu.memref_slice %arg21[%dma_start3A_263] : memref<3280xi32, #tpu.memory_space<vmem>> -> memref<3272xi32, #tpu.memory_space<vmem>>
        %dma_start3A_265 = tpu.memref_slice %arg3[%mul3A_255] : memref<6701056xi32, #tpu.memory_space<hbm>> -> memref<3272xi32, #tpu.memory_space<hbm>>
        tpu.enqueue_dma source(%dma_start3A_265 : memref<3272xi32, #tpu.memory_space<hbm>>) target(%dma_start3A_264 : memref<3272xi32, #tpu.memory_space<vmem>>) target_semaphore(%arg24 : memref<!tpu.dma_semaphore, #tpu.memory_space<semaphore_mem>>)
        %dma_start3A_266 = arith.constant 0 : i32
        %dma_start3A_267 = tpu.memref_slice %arg22[%dma_start3A_266] : memref<3280xf32, #tpu.memory_space<vmem>> -> memref<3272xf32, #tpu.memory_space<vmem>>
        %dma_start3A_268 = tpu.memref_slice %arg4[%mul3A_257] : memref<6701056xf32, #tpu.memory_space<hbm>> -> memref<3272xf32, #tpu.memory_space<hbm>>
        %dma_start3A_269 = arith.constant 0 : i32
        %dma_start3A_270 = tpu.memref_slice %arg22[%dma_start3A_269] : memref<3280xf32, #tpu.memory_space<vmem>> -> memref<3272xf32, #tpu.memory_space<vmem>>
        %dma_start3A_271 = tpu.memref_slice %arg4[%mul3A_257] : memref<6701056xf32, #tpu.memory_space<hbm>> -> memref<3272xf32, #tpu.memory_space<hbm>>
        tpu.enqueue_dma source(%dma_start3A_271 : memref<3272xf32, #tpu.memory_space<hbm>>) target(%dma_start3A_270 : memref<3272xf32, #tpu.memory_space<vmem>>) target_semaphore(%arg25 : memref<!tpu.dma_semaphore, #tpu.memory_space<semaphore_mem>>)
      } else {
      }
      %mul3A_147 = arith.constant 3 : i32
      %mul3A_148 = arith.muli %mul3A_147, %scan3A_100 : i32
      %add3A_149 = arith.constant 1 : i32
      %add3A_150 = arith.addi %mul3A_148, %add3A_149 : i32
      %mul3A_151 = arith.constant 8 : i32
      %mul3A_152 = arith.muli %add3A_150, %mul3A_151 : i32
      %add3A_153 = arith.addi %mul3A_2, %mul3A_152 : i32
      %mul3A_154 = arith.constant 4096 : i32
      %mul3A_155 = arith.muli %add3A_153, %mul3A_154 : i32
      %mul3A_156 = arith.constant 409 : i32
      %mul3A_157 = arith.muli %add3A_153, %mul3A_156 : i32
      %mul3A_158 = arith.constant 409 : i32
      %mul3A_159 = arith.muli %add3A_153, %mul3A_158 : i32
      %dma_wait3A_160 = tpu.memref_slice %arg2[%mul3A_155] : memref<67108864xf32, #tpu.memory_space<hbm>> -> memref<32768xf32, #tpu.memory_space<hbm>>
      %dma_wait3A_161 = tpu.memref_slice %arg2[%mul3A_155] : memref<67108864xf32, #tpu.memory_space<hbm>> -> memref<32768xf32, #tpu.memory_space<hbm>>
      tpu.wait_dma2 semaphore(%arg16 : memref<!tpu.dma_semaphore, #tpu.memory_space<semaphore_mem>>) src(%dma_wait3A_161 : memref<32768xf32, #tpu.memory_space<hbm>>) dst(%arg13 : memref<32768xf32, #tpu.memory_space<vmem>>)
      %dma_wait3A_162 = arith.constant 0 : i32
      %dma_wait3A_163 = tpu.memref_slice %arg14[%dma_wait3A_162] : memref<3280xi32, #tpu.memory_space<vmem>> -> memref<3272xi32, #tpu.memory_space<vmem>>
      %dma_wait3A_164 = tpu.memref_slice %arg3[%mul3A_157] : memref<6701056xi32, #tpu.memory_space<hbm>> -> memref<3272xi32, #tpu.memory_space<hbm>>
      %dma_wait3A_165 = arith.constant 0 : i32
      %dma_wait3A_166 = tpu.memref_slice %arg14[%dma_wait3A_165] : memref<3280xi32, #tpu.memory_space<vmem>> -> memref<3272xi32, #tpu.memory_space<vmem>>
      %dma_wait3A_167 = tpu.memref_slice %arg3[%mul3A_157] : memref<6701056xi32, #tpu.memory_space<hbm>> -> memref<3272xi32, #tpu.memory_space<hbm>>
      tpu.wait_dma2 semaphore(%arg17 : memref<!tpu.dma_semaphore, #tpu.memory_space<semaphore_mem>>) src(%dma_wait3A_167 : memref<3272xi32, #tpu.memory_space<hbm>>) dst(%dma_wait3A_166 : memref<3272xi32, #tpu.memory_space<vmem>>)
      %dma_wait3A_168 = arith.constant 0 : i32
      %dma_wait3A_169 = tpu.memref_slice %arg15[%dma_wait3A_168] : memref<3280xf32, #tpu.memory_space<vmem>> -> memref<3272xf32, #tpu.memory_space<vmem>>
      %dma_wait3A_170 = tpu.memref_slice %arg4[%mul3A_159] : memref<6701056xf32, #tpu.memory_space<hbm>> -> memref<3272xf32, #tpu.memory_space<hbm>>
      %dma_wait3A_171 = arith.constant 0 : i32
      %dma_wait3A_172 = tpu.memref_slice %arg15[%dma_wait3A_171] : memref<3280xf32, #tpu.memory_space<vmem>> -> memref<3272xf32, #tpu.memory_space<vmem>>
      %dma_wait3A_173 = tpu.memref_slice %arg4[%mul3A_159] : memref<6701056xf32, #tpu.memory_space<hbm>> -> memref<3272xf32, #tpu.memory_space<hbm>>
      tpu.wait_dma2 semaphore(%arg18 : memref<!tpu.dma_semaphore, #tpu.memory_space<semaphore_mem>>) src(%dma_wait3A_173 : memref<3272xf32, #tpu.memory_space<hbm>>) dst(%dma_wait3A_172 : memref<3272xf32, #tpu.memory_space<vmem>>)
      %scan3A_174 = arith.constant 0 : i32
      %scan3A_175 = arith.constant 0 : i32
      %scan3A_176 = arith.constant 8 : i32
      %scan3A_177 = arith.addi %scan3A_175, %scan3A_176 : i32
      %scan3A_178 = arith.constant 1 : i32
      scf.for %scan3A_247 = %scan3A_175 to %scan3A_177 step %scan3A_178  : i32 {
        %mul3A_248 = arith.constant 409 : i32
        %mul3A_249 = arith.muli %scan3A_247, %mul3A_248 : i32
        %add3A_250 = arith.constant 0 : i32
        %add3A_251 = arith.addi %mul3A_249, %add3A_250 : i32
        %get3A = arith.index_cast %add3A_251 : i32 to index
        %get3A_252 = tpu.vector_load %arg14[%get3A] {strides = array<i32>} : memref<3280xi32, #tpu.memory_space<vmem>>, vector<16xi32>,
        %add3A_253 = arith.constant 0 : i32
        %add3A_254 = arith.addi %mul3A_249, %add3A_253 : i32
        %add3A_255 = arith.constant 1 : i32
        %add3A_256 = arith.addi %add3A_254, %add3A_255 : i32
        %get3A_257 = arith.index_cast %add3A_256 : i32 to index
        %get3A_258 = tpu.vector_load %arg14[%get3A_257] {strides = array<i32>} : memref<3280xi32, #tpu.memory_space<vmem>>, vector<16xi32>,
        %add3A_259 = arith.constant 0 : i32
        %add3A_260 = arith.addi %mul3A_249, %add3A_259 : i32
        %get3A_261 = arith.index_cast %add3A_260 : i32 to index
        %get3A_262 = tpu.vector_load %arg15[%get3A_261] {strides = array<i32>} : memref<3280xf32, #tpu.memory_space<vmem>>, vector<16xf32>,
        %ne3A = arith.cmpi ne, %get3A_252, %get3A_258 : vector<16xi32>
        %and3A = arith.constant 32767 : i32
        %and3A_263 = vector.broadcast %and3A : i32 to vector<16xi32>
        %and3A_264 = arith.andi %get3A_252, %and3A_263 : vector<16xi32>
        tpu.vector_store_idx %arg13[%and3A_264], %get3A_262 masked %ne3A : memref<32768xf32, #tpu.memory_space<vmem>>[vector<16xi32>], vector<16xf32>, vector<16xi1>
        %add3A_265 = arith.constant 16 : i32
        %add3A_266 = arith.addi %mul3A_249, %add3A_265 : i32
        %get3A_267 = arith.index_cast %add3A_266 : i32 to index
        %get3A_268 = tpu.vector_load %arg14[%get3A_267] {strides = array<i32>} : memref<3280xi32, #tpu.memory_space<vmem>>, vector<16xi32>,
        %add3A_269 = arith.constant 16 : i32
        %add3A_270 = arith.addi %mul3A_249, %add3A_269 : i32
        %add3A_271 = arith.constant 1 : i32
        %add3A_272 = arith.addi %add3A_270, %add3A_271 : i32
        %get3A_273 = arith.index_cast %add3A_272 : i32 to index
        %get3A_274 = tpu.vector_load %arg14[%get3A_273] {strides = array<i32>} : memref<3280xi32, #tpu.memory_space<vmem>>, vector<16xi32>,
        %add3A_275 = arith.constant 16 : i32
        %add3A_276 = arith.addi %mul3A_249, %add3A_275 : i32
        %get3A_277 = arith.index_cast %add3A_276 : i32 to index
        %get3A_278 = tpu.vector_load %arg15[%get3A_277] {strides = array<i32>} : memref<3280xf32, #tpu.memory_space<vmem>>, vector<16xf32>,
        %ne3A_279 = arith.cmpi ne, %get3A_268, %get3A_274 : vector<16xi32>
        %and3A_280 = arith.constant 32767 : i32
        %and3A_281 = vector.broadcast %and3A_280 : i32 to vector<16xi32>
        %and3A_282 = arith.andi %get3A_268, %and3A_281 : vector<16xi32>
        tpu.vector_store_idx %arg13[%and3A_282], %get3A_278 masked %ne3A_279 : memref<32768xf32, #tpu.memory_space<vmem>>[vector<16xi32>], vector<16xf32>, vector<16xi1>
        %add3A_283 = arith.constant 32 : i32
        %add3A_284 = arith.addi %mul3A_249, %add3A_283 : i32
        %get3A_285 = arith.index_cast %add3A_284 : i32 to index
        %get3A_286 = tpu.vector_load %arg14[%get3A_285] {strides = array<i32>} : memref<3280xi32, #tpu.memory_space<vmem>>, vector<16xi32>,
        %add3A_287 = arith.constant 32 : i32
        %add3A_288 = arith.addi %mul3A_249, %add3A_287 : i32
        %add3A_289 = arith.constant 1 : i32
        %add3A_290 = arith.addi %add3A_288, %add3A_289 : i32
        %get3A_291 = arith.index_cast %add3A_290 : i32 to index
        %get3A_292 = tpu.vector_load %arg14[%get3A_291] {strides = array<i32>} : memref<3280xi32, #tpu.memory_space<vmem>>, vector<16xi32>,
        %add3A_293 = arith.constant 32 : i32
        %add3A_294 = arith.addi %mul3A_249, %add3A_293 : i32
        %get3A_295 = arith.index_cast %add3A_294 : i32 to index
        %get3A_296 = tpu.vector_load %arg15[%get3A_295] {strides = array<i32>} : memref<3280xf32, #tpu.memory_space<vmem>>, vector<16xf32>,
        %ne3A_297 = arith.cmpi ne, %get3A_286, %get3A_292 : vector<16xi32>
        %and3A_298 = arith.constant 32767 : i32
        %and3A_299 = vector.broadcast %and3A_298 : i32 to vector<16xi32>
        %and3A_300 = arith.andi %get3A_286, %and3A_299 : vector<16xi32>
        tpu.vector_store_idx %arg13[%and3A_300], %get3A_296 masked %ne3A_297 : memref<32768xf32, #tpu.memory_space<vmem>>[vector<16xi32>], vector<16xf32>, vector<16xi1>
        %add3A_301 = arith.constant 48 : i32
        %add3A_302 = arith.addi %mul3A_249, %add3A_301 : i32
        %get3A_303 = arith.index_cast %add3A_302 : i32 to index
        %get3A_304 = tpu.vector_load %arg14[%get3A_303] {strides = array<i32>} : memref<3280xi32, #tpu.memory_space<vmem>>, vector<16xi32>,
        %add3A_305 = arith.constant 48 : i32
        %add3A_306 = arith.addi %mul3A_249, %add3A_305 : i32
        %add3A_307 = arith.constant 1 : i32
        %add3A_308 = arith.addi %add3A_306, %add3A_307 : i32
        %get3A_309 = arith.index_cast %add3A_308 : i32 to index
        %get3A_310 = tpu.vector_load %arg14[%get3A_309] {strides = array<i32>} : memref<3280xi32, #tpu.memory_space<vmem>>, vector<16xi32>,
        %add3A_311 = arith.constant 48 : i32
        %add3A_312 = arith.addi %mul3A_249, %add3A_311 : i32
        %get3A_313 = arith.index_cast %add3A_312 : i32 to index
        %get3A_314 = tpu.vector_load %arg15[%get3A_313] {strides = array<i32>} : memref<3280xf32, #tpu.memory_space<vmem>>, vector<16xf32>,
        %ne3A_315 = arith.cmpi ne, %get3A_304, %get3A_310 : vector<16xi32>
        %and3A_316 = arith.constant 32767 : i32
        %and3A_317 = vector.broadcast %and3A_316 : i32 to vector<16xi32>
        %and3A_318 = arith.andi %get3A_304, %and3A_317 : vector<16xi32>
        tpu.vector_store_idx %arg13[%and3A_318], %get3A_314 masked %ne3A_315 : memref<32768xf32, #tpu.memory_space<vmem>>[vector<16xi32>], vector<16xf32>, vector<16xi1>
        %add3A_319 = arith.constant 64 : i32
        %add3A_320 = arith.addi %mul3A_249, %add3A_319 : i32
        %get3A_321 = arith.index_cast %add3A_320 : i32 to index
        %get3A_322 = tpu.vector_load %arg14[%get3A_321] {strides = array<i32>} : memref<3280xi32, #tpu.memory_space<vmem>>, vector<16xi32>,
        %add3A_323 = arith.constant 64 : i32
        %add3A_324 = arith.addi %mul3A_249, %add3A_323 : i32
        %add3A_325 = arith.constant 1 : i32
        %add3A_326 = arith.addi %add3A_324, %add3A_325 : i32
        %get3A_327 = arith.index_cast %add3A_326 : i32 to index
        %get3A_328 = tpu.vector_load %arg14[%get3A_327] {strides = array<i32>} : memref<3280xi32, #tpu.memory_space<vmem>>, vector<16xi32>,
        %add3A_329 = arith.constant 64 : i32
        %add3A_330 = arith.addi %mul3A_249, %add3A_329 : i32
        %get3A_331 = arith.index_cast %add3A_330 : i32 to index
        %get3A_332 = tpu.vector_load %arg15[%get3A_331] {strides = array<i32>} : memref<3280xf32, #tpu.memory_space<vmem>>, vector<16xf32>,
        %ne3A_333 = arith.cmpi ne, %get3A_322, %get3A_328 : vector<16xi32>
        %and3A_334 = arith.constant 32767 : i32
        %and3A_335 = vector.broadcast %and3A_334 : i32 to vector<16xi32>
        %and3A_336 = arith.andi %get3A_322, %and3A_335 : vector<16xi32>
        tpu.vector_store_idx %arg13[%and3A_336], %get3A_332 masked %ne3A_333 : memref<32768xf32, #tpu.memory_space<vmem>>[vector<16xi32>], vector<16xf32>, vector<16xi1>
        %add3A_337 = arith.constant 80 : i32
        %add3A_338 = arith.addi %mul3A_249, %add3A_337 : i32
        %get3A_339 = arith.index_cast %add3A_338 : i32 to index
        %get3A_340 = tpu.vector_load %arg14[%get3A_339] {strides = array<i32>} : memref<3280xi32, #tpu.memory_space<vmem>>, vector<16xi32>,
        %add3A_341 = arith.constant 80 : i32
        %add3A_342 = arith.addi %mul3A_249, %add3A_341 : i32
        %add3A_343 = arith.constant 1 : i32
        %add3A_344 = arith.addi %add3A_342, %add3A_343 : i32
        %get3A_345 = arith.index_cast %add3A_344 : i32 to index
        %get3A_346 = tpu.vector_load %arg14[%get3A_345] {strides = array<i32>} : memref<3280xi32, #tpu.memory_space<vmem>>, vector<16xi32>,
        %add3A_347 = arith.constant 80 : i32
        %add3A_348 = arith.addi %mul3A_249, %add3A_347 : i32
        %get3A_349 = arith.index_cast %add3A_348 : i32 to index
        %get3A_350 = tpu.vector_load %arg15[%get3A_349] {strides = array<i32>} : memref<3280xf32, #tpu.memory_space<vmem>>, vector<16xf32>,
        %ne3A_351 = arith.cmpi ne, %get3A_340, %get3A_346 : vector<16xi32>
        %and3A_352 = arith.constant 32767 : i32
        %and3A_353 = vector.broadcast %and3A_352 : i32 to vector<16xi32>
        %and3A_354 = arith.andi %get3A_340, %and3A_353 : vector<16xi32>
        tpu.vector_store_idx %arg13[%and3A_354], %get3A_350 masked %ne3A_351 : memref<32768xf32, #tpu.memory_space<vmem>>[vector<16xi32>], vector<16xf32>, vector<16xi1>
        %add3A_355 = arith.constant 96 : i32
        %add3A_356 = arith.addi %mul3A_249, %add3A_355 : i32
        %get3A_357 = arith.index_cast %add3A_356 : i32 to index
        %get3A_358 = tpu.vector_load %arg14[%get3A_357] {strides = array<i32>} : memref<3280xi32, #tpu.memory_space<vmem>>, vector<16xi32>,
        %add3A_359 = arith.constant 96 : i32
        %add3A_360 = arith.addi %mul3A_249, %add3A_359 : i32
        %add3A_361 = arith.constant 1 : i32
        %add3A_362 = arith.addi %add3A_360, %add3A_361 : i32
        %get3A_363 = arith.index_cast %add3A_362 : i32 to index
        %get3A_364 = tpu.vector_load %arg14[%get3A_363] {strides = array<i32>} : memref<3280xi32, #tpu.memory_space<vmem>>, vector<16xi32>,
        %add3A_365 = arith.constant 96 : i32
        %add3A_366 = arith.addi %mul3A_249, %add3A_365 : i32
        %get3A_367 = arith.index_cast %add3A_366 : i32 to index
        %get3A_368 = tpu.vector_load %arg15[%get3A_367] {strides = array<i32>} : memref<3280xf32, #tpu.memory_space<vmem>>, vector<16xf32>,
        %ne3A_369 = arith.cmpi ne, %get3A_358, %get3A_364 : vector<16xi32>
        %and3A_370 = arith.constant 32767 : i32
        %and3A_371 = vector.broadcast %and3A_370 : i32 to vector<16xi32>
        %and3A_372 = arith.andi %get3A_358, %and3A_371 : vector<16xi32>
        tpu.vector_store_idx %arg13[%and3A_372], %get3A_368 masked %ne3A_369 : memref<32768xf32, #tpu.memory_space<vmem>>[vector<16xi32>], vector<16xf32>, vector<16xi1>
        %add3A_373 = arith.constant 112 : i32
        %add3A_374 = arith.addi %mul3A_249, %add3A_373 : i32
        %get3A_375 = arith.index_cast %add3A_374 : i32 to index
        %get3A_376 = tpu.vector_load %arg14[%get3A_375] {strides = array<i32>} : memref<3280xi32, #tpu.memory_space<vmem>>, vector<16xi32>,
        %add3A_377 = arith.constant 112 : i32
        %add3A_378 = arith.addi %mul3A_249, %add3A_377 : i32
        %add3A_379 = arith.constant 1 : i32
        %add3A_380 = arith.addi %add3A_378, %add3A_379 : i32
        %get3A_381 = arith.index_cast %add3A_380 : i32 to index
        %get3A_382 = tpu.vector_load %arg14[%get3A_381] {strides = array<i32>} : memref<3280xi32, #tpu.memory_space<vmem>>, vector<16xi32>,
        %add3A_383 = arith.constant 112 : i32
        %add3A_384 = arith.addi %mul3A_249, %add3A_383 : i32
        %get3A_385 = arith.index_cast %add3A_384 : i32 to index
        %get3A_386 = tpu.vector_load %arg15[%get3A_385] {strides = array<i32>} : memref<3280xf32, #tpu.memory_space<vmem>>, vector<16xf32>,
        %ne3A_387 = arith.cmpi ne, %get3A_376, %get3A_382 : vector<16xi32>
        %and3A_388 = arith.constant 32767 : i32
        %and3A_389 = vector.broadcast %and3A_388 : i32 to vector<16xi32>
        %and3A_390 = arith.andi %get3A_376, %and3A_389 : vector<16xi32>
        tpu.vector_store_idx %arg13[%and3A_390], %get3A_386 masked %ne3A_387 : memref<32768xf32, #tpu.memory_space<vmem>>[vector<16xi32>], vector<16xf32>, vector<16xi1>
        %add3A_391 = arith.constant 128 : i32
        %add3A_392 = arith.addi %mul3A_249, %add3A_391 : i32
        %get3A_393 = arith.index_cast %add3A_392 : i32 to index
        %get3A_394 = tpu.vector_load %arg14[%get3A_393] {strides = array<i32>} : memref<3280xi32, #tpu.memory_space<vmem>>, vector<16xi32>,
        %add3A_395 = arith.constant 128 : i32
        %add3A_396 = arith.addi %mul3A_249, %add3A_395 : i32
        %add3A_397 = arith.constant 1 : i32
        %add3A_398 = arith.addi %add3A_396, %add3A_397 : i32
        %get3A_399 = arith.index_cast %add3A_398 : i32 to index
        %get3A_400 = tpu.vector_load %arg14[%get3A_399] {strides = array<i32>} : memref<3280xi32, #tpu.memory_space<vmem>>, vector<16xi32>,
        %add3A_401 = arith.constant 128 : i32
        %add3A_402 = arith.addi %mul3A_249, %add3A_401 : i32
        %get3A_403 = arith.index_cast %add3A_402 : i32 to index
        %get3A_404 = tpu.vector_load %arg15[%get3A_403] {strides = array<i32>} : memref<3280xf32, #tpu.memory_space<vmem>>, vector<16xf32>,
        %ne3A_405 = arith.cmpi ne, %get3A_394, %get3A_400 : vector<16xi32>
        %and3A_406 = arith.constant 32767 : i32
        %and3A_407 = vector.broadcast %and3A_406 : i32 to vector<16xi32>
        %and3A_408 = arith.andi %get3A_394, %and3A_407 : vector<16xi32>
        tpu.vector_store_idx %arg13[%and3A_408], %get3A_404 masked %ne3A_405 : memref<32768xf32, #tpu.memory_space<vmem>>[vector<16xi32>], vector<16xf32>, vector<16xi1>
        %add3A_409 = arith.constant 144 : i32
        %add3A_410 = arith.addi %mul3A_249, %add3A_409 : i32
        %get3A_411 = arith.index_cast %add3A_410 : i32 to index
        %get3A_412 = tpu.vector_load %arg14[%get3A_411] {strides = array<i32>} : memref<3280xi32, #tpu.memory_space<vmem>>, vector<16xi32>,
        %add3A_413 = arith.constant 144 : i32
        %add3A_414 = arith.addi %mul3A_249, %add3A_413 : i32
        %add3A_415 = arith.constant 1 : i32
        %add3A_416 = arith.addi %add3A_414, %add3A_415 : i32
        %get3A_417 = arith.index_cast %add3A_416 : i32 to index
        %get3A_418 = tpu.vector_load %arg14[%get3A_417] {strides = array<i32>} : memref<3280xi32, #tpu.memory_space<vmem>>, vector<16xi32>,
        %add3A_419 = arith.constant 144 : i32
        %add3A_420 = arith.addi %mul3A_249, %add3A_419 : i32
        %get3A_421 = arith.index_cast %add3A_420 : i32 to index
        %get3A_422 = tpu.vector_load %arg15[%get3A_421] {strides = array<i32>} : memref<3280xf32, #tpu.memory_space<vmem>>, vector<16xf32>,
        %ne3A_423 = arith.cmpi ne, %get3A_412, %get3A_418 : vector<16xi32>
        %and3A_424 = arith.constant 32767 : i32
        %and3A_425 = vector.broadcast %and3A_424 : i32 to vector<16xi32>
        %and3A_426 = arith.andi %get3A_412, %and3A_425 : vector<16xi32>
        tpu.vector_store_idx %arg13[%and3A_426], %get3A_422 masked %ne3A_423 : memref<32768xf32, #tpu.memory_space<vmem>>[vector<16xi32>], vector<16xf32>, vector<16xi1>
        %add3A_427 = arith.constant 160 : i32
        %add3A_428 = arith.addi %mul3A_249, %add3A_427 : i32
        %get3A_429 = arith.index_cast %add3A_428 : i32 to index
        %get3A_430 = tpu.vector_load %arg14[%get3A_429] {strides = array<i32>} : memref<3280xi32, #tpu.memory_space<vmem>>, vector<16xi32>,
        %add3A_431 = arith.constant 160 : i32
        %add3A_432 = arith.addi %mul3A_249, %add3A_431 : i32
        %add3A_433 = arith.constant 1 : i32
        %add3A_434 = arith.addi %add3A_432, %add3A_433 : i32
        %get3A_435 = arith.index_cast %add3A_434 : i32 to index
        %get3A_436 = tpu.vector_load %arg14[%get3A_435] {strides = array<i32>} : memref<3280xi32, #tpu.memory_space<vmem>>, vector<16xi32>,
        %add3A_437 = arith.constant 160 : i32
        %add3A_438 = arith.addi %mul3A_249, %add3A_437 : i32
        %get3A_439 = arith.index_cast %add3A_438 : i32 to index
        %get3A_440 = tpu.vector_load %arg15[%get3A_439] {strides = array<i32>} : memref<3280xf32, #tpu.memory_space<vmem>>, vector<16xf32>,
        %ne3A_441 = arith.cmpi ne, %get3A_430, %get3A_436 : vector<16xi32>
        %and3A_442 = arith.constant 32767 : i32
        %and3A_443 = vector.broadcast %and3A_442 : i32 to vector<16xi32>
        %and3A_444 = arith.andi %get3A_430, %and3A_443 : vector<16xi32>
        tpu.vector_store_idx %arg13[%and3A_444], %get3A_440 masked %ne3A_441 : memref<32768xf32, #tpu.memory_space<vmem>>[vector<16xi32>], vector<16xf32>, vector<16xi1>
        %add3A_445 = arith.constant 176 : i32
        %add3A_446 = arith.addi %mul3A_249, %add3A_445 : i32
        %get3A_447 = arith.index_cast %add3A_446 : i32 to index
        %get3A_448 = tpu.vector_load %arg14[%get3A_447] {strides = array<i32>} : memref<3280xi32, #tpu.memory_space<vmem>>, vector<16xi32>,
        %add3A_449 = arith.constant 176 : i32
        %add3A_450 = arith.addi %mul3A_249, %add3A_449 : i32
        %add3A_451 = arith.constant 1 : i32
        %add3A_452 = arith.addi %add3A_450, %add3A_451 : i32
        %get3A_453 = arith.index_cast %add3A_452 : i32 to index
        %get3A_454 = tpu.vector_load %arg14[%get3A_453] {strides = array<i32>} : memref<3280xi32, #tpu.memory_space<vmem>>, vector<16xi32>,
        %add3A_455 = arith.constant 176 : i32
        %add3A_456 = arith.addi %mul3A_249, %add3A_455 : i32
        %get3A_457 = arith.index_cast %add3A_456 : i32 to index
        %get3A_458 = tpu.vector_load %arg15[%get3A_457] {strides = array<i32>} : memref<3280xf32, #tpu.memory_space<vmem>>, vector<16xf32>,
        %ne3A_459 = arith.cmpi ne, %get3A_448, %get3A_454 : vector<16xi32>
        %and3A_460 = arith.constant 32767 : i32
        %and3A_461 = vector.broadcast %and3A_460 : i32 to vector<16xi32>
        %and3A_462 = arith.andi %get3A_448, %and3A_461 : vector<16xi32>
        tpu.vector_store_idx %arg13[%and3A_462], %get3A_458 masked %ne3A_459 : memref<32768xf32, #tpu.memory_space<vmem>>[vector<16xi32>], vector<16xf32>, vector<16xi1>
        %add3A_463 = arith.constant 192 : i32
        %add3A_464 = arith.addi %mul3A_249, %add3A_463 : i32
        %get3A_465 = arith.index_cast %add3A_464 : i32 to index
        %get3A_466 = tpu.vector_load %arg14[%get3A_465] {strides = array<i32>} : memref<3280xi32, #tpu.memory_space<vmem>>, vector<16xi32>,
        %add3A_467 = arith.constant 192 : i32
        %add3A_468 = arith.addi %mul3A_249, %add3A_467 : i32
        %add3A_469 = arith.constant 1 : i32
        %add3A_470 = arith.addi %add3A_468, %add3A_469 : i32
        %get3A_471 = arith.index_cast %add3A_470 : i32 to index
        %get3A_472 = tpu.vector_load %arg14[%get3A_471] {strides = array<i32>} : memref<3280xi32, #tpu.memory_space<vmem>>, vector<16xi32>,
        %add3A_473 = arith.constant 192 : i32
        %add3A_474 = arith.addi %mul3A_249, %add3A_473 : i32
        %get3A_475 = arith.index_cast %add3A_474 : i32 to index
        %get3A_476 = tpu.vector_load %arg15[%get3A_475] {strides = array<i32>} : memref<3280xf32, #tpu.memory_space<vmem>>, vector<16xf32>,
        %ne3A_477 = arith.cmpi ne, %get3A_466, %get3A_472 : vector<16xi32>
        %and3A_478 = arith.constant 32767 : i32
        %and3A_479 = vector.broadcast %and3A_478 : i32 to vector<16xi32>
        %and3A_480 = arith.andi %get3A_466, %and3A_479 : vector<16xi32>
        tpu.vector_store_idx %arg13[%and3A_480], %get3A_476 masked %ne3A_477 : memref<32768xf32, #tpu.memory_space<vmem>>[vector<16xi32>], vector<16xf32>, vector<16xi1>
        %add3A_481 = arith.constant 208 : i32
        %add3A_482 = arith.addi %mul3A_249, %add3A_481 : i32
        %get3A_483 = arith.index_cast %add3A_482 : i32 to index
        %get3A_484 = tpu.vector_load %arg14[%get3A_483] {strides = array<i32>} : memref<3280xi32, #tpu.memory_space<vmem>>, vector<16xi32>,
        %add3A_485 = arith.constant 208 : i32
        %add3A_486 = arith.addi %mul3A_249, %add3A_485 : i32
        %add3A_487 = arith.constant 1 : i32
        %add3A_488 = arith.addi %add3A_486, %add3A_487 : i32
        %get3A_489 = arith.index_cast %add3A_488 : i32 to index
        %get3A_490 = tpu.vector_load %arg14[%get3A_489] {strides = array<i32>} : memref<3280xi32, #tpu.memory_space<vmem>>, vector<16xi32>,
        %add3A_491 = arith.constant 208 : i32
        %add3A_492 = arith.addi %mul3A_249, %add3A_491 : i32
        %get3A_493 = arith.index_cast %add3A_492 : i32 to index
        %get3A_494 = tpu.vector_load %arg15[%get3A_493] {strides = array<i32>} : memref<3280xf32, #tpu.memory_space<vmem>>, vector<16xf32>,
        %ne3A_495 = arith.cmpi ne, %get3A_484, %get3A_490 : vector<16xi32>
        %and3A_496 = arith.constant 32767 : i32
        %and3A_497 = vector.broadcast %and3A_496 : i32 to vector<16xi32>
        %and3A_498 = arith.andi %get3A_484, %and3A_497 : vector<16xi32>
        tpu.vector_store_idx %arg13[%and3A_498], %get3A_494 masked %ne3A_495 : memref<32768xf32, #tpu.memory_space<vmem>>[vector<16xi32>], vector<16xf32>, vector<16xi1>
        %add3A_499 = arith.constant 224 : i32
        %add3A_500 = arith.addi %mul3A_249, %add3A_499 : i32
        %get3A_501 = arith.index_cast %add3A_500 : i32 to index
        %get3A_502 = tpu.vector_load %arg14[%get3A_501] {strides = array<i32>} : memref<3280xi32, #tpu.memory_space<vmem>>, vector<16xi32>,
        %add3A_503 = arith.constant 224 : i32
        %add3A_504 = arith.addi %mul3A_249, %add3A_503 : i32
        %add3A_505 = arith.constant 1 : i32
        %add3A_506 = arith.addi %add3A_504, %add3A_505 : i32
        %get3A_507 = arith.index_cast %add3A_506 : i32 to index
        %get3A_508 = tpu.vector_load %arg14[%get3A_507] {strides = array<i32>} : memref<3280xi32, #tpu.memory_space<vmem>>, vector<16xi32>,
        %add3A_509 = arith.constant 224 : i32
        %add3A_510 = arith.addi %mul3A_249, %add3A_509 : i32
        %get3A_511 = arith.index_cast %add3A_510 : i32 to index
        %get3A_512 = tpu.vector_load %arg15[%get3A_511] {strides = array<i32>} : memref<3280xf32, #tpu.memory_space<vmem>>, vector<16xf32>,
        %ne3A_513 = arith.cmpi ne, %get3A_502, %get3A_508 : vector<16xi32>
        %and3A_514 = arith.constant 32767 : i32
        %and3A_515 = vector.broadcast %and3A_514 : i32 to vector<16xi32>
        %and3A_516 = arith.andi %get3A_502, %and3A_515 : vector<16xi32>
        tpu.vector_store_idx %arg13[%and3A_516], %get3A_512 masked %ne3A_513 : memref<32768xf32, #tpu.memory_space<vmem>>[vector<16xi32>], vector<16xf32>, vector<16xi1>
        %add3A_517 = arith.constant 240 : i32
        %add3A_518 = arith.addi %mul3A_249, %add3A_517 : i32
        %get3A_519 = arith.index_cast %add3A_518 : i32 to index
        %get3A_520 = tpu.vector_load %arg14[%get3A_519] {strides = array<i32>} : memref<3280xi32, #tpu.memory_space<vmem>>, vector<16xi32>,
        %add3A_521 = arith.constant 240 : i32
        %add3A_522 = arith.addi %mul3A_249, %add3A_521 : i32
        %add3A_523 = arith.constant 1 : i32
        %add3A_524 = arith.addi %add3A_522, %add3A_523 : i32
        %get3A_525 = arith.index_cast %add3A_524 : i32 to index
        %get3A_526 = tpu.vector_load %arg14[%get3A_525] {strides = array<i32>} : memref<3280xi32, #tpu.memory_space<vmem>>, vector<16xi32>,
        %add3A_527 = arith.constant 240 : i32
        %add3A_528 = arith.addi %mul3A_249, %add3A_527 : i32
        %get3A_529 = arith.index_cast %add3A_528 : i32 to index
        %get3A_530 = tpu.vector_load %arg15[%get3A_529] {strides = array<i32>} : memref<3280xf32, #tpu.memory_space<vmem>>, vector<16xf32>,
        %ne3A_531 = arith.cmpi ne, %get3A_520, %get3A_526 : vector<16xi32>
        %and3A_532 = arith.constant 32767 : i32
        %and3A_533 = vector.broadcast %and3A_532 : i32 to vector<16xi32>
        %and3A_534 = arith.andi %get3A_520, %and3A_533 : vector<16xi32>
        tpu.vector_store_idx %arg13[%and3A_534], %get3A_530 masked %ne3A_531 : memref<32768xf32, #tpu.memory_space<vmem>>[vector<16xi32>], vector<16xf32>, vector<16xi1>
        %add3A_535 = arith.constant 256 : i32
        %add3A_536 = arith.addi %mul3A_249, %add3A_535 : i32
        %get3A_537 = arith.index_cast %add3A_536 : i32 to index
        %get3A_538 = tpu.vector_load %arg14[%get3A_537] {strides = array<i32>} : memref<3280xi32, #tpu.memory_space<vmem>>, vector<16xi32>,
        %add3A_539 = arith.constant 256 : i32
        %add3A_540 = arith.addi %mul3A_249, %add3A_539 : i32
        %add3A_541 = arith.constant 1 : i32
        %add3A_542 = arith.addi %add3A_540, %add3A_541 : i32
        %get3A_543 = arith.index_cast %add3A_542 : i32 to index
        %get3A_544 = tpu.vector_load %arg14[%get3A_543] {strides = array<i32>} : memref<3280xi32, #tpu.memory_space<vmem>>, vector<16xi32>,
        %add3A_545 = arith.constant 256 : i32
        %add3A_546 = arith.addi %mul3A_249, %add3A_545 : i32
        %get3A_547 = arith.index_cast %add3A_546 : i32 to index
        %get3A_548 = tpu.vector_load %arg15[%get3A_547] {strides = array<i32>} : memref<3280xf32, #tpu.memory_space<vmem>>, vector<16xf32>,
        %ne3A_549 = arith.cmpi ne, %get3A_538, %get3A_544 : vector<16xi32>
        %and3A_550 = arith.constant 32767 : i32
        %and3A_551 = vector.broadcast %and3A_550 : i32 to vector<16xi32>
        %and3A_552 = arith.andi %get3A_538, %and3A_551 : vector<16xi32>
        tpu.vector_store_idx %arg13[%and3A_552], %get3A_548 masked %ne3A_549 : memref<32768xf32, #tpu.memory_space<vmem>>[vector<16xi32>], vector<16xf32>, vector<16xi1>
        %add3A_553 = arith.constant 272 : i32
        %add3A_554 = arith.addi %mul3A_249, %add3A_553 : i32
        %get3A_555 = arith.index_cast %add3A_554 : i32 to index
        %get3A_556 = tpu.vector_load %arg14[%get3A_555] {strides = array<i32>} : memref<3280xi32, #tpu.memory_space<vmem>>, vector<16xi32>,
        %add3A_557 = arith.constant 272 : i32
        %add3A_558 = arith.addi %mul3A_249, %add3A_557 : i32
        %add3A_559 = arith.constant 1 : i32
        %add3A_560 = arith.addi %add3A_558, %add3A_559 : i32
        %get3A_561 = arith.index_cast %add3A_560 : i32 to index
        %get3A_562 = tpu.vector_load %arg14[%get3A_561] {strides = array<i32>} : memref<3280xi32, #tpu.memory_space<vmem>>, vector<16xi32>,
        %add3A_563 = arith.constant 272 : i32
        %add3A_564 = arith.addi %mul3A_249, %add3A_563 : i32
        %get3A_565 = arith.index_cast %add3A_564 : i32 to index
        %get3A_566 = tpu.vector_load %arg15[%get3A_565] {strides = array<i32>} : memref<3280xf32, #tpu.memory_space<vmem>>, vector<16xf32>,
        %ne3A_567 = arith.cmpi ne, %get3A_556, %get3A_562 : vector<16xi32>
        %and3A_568 = arith.constant 32767 : i32
        %and3A_569 = vector.broadcast %and3A_568 : i32 to vector<16xi32>
        %and3A_570 = arith.andi %get3A_556, %and3A_569 : vector<16xi32>
        tpu.vector_store_idx %arg13[%and3A_570], %get3A_566 masked %ne3A_567 : memref<32768xf32, #tpu.memory_space<vmem>>[vector<16xi32>], vector<16xf32>, vector<16xi1>
        %add3A_571 = arith.constant 288 : i32
        %add3A_572 = arith.addi %mul3A_249, %add3A_571 : i32
        %get3A_573 = arith.index_cast %add3A_572 : i32 to index
        %get3A_574 = tpu.vector_load %arg14[%get3A_573] {strides = array<i32>} : memref<3280xi32, #tpu.memory_space<vmem>>, vector<16xi32>,
        %add3A_575 = arith.constant 288 : i32
        %add3A_576 = arith.addi %mul3A_249, %add3A_575 : i32
        %add3A_577 = arith.constant 1 : i32
        %add3A_578 = arith.addi %add3A_576, %add3A_577 : i32
        %get3A_579 = arith.index_cast %add3A_578 : i32 to index
        %get3A_580 = tpu.vector_load %arg14[%get3A_579] {strides = array<i32>} : memref<3280xi32, #tpu.memory_space<vmem>>, vector<16xi32>,
        %add3A_581 = arith.constant 288 : i32
        %add3A_582 = arith.addi %mul3A_249, %add3A_581 : i32
        %get3A_583 = arith.index_cast %add3A_582 : i32 to index
        %get3A_584 = tpu.vector_load %arg15[%get3A_583] {strides = array<i32>} : memref<3280xf32, #tpu.memory_space<vmem>>, vector<16xf32>,
        %ne3A_585 = arith.cmpi ne, %get3A_574, %get3A_580 : vector<16xi32>
        %and3A_586 = arith.constant 32767 : i32
        %and3A_587 = vector.broadcast %and3A_586 : i32 to vector<16xi32>
        %and3A_588 = arith.andi %get3A_574, %and3A_587 : vector<16xi32>
        tpu.vector_store_idx %arg13[%and3A_588], %get3A_584 masked %ne3A_585 : memref<32768xf32, #tpu.memory_space<vmem>>[vector<16xi32>], vector<16xf32>, vector<16xi1>
        %add3A_589 = arith.constant 304 : i32
        %add3A_590 = arith.addi %mul3A_249, %add3A_589 : i32
        %get3A_591 = arith.index_cast %add3A_590 : i32 to index
        %get3A_592 = tpu.vector_load %arg14[%get3A_591] {strides = array<i32>} : memref<3280xi32, #tpu.memory_space<vmem>>, vector<16xi32>,
        %add3A_593 = arith.constant 304 : i32
        %add3A_594 = arith.addi %mul3A_249, %add3A_593 : i32
        %add3A_595 = arith.constant 1 : i32
        %add3A_596 = arith.addi %add3A_594, %add3A_595 : i32
        %get3A_597 = arith.index_cast %add3A_596 : i32 to index
        %get3A_598 = tpu.vector_load %arg14[%get3A_597] {strides = array<i32>} : memref<3280xi32, #tpu.memory_space<vmem>>, vector<16xi32>,
        %add3A_599 = arith.constant 304 : i32
        %add3A_600 = arith.addi %mul3A_249, %add3A_599 : i32
        %get3A_601 = arith.index_cast %add3A_600 : i32 to index
        %get3A_602 = tpu.vector_load %arg15[%get3A_601] {strides = array<i32>} : memref<3280xf32, #tpu.memory_space<vmem>>, vector<16xf32>,
        %ne3A_603 = arith.cmpi ne, %get3A_592, %get3A_598 : vector<16xi32>
        %and3A_604 = arith.constant 32767 : i32
        %and3A_605 = vector.broadcast %and3A_604 : i32 to vector<16xi32>
        %and3A_606 = arith.andi %get3A_592, %and3A_605 : vector<16xi32>
        tpu.vector_store_idx %arg13[%and3A_606], %get3A_602 masked %ne3A_603 : memref<32768xf32, #tpu.memory_space<vmem>>[vector<16xi32>], vector<16xf32>, vector<16xi1>
        %add3A_607 = arith.constant 320 : i32
        %add3A_608 = arith.addi %mul3A_249, %add3A_607 : i32
        %get3A_609 = arith.index_cast %add3A_608 : i32 to index
        %get3A_610 = tpu.vector_load %arg14[%get3A_609] {strides = array<i32>} : memref<3280xi32, #tpu.memory_space<vmem>>, vector<16xi32>,
        %add3A_611 = arith.constant 320 : i32
        %add3A_612 = arith.addi %mul3A_249, %add3A_611 : i32
        %add3A_613 = arith.constant 1 : i32
        %add3A_614 = arith.addi %add3A_612, %add3A_613 : i32
        %get3A_615 = arith.index_cast %add3A_614 : i32 to index
        %get3A_616 = tpu.vector_load %arg14[%get3A_615] {strides = array<i32>} : memref<3280xi32, #tpu.memory_space<vmem>>, vector<16xi32>,
        %add3A_617 = arith.constant 320 : i32
        %add3A_618 = arith.addi %mul3A_249, %add3A_617 : i32
        %get3A_619 = arith.index_cast %add3A_618 : i32 to index
        %get3A_620 = tpu.vector_load %arg15[%get3A_619] {strides = array<i32>} : memref<3280xf32, #tpu.memory_space<vmem>>, vector<16xf32>,
        %ne3A_621 = arith.cmpi ne, %get3A_610, %get3A_616 : vector<16xi32>
        %and3A_622 = arith.constant 32767 : i32
        %and3A_623 = vector.broadcast %and3A_622 : i32 to vector<16xi32>
        %and3A_624 = arith.andi %get3A_610, %and3A_623 : vector<16xi32>
        tpu.vector_store_idx %arg13[%and3A_624], %get3A_620 masked %ne3A_621 : memref<32768xf32, #tpu.memory_space<vmem>>[vector<16xi32>], vector<16xf32>, vector<16xi1>
        %add3A_625 = arith.constant 336 : i32
        %add3A_626 = arith.addi %mul3A_249, %add3A_625 : i32
        %get3A_627 = arith.index_cast %add3A_626 : i32 to index
        %get3A_628 = tpu.vector_load %arg14[%get3A_627] {strides = array<i32>} : memref<3280xi32, #tpu.memory_space<vmem>>, vector<16xi32>,
        %add3A_629 = arith.constant 336 : i32
        %add3A_630 = arith.addi %mul3A_249, %add3A_629 : i32
        %add3A_631 = arith.constant 1 : i32
        %add3A_632 = arith.addi %add3A_630, %add3A_631 : i32
        %get3A_633 = arith.index_cast %add3A_632 : i32 to index
        %get3A_634 = tpu.vector_load %arg14[%get3A_633] {strides = array<i32>} : memref<3280xi32, #tpu.memory_space<vmem>>, vector<16xi32>,
        %add3A_635 = arith.constant 336 : i32
        %add3A_636 = arith.addi %mul3A_249, %add3A_635 : i32
        %get3A_637 = arith.index_cast %add3A_636 : i32 to index
        %get3A_638 = tpu.vector_load %arg15[%get3A_637] {strides = array<i32>} : memref<3280xf32, #tpu.memory_space<vmem>>, vector<16xf32>,
        %ne3A_639 = arith.cmpi ne, %get3A_628, %get3A_634 : vector<16xi32>
        %and3A_640 = arith.constant 32767 : i32
        %and3A_641 = vector.broadcast %and3A_640 : i32 to vector<16xi32>
        %and3A_642 = arith.andi %get3A_628, %and3A_641 : vector<16xi32>
        tpu.vector_store_idx %arg13[%and3A_642], %get3A_638 masked %ne3A_639 : memref<32768xf32, #tpu.memory_space<vmem>>[vector<16xi32>], vector<16xf32>, vector<16xi1>
        %add3A_643 = arith.constant 352 : i32
        %add3A_644 = arith.addi %mul3A_249, %add3A_643 : i32
        %get3A_645 = arith.index_cast %add3A_644 : i32 to index
        %get3A_646 = tpu.vector_load %arg14[%get3A_645] {strides = array<i32>} : memref<3280xi32, #tpu.memory_space<vmem>>, vector<16xi32>,
        %add3A_647 = arith.constant 352 : i32
        %add3A_648 = arith.addi %mul3A_249, %add3A_647 : i32
        %add3A_649 = arith.constant 1 : i32
        %add3A_650 = arith.addi %add3A_648, %add3A_649 : i32
        %get3A_651 = arith.index_cast %add3A_650 : i32 to index
        %get3A_652 = tpu.vector_load %arg14[%get3A_651] {strides = array<i32>} : memref<3280xi32, #tpu.memory_space<vmem>>, vector<16xi32>,
        %add3A_653 = arith.constant 352 : i32
        %add3A_654 = arith.addi %mul3A_249, %add3A_653 : i32
        %get3A_655 = arith.index_cast %add3A_654 : i32 to index
        %get3A_656 = tpu.vector_load %arg15[%get3A_655] {strides = array<i32>} : memref<3280xf32, #tpu.memory_space<vmem>>, vector<16xf32>,
        %ne3A_657 = arith.cmpi ne, %get3A_646, %get3A_652 : vector<16xi32>
        %and3A_658 = arith.constant 32767 : i32
        %and3A_659 = vector.broadcast %and3A_658 : i32 to vector<16xi32>
        %and3A_660 = arith.andi %get3A_646, %and3A_659 : vector<16xi32>
        tpu.vector_store_idx %arg13[%and3A_660], %get3A_656 masked %ne3A_657 : memref<32768xf32, #tpu.memory_space<vmem>>[vector<16xi32>], vector<16xf32>, vector<16xi1>
        %add3A_661 = arith.constant 368 : i32
        %add3A_662 = arith.addi %mul3A_249, %add3A_661 : i32
        %get3A_663 = arith.index_cast %add3A_662 : i32 to index
        %get3A_664 = tpu.vector_load %arg14[%get3A_663] {strides = array<i32>} : memref<3280xi32, #tpu.memory_space<vmem>>, vector<16xi32>,
        %add3A_665 = arith.constant 368 : i32
        %add3A_666 = arith.addi %mul3A_249, %add3A_665 : i32
        %add3A_667 = arith.constant 1 : i32
        %add3A_668 = arith.addi %add3A_666, %add3A_667 : i32
        %get3A_669 = arith.index_cast %add3A_668 : i32 to index
        %get3A_670 = tpu.vector_load %arg14[%get3A_669] {strides = array<i32>} : memref<3280xi32, #tpu.memory_space<vmem>>, vector<16xi32>,
        %add3A_671 = arith.constant 368 : i32
        %add3A_672 = arith.addi %mul3A_249, %add3A_671 : i32
        %get3A_673 = arith.index_cast %add3A_672 : i32 to index
        %get3A_674 = tpu.vector_load %arg15[%get3A_673] {strides = array<i32>} : memref<3280xf32, #tpu.memory_space<vmem>>, vector<16xf32>,
        %ne3A_675 = arith.cmpi ne, %get3A_664, %get3A_670 : vector<16xi32>
        %and3A_676 = arith.constant 32767 : i32
        %and3A_677 = vector.broadcast %and3A_676 : i32 to vector<16xi32>
        %and3A_678 = arith.andi %get3A_664, %and3A_677 : vector<16xi32>
        tpu.vector_store_idx %arg13[%and3A_678], %get3A_674 masked %ne3A_675 : memref<32768xf32, #tpu.memory_space<vmem>>[vector<16xi32>], vector<16xf32>, vector<16xi1>
        %add3A_679 = arith.constant 384 : i32
        %add3A_680 = arith.addi %mul3A_249, %add3A_679 : i32
        %get3A_681 = arith.index_cast %add3A_680 : i32 to index
        %get3A_682 = tpu.vector_load %arg14[%get3A_681] {strides = array<i32>} : memref<3280xi32, #tpu.memory_space<vmem>>, vector<16xi32>,
        %add3A_683 = arith.constant 384 : i32
        %add3A_684 = arith.addi %mul3A_249, %add3A_683 : i32
        %add3A_685 = arith.constant 1 : i32
        %add3A_686 = arith.addi %add3A_684, %add3A_685 : i32
        %get3A_687 = arith.index_cast %add3A_686 : i32 to index
        %get3A_688 = tpu.vector_load %arg14[%get3A_687] {strides = array<i32>} : memref<3280xi32, #tpu.memory_space<vmem>>, vector<16xi32>,
        %add3A_689 = arith.constant 384 : i32
        %add3A_690 = arith.addi %mul3A_249, %add3A_689 : i32
        %get3A_691 = arith.index_cast %add3A_690 : i32 to index
        %get3A_692 = tpu.vector_load %arg15[%get3A_691] {strides = array<i32>} : memref<3280xf32, #tpu.memory_space<vmem>>, vector<16xf32>,
        %ne3A_693 = arith.cmpi ne, %get3A_682, %get3A_688 : vector<16xi32>
        %and3A_694 = arith.constant 32767 : i32
        %and3A_695 = vector.broadcast %and3A_694 : i32 to vector<16xi32>
        %and3A_696 = arith.andi %get3A_682, %and3A_695 : vector<16xi32>
        tpu.vector_store_idx %arg13[%and3A_696], %get3A_692 masked %ne3A_693 : memref<32768xf32, #tpu.memory_space<vmem>>[vector<16xi32>], vector<16xf32>, vector<16xi1>
        %add3A_697 = arith.constant 400 : i32
        %add3A_698 = arith.addi %mul3A_249, %add3A_697 : i32
        %get3A_699 = arith.index_cast %add3A_698 : i32 to index
        %get3A_700 = tpu.vector_load %arg14[%get3A_699] {strides = array<i32>} : memref<3280xi32, #tpu.memory_space<vmem>>, vector<16xi32>,
        %add3A_701 = arith.constant 400 : i32
        %add3A_702 = arith.addi %mul3A_249, %add3A_701 : i32
        %add3A_703 = arith.constant 1 : i32
        %add3A_704 = arith.addi %add3A_702, %add3A_703 : i32
        %get3A_705 = arith.index_cast %add3A_704 : i32 to index
        %get3A_706 = tpu.vector_load %arg14[%get3A_705] {strides = array<i32>} : memref<3280xi32, #tpu.memory_space<vmem>>, vector<16xi32>,
        %add3A_707 = arith.constant 400 : i32
        %add3A_708 = arith.addi %mul3A_249, %add3A_707 : i32
        %get3A_709 = arith.index_cast %add3A_708 : i32 to index
        %get3A_710 = tpu.vector_load %arg15[%get3A_709] {strides = array<i32>} : memref<3280xf32, #tpu.memory_space<vmem>>, vector<16xf32>,
        %ne3A_711 = arith.cmpi ne, %get3A_700, %get3A_706 : vector<16xi32>
        %and3A_712 = arith.andi %lt3A_4, %ne3A_711 : vector<16xi1>
        %or3A = arith.ori %eq3A_6, %and3A_712 : vector<16xi1>
        %and3A_713 = arith.constant 32767 : i32
        %and3A_714 = vector.broadcast %and3A_713 : i32 to vector<16xi32>
        %and3A_715 = arith.andi %get3A_700, %and3A_714 : vector<16xi32>
        tpu.vector_store_idx %arg13[%and3A_715], %get3A_710 masked %or3A : memref<32768xf32, #tpu.memory_space<vmem>>[vector<16xi32>], vector<16xf32>, vector<16xi1>
      }
      %scan3A_179 = arith.constant 8 : i32
      %mul3A_180 = arith.constant 8 : i32
      %mul3A_181 = arith.muli %add3A_150, %mul3A_180 : i32
      %add3A_182 = arith.addi %mul3A_2, %mul3A_181 : i32
      %mul3A_183 = arith.constant 4096 : i32
      %mul3A_184 = arith.muli %add3A_182, %mul3A_183 : i32
      %dma_start3A_185 = tpu.memref_slice %arg5[%mul3A_184] : memref<67108864xf32, #tpu.memory_space<hbm>> -> memref<32768xf32, #tpu.memory_space<hbm>>
      %dma_start3A_186 = tpu.memref_slice %arg5[%mul3A_184] : memref<67108864xf32, #tpu.memory_space<hbm>> -> memref<32768xf32, #tpu.memory_space<hbm>>
      tpu.enqueue_dma source(%arg13 : memref<32768xf32, #tpu.memory_space<vmem>>) target(%dma_start3A_186 : memref<32768xf32, #tpu.memory_space<hbm>>) target_semaphore(%arg19 : memref<!tpu.dma_semaphore, #tpu.memory_space<semaphore_mem>>)
      %ge3A_187 = arith.constant 1 : i32
      %ge3A_188 = arith.cmpi sge, %add3A_150, %ge3A_187 : i32
      %convert_element_type3A_189 = arith.extui %ge3A_188 : i1 to i32
      %cond3A_190 = arith.constant 0 : i32
      %cond3A_191 = arith.cmpi ne, %convert_element_type3A_189, %cond3A_190 : i32
      scf.if %cond3A_191 {
        %sub3A = arith.constant 1 : i32
        %sub3A_247 = arith.subi %add3A_150, %sub3A : i32
        %mul3A_248 = arith.constant 8 : i32
        %mul3A_249 = arith.muli %sub3A_247, %mul3A_248 : i32
        %add3A_250 = arith.addi %mul3A_2, %mul3A_249 : i32
        %mul3A_251 = arith.constant 4096 : i32
        %mul3A_252 = arith.muli %add3A_250, %mul3A_251 : i32
        %dma_wait3A_253 = tpu.memref_slice %arg5[%mul3A_252] : memref<67108864xf32, #tpu.memory_space<hbm>> -> memref<32768xf32, #tpu.memory_space<hbm>>
        %dma_wait3A_254 = tpu.memref_slice %arg5[%mul3A_252] : memref<67108864xf32, #tpu.memory_space<hbm>> -> memref<32768xf32, #tpu.memory_space<hbm>>
        tpu.wait_dma2 semaphore(%arg12 : memref<!tpu.dma_semaphore, #tpu.memory_space<semaphore_mem>>) src(%arg6 : memref<32768xf32, #tpu.memory_space<vmem>>) dst(%dma_wait3A_254 : memref<32768xf32, #tpu.memory_space<hbm>>)
      } else {
      }
      %le3A_192 = arith.constant 61 : i32
      %le3A_193 = arith.cmpi sle, %add3A_150, %le3A_192 : i32
      %convert_element_type3A_194 = arith.extui %le3A_193 : i1 to i32
      %cond3A_195 = arith.constant 0 : i32
      %cond3A_196 = arith.cmpi ne, %convert_element_type3A_194, %cond3A_195 : i32
      scf.if %cond3A_196 {
        %add3A_247 = arith.constant 2 : i32
        %add3A_248 = arith.addi %add3A_150, %add3A_247 : i32
        %mul3A_249 = arith.constant 8 : i32
        %mul3A_250 = arith.muli %add3A_248, %mul3A_249 : i32
        %add3A_251 = arith.addi %mul3A_2, %mul3A_250 : i32
        %mul3A_252 = arith.constant 4096 : i32
        %mul3A_253 = arith.muli %add3A_251, %mul3A_252 : i32
        %mul3A_254 = arith.constant 409 : i32
        %mul3A_255 = arith.muli %add3A_251, %mul3A_254 : i32
        %mul3A_256 = arith.constant 409 : i32
        %mul3A_257 = arith.muli %add3A_251, %mul3A_256 : i32
        %dma_start3A_258 = tpu.memref_slice %arg2[%mul3A_253] : memref<67108864xf32, #tpu.memory_space<hbm>> -> memref<32768xf32, #tpu.memory_space<hbm>>
        %dma_start3A_259 = tpu.memref_slice %arg2[%mul3A_253] : memref<67108864xf32, #tpu.memory_space<hbm>> -> memref<32768xf32, #tpu.memory_space<hbm>>
        tpu.enqueue_dma source(%dma_start3A_259 : memref<32768xf32, #tpu.memory_space<hbm>>) target(%arg6 : memref<32768xf32, #tpu.memory_space<vmem>>) target_semaphore(%arg9 : memref<!tpu.dma_semaphore, #tpu.memory_space<semaphore_mem>>)
        %dma_start3A_260 = arith.constant 0 : i32
        %dma_start3A_261 = tpu.memref_slice %arg7[%dma_start3A_260] : memref<3280xi32, #tpu.memory_space<vmem>> -> memref<3272xi32, #tpu.memory_space<vmem>>
        %dma_start3A_262 = tpu.memref_slice %arg3[%mul3A_255] : memref<6701056xi32, #tpu.memory_space<hbm>> -> memref<3272xi32, #tpu.memory_space<hbm>>
        %dma_start3A_263 = arith.constant 0 : i32
        %dma_start3A_264 = tpu.memref_slice %arg7[%dma_start3A_263] : memref<3280xi32, #tpu.memory_space<vmem>> -> memref<3272xi32, #tpu.memory_space<vmem>>
        %dma_start3A_265 = tpu.memref_slice %arg3[%mul3A_255] : memref<6701056xi32, #tpu.memory_space<hbm>> -> memref<3272xi32, #tpu.memory_space<hbm>>
        tpu.enqueue_dma source(%dma_start3A_265 : memref<3272xi32, #tpu.memory_space<hbm>>) target(%dma_start3A_264 : memref<3272xi32, #tpu.memory_space<vmem>>) target_semaphore(%arg10 : memref<!tpu.dma_semaphore, #tpu.memory_space<semaphore_mem>>)
        %dma_start3A_266 = arith.constant 0 : i32
        %dma_start3A_267 = tpu.memref_slice %arg8[%dma_start3A_266] : memref<3280xf32, #tpu.memory_space<vmem>> -> memref<3272xf32, #tpu.memory_space<vmem>>
        %dma_start3A_268 = tpu.memref_slice %arg4[%mul3A_257] : memref<6701056xf32, #tpu.memory_space<hbm>> -> memref<3272xf32, #tpu.memory_space<hbm>>
        %dma_start3A_269 = arith.constant 0 : i32
        %dma_start3A_270 = tpu.memref_slice %arg8[%dma_start3A_269] : memref<3280xf32, #tpu.memory_space<vmem>> -> memref<3272xf32, #tpu.memory_space<vmem>>
        %dma_start3A_271 = tpu.memref_slice %arg4[%mul3A_257] : memref<6701056xf32, #tpu.memory_space<hbm>> -> memref<3272xf32, #tpu.memory_space<hbm>>
        tpu.enqueue_dma source(%dma_start3A_271 : memref<3272xf32, #tpu.memory_space<hbm>>) target(%dma_start3A_270 : memref<3272xf32, #tpu.memory_space<vmem>>) target_semaphore(%arg11 : memref<!tpu.dma_semaphore, #tpu.memory_space<semaphore_mem>>)
      } else {
      }
      %mul3A_197 = arith.constant 3 : i32
      %mul3A_198 = arith.muli %mul3A_197, %scan3A_100 : i32
      %add3A_199 = arith.constant 2 : i32
      %add3A_200 = arith.addi %mul3A_198, %add3A_199 : i32
      %mul3A_201 = arith.constant 8 : i32
      %mul3A_202 = arith.muli %add3A_200, %mul3A_201 : i32
      %add3A_203 = arith.addi %mul3A_2, %mul3A_202 : i32
      %mul3A_204 = arith.constant 4096 : i32
      %mul3A_205 = arith.muli %add3A_203, %mul3A_204 : i32
      %mul3A_206 = arith.constant 409 : i32
      %mul3A_207 = arith.muli %add3A_203, %mul3A_206 : i32
      %mul3A_208 = arith.constant 409 : i32
      %mul3A_209 = arith.muli %add3A_203, %mul3A_208 : i32
      %dma_wait3A_210 = tpu.memref_slice %arg2[%mul3A_205] : memref<67108864xf32, #tpu.memory_space<hbm>> -> memref<32768xf32, #tpu.memory_space<hbm>>
      %dma_wait3A_211 = tpu.memref_slice %arg2[%mul3A_205] : memref<67108864xf32, #tpu.memory_space<hbm>> -> memref<32768xf32, #tpu.memory_space<hbm>>
      tpu.wait_dma2 semaphore(%arg23 : memref<!tpu.dma_semaphore, #tpu.memory_space<semaphore_mem>>) src(%dma_wait3A_211 : memref<32768xf32, #tpu.memory_space<hbm>>) dst(%arg20 : memref<32768xf32, #tpu.memory_space<vmem>>)
      %dma_wait3A_212 = arith.constant 0 : i32
      %dma_wait3A_213 = tpu.memref_slice %arg21[%dma_wait3A_212] : memref<3280xi32, #tpu.memory_space<vmem>> -> memref<3272xi32, #tpu.memory_space<vmem>>
      %dma_wait3A_214 = tpu.memref_slice %arg3[%mul3A_207] : memref<6701056xi32, #tpu.memory_space<hbm>> -> memref<3272xi32, #tpu.memory_space<hbm>>
      %dma_wait3A_215 = arith.constant 0 : i32
      %dma_wait3A_216 = tpu.memref_slice %arg21[%dma_wait3A_215] : memref<3280xi32, #tpu.memory_space<vmem>> -> memref<3272xi32, #tpu.memory_space<vmem>>
      %dma_wait3A_217 = tpu.memref_slice %arg3[%mul3A_207] : memref<6701056xi32, #tpu.memory_space<hbm>> -> memref<3272xi32, #tpu.memory_space<hbm>>
      tpu.wait_dma2 semaphore(%arg24 : memref<!tpu.dma_semaphore, #tpu.memory_space<semaphore_mem>>) src(%dma_wait3A_217 : memref<3272xi32, #tpu.memory_space<hbm>>) dst(%dma_wait3A_216 : memref<3272xi32, #tpu.memory_space<vmem>>)
      %dma_wait3A_218 = arith.constant 0 : i32
      %dma_wait3A_219 = tpu.memref_slice %arg22[%dma_wait3A_218] : memref<3280xf32, #tpu.memory_space<vmem>> -> memref<3272xf32, #tpu.memory_space<vmem>>
      %dma_wait3A_220 = tpu.memref_slice %arg4[%mul3A_209] : memref<6701056xf32, #tpu.memory_space<hbm>> -> memref<3272xf32, #tpu.memory_space<hbm>>
      %dma_wait3A_221 = arith.constant 0 : i32
      %dma_wait3A_222 = tpu.memref_slice %arg22[%dma_wait3A_221] : memref<3280xf32, #tpu.memory_space<vmem>> -> memref<3272xf32, #tpu.memory_space<vmem>>
      %dma_wait3A_223 = tpu.memref_slice %arg4[%mul3A_209] : memref<6701056xf32, #tpu.memory_space<hbm>> -> memref<3272xf32, #tpu.memory_space<hbm>>
      tpu.wait_dma2 semaphore(%arg25 : memref<!tpu.dma_semaphore, #tpu.memory_space<semaphore_mem>>) src(%dma_wait3A_223 : memref<3272xf32, #tpu.memory_space<hbm>>) dst(%dma_wait3A_222 : memref<3272xf32, #tpu.memory_space<vmem>>)
      %scan3A_224 = arith.constant 0 : i32
      %scan3A_225 = arith.constant 0 : i32
      %scan3A_226 = arith.constant 8 : i32
      %scan3A_227 = arith.addi %scan3A_225, %scan3A_226 : i32
      %scan3A_228 = arith.constant 1 : i32
      scf.for %scan3A_247 = %scan3A_225 to %scan3A_227 step %scan3A_228  : i32 {
        %mul3A_248 = arith.constant 409 : i32
        %mul3A_249 = arith.muli %scan3A_247, %mul3A_248 : i32
        %add3A_250 = arith.constant 0 : i32
        %add3A_251 = arith.addi %mul3A_249, %add3A_250 : i32
        %get3A = arith.index_cast %add3A_251 : i32 to index
        %get3A_252 = tpu.vector_load %arg21[%get3A] {strides = array<i32>} : memref<3280xi32, #tpu.memory_space<vmem>>, vector<16xi32>,
        %add3A_253 = arith.constant 0 : i32
        %add3A_254 = arith.addi %mul3A_249, %add3A_253 : i32
        %add3A_255 = arith.constant 1 : i32
        %add3A_256 = arith.addi %add3A_254, %add3A_255 : i32
        %get3A_257 = arith.index_cast %add3A_256 : i32 to index
        %get3A_258 = tpu.vector_load %arg21[%get3A_257] {strides = array<i32>} : memref<3280xi32, #tpu.memory_space<vmem>>, vector<16xi32>,
        %add3A_259 = arith.constant 0 : i32
        %add3A_260 = arith.addi %mul3A_249, %add3A_259 : i32
        %get3A_261 = arith.index_cast %add3A_260 : i32 to index
        %get3A_262 = tpu.vector_load %arg22[%get3A_261] {strides = array<i32>} : memref<3280xf32, #tpu.memory_space<vmem>>, vector<16xf32>,
        %ne3A = arith.cmpi ne, %get3A_252, %get3A_258 : vector<16xi32>
        %and3A = arith.constant 32767 : i32
        %and3A_263 = vector.broadcast %and3A : i32 to vector<16xi32>
        %and3A_264 = arith.andi %get3A_252, %and3A_263 : vector<16xi32>
        tpu.vector_store_idx %arg20[%and3A_264], %get3A_262 masked %ne3A : memref<32768xf32, #tpu.memory_space<vmem>>[vector<16xi32>], vector<16xf32>, vector<16xi1>
        %add3A_265 = arith.constant 16 : i32
        %add3A_266 = arith.addi %mul3A_249, %add3A_265 : i32
        %get3A_267 = arith.index_cast %add3A_266 : i32 to index
        %get3A_268 = tpu.vector_load %arg21[%get3A_267] {strides = array<i32>} : memref<3280xi32, #tpu.memory_space<vmem>>, vector<16xi32>,
        %add3A_269 = arith.constant 16 : i32
        %add3A_270 = arith.addi %mul3A_249, %add3A_269 : i32
        %add3A_271 = arith.constant 1 : i32
        %add3A_272 = arith.addi %add3A_270, %add3A_271 : i32
        %get3A_273 = arith.index_cast %add3A_272 : i32 to index
        %get3A_274 = tpu.vector_load %arg21[%get3A_273] {strides = array<i32>} : memref<3280xi32, #tpu.memory_space<vmem>>, vector<16xi32>,
        %add3A_275 = arith.constant 16 : i32
        %add3A_276 = arith.addi %mul3A_249, %add3A_275 : i32
        %get3A_277 = arith.index_cast %add3A_276 : i32 to index
        %get3A_278 = tpu.vector_load %arg22[%get3A_277] {strides = array<i32>} : memref<3280xf32, #tpu.memory_space<vmem>>, vector<16xf32>,
        %ne3A_279 = arith.cmpi ne, %get3A_268, %get3A_274 : vector<16xi32>
        %and3A_280 = arith.constant 32767 : i32
        %and3A_281 = vector.broadcast %and3A_280 : i32 to vector<16xi32>
        %and3A_282 = arith.andi %get3A_268, %and3A_281 : vector<16xi32>
        tpu.vector_store_idx %arg20[%and3A_282], %get3A_278 masked %ne3A_279 : memref<32768xf32, #tpu.memory_space<vmem>>[vector<16xi32>], vector<16xf32>, vector<16xi1>
        %add3A_283 = arith.constant 32 : i32
        %add3A_284 = arith.addi %mul3A_249, %add3A_283 : i32
        %get3A_285 = arith.index_cast %add3A_284 : i32 to index
        %get3A_286 = tpu.vector_load %arg21[%get3A_285] {strides = array<i32>} : memref<3280xi32, #tpu.memory_space<vmem>>, vector<16xi32>,
        %add3A_287 = arith.constant 32 : i32
        %add3A_288 = arith.addi %mul3A_249, %add3A_287 : i32
        %add3A_289 = arith.constant 1 : i32
        %add3A_290 = arith.addi %add3A_288, %add3A_289 : i32
        %get3A_291 = arith.index_cast %add3A_290 : i32 to index
        %get3A_292 = tpu.vector_load %arg21[%get3A_291] {strides = array<i32>} : memref<3280xi32, #tpu.memory_space<vmem>>, vector<16xi32>,
        %add3A_293 = arith.constant 32 : i32
        %add3A_294 = arith.addi %mul3A_249, %add3A_293 : i32
        %get3A_295 = arith.index_cast %add3A_294 : i32 to index
        %get3A_296 = tpu.vector_load %arg22[%get3A_295] {strides = array<i32>} : memref<3280xf32, #tpu.memory_space<vmem>>, vector<16xf32>,
        %ne3A_297 = arith.cmpi ne, %get3A_286, %get3A_292 : vector<16xi32>
        %and3A_298 = arith.constant 32767 : i32
        %and3A_299 = vector.broadcast %and3A_298 : i32 to vector<16xi32>
        %and3A_300 = arith.andi %get3A_286, %and3A_299 : vector<16xi32>
        tpu.vector_store_idx %arg20[%and3A_300], %get3A_296 masked %ne3A_297 : memref<32768xf32, #tpu.memory_space<vmem>>[vector<16xi32>], vector<16xf32>, vector<16xi1>
        %add3A_301 = arith.constant 48 : i32
        %add3A_302 = arith.addi %mul3A_249, %add3A_301 : i32
        %get3A_303 = arith.index_cast %add3A_302 : i32 to index
        %get3A_304 = tpu.vector_load %arg21[%get3A_303] {strides = array<i32>} : memref<3280xi32, #tpu.memory_space<vmem>>, vector<16xi32>,
        %add3A_305 = arith.constant 48 : i32
        %add3A_306 = arith.addi %mul3A_249, %add3A_305 : i32
        %add3A_307 = arith.constant 1 : i32
        %add3A_308 = arith.addi %add3A_306, %add3A_307 : i32
        %get3A_309 = arith.index_cast %add3A_308 : i32 to index
        %get3A_310 = tpu.vector_load %arg21[%get3A_309] {strides = array<i32>} : memref<3280xi32, #tpu.memory_space<vmem>>, vector<16xi32>,
        %add3A_311 = arith.constant 48 : i32
        %add3A_312 = arith.addi %mul3A_249, %add3A_311 : i32
        %get3A_313 = arith.index_cast %add3A_312 : i32 to index
        %get3A_314 = tpu.vector_load %arg22[%get3A_313] {strides = array<i32>} : memref<3280xf32, #tpu.memory_space<vmem>>, vector<16xf32>,
        %ne3A_315 = arith.cmpi ne, %get3A_304, %get3A_310 : vector<16xi32>
        %and3A_316 = arith.constant 32767 : i32
        %and3A_317 = vector.broadcast %and3A_316 : i32 to vector<16xi32>
        %and3A_318 = arith.andi %get3A_304, %and3A_317 : vector<16xi32>
        tpu.vector_store_idx %arg20[%and3A_318], %get3A_314 masked %ne3A_315 : memref<32768xf32, #tpu.memory_space<vmem>>[vector<16xi32>], vector<16xf32>, vector<16xi1>
        %add3A_319 = arith.constant 64 : i32
        %add3A_320 = arith.addi %mul3A_249, %add3A_319 : i32
        %get3A_321 = arith.index_cast %add3A_320 : i32 to index
        %get3A_322 = tpu.vector_load %arg21[%get3A_321] {strides = array<i32>} : memref<3280xi32, #tpu.memory_space<vmem>>, vector<16xi32>,
        %add3A_323 = arith.constant 64 : i32
        %add3A_324 = arith.addi %mul3A_249, %add3A_323 : i32
        %add3A_325 = arith.constant 1 : i32
        %add3A_326 = arith.addi %add3A_324, %add3A_325 : i32
        %get3A_327 = arith.index_cast %add3A_326 : i32 to index
        %get3A_328 = tpu.vector_load %arg21[%get3A_327] {strides = array<i32>} : memref<3280xi32, #tpu.memory_space<vmem>>, vector<16xi32>,
        %add3A_329 = arith.constant 64 : i32
        %add3A_330 = arith.addi %mul3A_249, %add3A_329 : i32
        %get3A_331 = arith.index_cast %add3A_330 : i32 to index
        %get3A_332 = tpu.vector_load %arg22[%get3A_331] {strides = array<i32>} : memref<3280xf32, #tpu.memory_space<vmem>>, vector<16xf32>,
        %ne3A_333 = arith.cmpi ne, %get3A_322, %get3A_328 : vector<16xi32>
        %and3A_334 = arith.constant 32767 : i32
        %and3A_335 = vector.broadcast %and3A_334 : i32 to vector<16xi32>
        %and3A_336 = arith.andi %get3A_322, %and3A_335 : vector<16xi32>
        tpu.vector_store_idx %arg20[%and3A_336], %get3A_332 masked %ne3A_333 : memref<32768xf32, #tpu.memory_space<vmem>>[vector<16xi32>], vector<16xf32>, vector<16xi1>
        %add3A_337 = arith.constant 80 : i32
        %add3A_338 = arith.addi %mul3A_249, %add3A_337 : i32
        %get3A_339 = arith.index_cast %add3A_338 : i32 to index
        %get3A_340 = tpu.vector_load %arg21[%get3A_339] {strides = array<i32>} : memref<3280xi32, #tpu.memory_space<vmem>>, vector<16xi32>,
        %add3A_341 = arith.constant 80 : i32
        %add3A_342 = arith.addi %mul3A_249, %add3A_341 : i32
        %add3A_343 = arith.constant 1 : i32
        %add3A_344 = arith.addi %add3A_342, %add3A_343 : i32
        %get3A_345 = arith.index_cast %add3A_344 : i32 to index
        %get3A_346 = tpu.vector_load %arg21[%get3A_345] {strides = array<i32>} : memref<3280xi32, #tpu.memory_space<vmem>>, vector<16xi32>,
        %add3A_347 = arith.constant 80 : i32
        %add3A_348 = arith.addi %mul3A_249, %add3A_347 : i32
        %get3A_349 = arith.index_cast %add3A_348 : i32 to index
        %get3A_350 = tpu.vector_load %arg22[%get3A_349] {strides = array<i32>} : memref<3280xf32, #tpu.memory_space<vmem>>, vector<16xf32>,
        %ne3A_351 = arith.cmpi ne, %get3A_340, %get3A_346 : vector<16xi32>
        %and3A_352 = arith.constant 32767 : i32
        %and3A_353 = vector.broadcast %and3A_352 : i32 to vector<16xi32>
        %and3A_354 = arith.andi %get3A_340, %and3A_353 : vector<16xi32>
        tpu.vector_store_idx %arg20[%and3A_354], %get3A_350 masked %ne3A_351 : memref<32768xf32, #tpu.memory_space<vmem>>[vector<16xi32>], vector<16xf32>, vector<16xi1>
        %add3A_355 = arith.constant 96 : i32
        %add3A_356 = arith.addi %mul3A_249, %add3A_355 : i32
        %get3A_357 = arith.index_cast %add3A_356 : i32 to index
        %get3A_358 = tpu.vector_load %arg21[%get3A_357] {strides = array<i32>} : memref<3280xi32, #tpu.memory_space<vmem>>, vector<16xi32>,
        %add3A_359 = arith.constant 96 : i32
        %add3A_360 = arith.addi %mul3A_249, %add3A_359 : i32
        %add3A_361 = arith.constant 1 : i32
        %add3A_362 = arith.addi %add3A_360, %add3A_361 : i32
        %get3A_363 = arith.index_cast %add3A_362 : i32 to index
        %get3A_364 = tpu.vector_load %arg21[%get3A_363] {strides = array<i32>} : memref<3280xi32, #tpu.memory_space<vmem>>, vector<16xi32>,
        %add3A_365 = arith.constant 96 : i32
        %add3A_366 = arith.addi %mul3A_249, %add3A_365 : i32
        %get3A_367 = arith.index_cast %add3A_366 : i32 to index
        %get3A_368 = tpu.vector_load %arg22[%get3A_367] {strides = array<i32>} : memref<3280xf32, #tpu.memory_space<vmem>>, vector<16xf32>,
        %ne3A_369 = arith.cmpi ne, %get3A_358, %get3A_364 : vector<16xi32>
        %and3A_370 = arith.constant 32767 : i32
        %and3A_371 = vector.broadcast %and3A_370 : i32 to vector<16xi32>
        %and3A_372 = arith.andi %get3A_358, %and3A_371 : vector<16xi32>
        tpu.vector_store_idx %arg20[%and3A_372], %get3A_368 masked %ne3A_369 : memref<32768xf32, #tpu.memory_space<vmem>>[vector<16xi32>], vector<16xf32>, vector<16xi1>
        %add3A_373 = arith.constant 112 : i32
        %add3A_374 = arith.addi %mul3A_249, %add3A_373 : i32
        %get3A_375 = arith.index_cast %add3A_374 : i32 to index
        %get3A_376 = tpu.vector_load %arg21[%get3A_375] {strides = array<i32>} : memref<3280xi32, #tpu.memory_space<vmem>>, vector<16xi32>,
        %add3A_377 = arith.constant 112 : i32
        %add3A_378 = arith.addi %mul3A_249, %add3A_377 : i32
        %add3A_379 = arith.constant 1 : i32
        %add3A_380 = arith.addi %add3A_378, %add3A_379 : i32
        %get3A_381 = arith.index_cast %add3A_380 : i32 to index
        %get3A_382 = tpu.vector_load %arg21[%get3A_381] {strides = array<i32>} : memref<3280xi32, #tpu.memory_space<vmem>>, vector<16xi32>,
        %add3A_383 = arith.constant 112 : i32
        %add3A_384 = arith.addi %mul3A_249, %add3A_383 : i32
        %get3A_385 = arith.index_cast %add3A_384 : i32 to index
        %get3A_386 = tpu.vector_load %arg22[%get3A_385] {strides = array<i32>} : memref<3280xf32, #tpu.memory_space<vmem>>, vector<16xf32>,
        %ne3A_387 = arith.cmpi ne, %get3A_376, %get3A_382 : vector<16xi32>
        %and3A_388 = arith.constant 32767 : i32
        %and3A_389 = vector.broadcast %and3A_388 : i32 to vector<16xi32>
        %and3A_390 = arith.andi %get3A_376, %and3A_389 : vector<16xi32>
        tpu.vector_store_idx %arg20[%and3A_390], %get3A_386 masked %ne3A_387 : memref<32768xf32, #tpu.memory_space<vmem>>[vector<16xi32>], vector<16xf32>, vector<16xi1>
        %add3A_391 = arith.constant 128 : i32
        %add3A_392 = arith.addi %mul3A_249, %add3A_391 : i32
        %get3A_393 = arith.index_cast %add3A_392 : i32 to index
        %get3A_394 = tpu.vector_load %arg21[%get3A_393] {strides = array<i32>} : memref<3280xi32, #tpu.memory_space<vmem>>, vector<16xi32>,
        %add3A_395 = arith.constant 128 : i32
        %add3A_396 = arith.addi %mul3A_249, %add3A_395 : i32
        %add3A_397 = arith.constant 1 : i32
        %add3A_398 = arith.addi %add3A_396, %add3A_397 : i32
        %get3A_399 = arith.index_cast %add3A_398 : i32 to index
        %get3A_400 = tpu.vector_load %arg21[%get3A_399] {strides = array<i32>} : memref<3280xi32, #tpu.memory_space<vmem>>, vector<16xi32>,
        %add3A_401 = arith.constant 128 : i32
        %add3A_402 = arith.addi %mul3A_249, %add3A_401 : i32
        %get3A_403 = arith.index_cast %add3A_402 : i32 to index
        %get3A_404 = tpu.vector_load %arg22[%get3A_403] {strides = array<i32>} : memref<3280xf32, #tpu.memory_space<vmem>>, vector<16xf32>,
        %ne3A_405 = arith.cmpi ne, %get3A_394, %get3A_400 : vector<16xi32>
        %and3A_406 = arith.constant 32767 : i32
        %and3A_407 = vector.broadcast %and3A_406 : i32 to vector<16xi32>
        %and3A_408 = arith.andi %get3A_394, %and3A_407 : vector<16xi32>
        tpu.vector_store_idx %arg20[%and3A_408], %get3A_404 masked %ne3A_405 : memref<32768xf32, #tpu.memory_space<vmem>>[vector<16xi32>], vector<16xf32>, vector<16xi1>
        %add3A_409 = arith.constant 144 : i32
        %add3A_410 = arith.addi %mul3A_249, %add3A_409 : i32
        %get3A_411 = arith.index_cast %add3A_410 : i32 to index
        %get3A_412 = tpu.vector_load %arg21[%get3A_411] {strides = array<i32>} : memref<3280xi32, #tpu.memory_space<vmem>>, vector<16xi32>,
        %add3A_413 = arith.constant 144 : i32
        %add3A_414 = arith.addi %mul3A_249, %add3A_413 : i32
        %add3A_415 = arith.constant 1 : i32
        %add3A_416 = arith.addi %add3A_414, %add3A_415 : i32
        %get3A_417 = arith.index_cast %add3A_416 : i32 to index
        %get3A_418 = tpu.vector_load %arg21[%get3A_417] {strides = array<i32>} : memref<3280xi32, #tpu.memory_space<vmem>>, vector<16xi32>,
        %add3A_419 = arith.constant 144 : i32
        %add3A_420 = arith.addi %mul3A_249, %add3A_419 : i32
        %get3A_421 = arith.index_cast %add3A_420 : i32 to index
        %get3A_422 = tpu.vector_load %arg22[%get3A_421] {strides = array<i32>} : memref<3280xf32, #tpu.memory_space<vmem>>, vector<16xf32>,
        %ne3A_423 = arith.cmpi ne, %get3A_412, %get3A_418 : vector<16xi32>
        %and3A_424 = arith.constant 32767 : i32
        %and3A_425 = vector.broadcast %and3A_424 : i32 to vector<16xi32>
        %and3A_426 = arith.andi %get3A_412, %and3A_425 : vector<16xi32>
        tpu.vector_store_idx %arg20[%and3A_426], %get3A_422 masked %ne3A_423 : memref<32768xf32, #tpu.memory_space<vmem>>[vector<16xi32>], vector<16xf32>, vector<16xi1>
        %add3A_427 = arith.constant 160 : i32
        %add3A_428 = arith.addi %mul3A_249, %add3A_427 : i32
        %get3A_429 = arith.index_cast %add3A_428 : i32 to index
        %get3A_430 = tpu.vector_load %arg21[%get3A_429] {strides = array<i32>} : memref<3280xi32, #tpu.memory_space<vmem>>, vector<16xi32>,
        %add3A_431 = arith.constant 160 : i32
        %add3A_432 = arith.addi %mul3A_249, %add3A_431 : i32
        %add3A_433 = arith.constant 1 : i32
        %add3A_434 = arith.addi %add3A_432, %add3A_433 : i32
        %get3A_435 = arith.index_cast %add3A_434 : i32 to index
        %get3A_436 = tpu.vector_load %arg21[%get3A_435] {strides = array<i32>} : memref<3280xi32, #tpu.memory_space<vmem>>, vector<16xi32>,
        %add3A_437 = arith.constant 160 : i32
        %add3A_438 = arith.addi %mul3A_249, %add3A_437 : i32
        %get3A_439 = arith.index_cast %add3A_438 : i32 to index
        %get3A_440 = tpu.vector_load %arg22[%get3A_439] {strides = array<i32>} : memref<3280xf32, #tpu.memory_space<vmem>>, vector<16xf32>,
        %ne3A_441 = arith.cmpi ne, %get3A_430, %get3A_436 : vector<16xi32>
        %and3A_442 = arith.constant 32767 : i32
        %and3A_443 = vector.broadcast %and3A_442 : i32 to vector<16xi32>
        %and3A_444 = arith.andi %get3A_430, %and3A_443 : vector<16xi32>
        tpu.vector_store_idx %arg20[%and3A_444], %get3A_440 masked %ne3A_441 : memref<32768xf32, #tpu.memory_space<vmem>>[vector<16xi32>], vector<16xf32>, vector<16xi1>
        %add3A_445 = arith.constant 176 : i32
        %add3A_446 = arith.addi %mul3A_249, %add3A_445 : i32
        %get3A_447 = arith.index_cast %add3A_446 : i32 to index
        %get3A_448 = tpu.vector_load %arg21[%get3A_447] {strides = array<i32>} : memref<3280xi32, #tpu.memory_space<vmem>>, vector<16xi32>,
        %add3A_449 = arith.constant 176 : i32
        %add3A_450 = arith.addi %mul3A_249, %add3A_449 : i32
        %add3A_451 = arith.constant 1 : i32
        %add3A_452 = arith.addi %add3A_450, %add3A_451 : i32
        %get3A_453 = arith.index_cast %add3A_452 : i32 to index
        %get3A_454 = tpu.vector_load %arg21[%get3A_453] {strides = array<i32>} : memref<3280xi32, #tpu.memory_space<vmem>>, vector<16xi32>,
        %add3A_455 = arith.constant 176 : i32
        %add3A_456 = arith.addi %mul3A_249, %add3A_455 : i32
        %get3A_457 = arith.index_cast %add3A_456 : i32 to index
        %get3A_458 = tpu.vector_load %arg22[%get3A_457] {strides = array<i32>} : memref<3280xf32, #tpu.memory_space<vmem>>, vector<16xf32>,
        %ne3A_459 = arith.cmpi ne, %get3A_448, %get3A_454 : vector<16xi32>
        %and3A_460 = arith.constant 32767 : i32
        %and3A_461 = vector.broadcast %and3A_460 : i32 to vector<16xi32>
        %and3A_462 = arith.andi %get3A_448, %and3A_461 : vector<16xi32>
        tpu.vector_store_idx %arg20[%and3A_462], %get3A_458 masked %ne3A_459 : memref<32768xf32, #tpu.memory_space<vmem>>[vector<16xi32>], vector<16xf32>, vector<16xi1>
        %add3A_463 = arith.constant 192 : i32
        %add3A_464 = arith.addi %mul3A_249, %add3A_463 : i32
        %get3A_465 = arith.index_cast %add3A_464 : i32 to index
        %get3A_466 = tpu.vector_load %arg21[%get3A_465] {strides = array<i32>} : memref<3280xi32, #tpu.memory_space<vmem>>, vector<16xi32>,
        %add3A_467 = arith.constant 192 : i32
        %add3A_468 = arith.addi %mul3A_249, %add3A_467 : i32
        %add3A_469 = arith.constant 1 : i32
        %add3A_470 = arith.addi %add3A_468, %add3A_469 : i32
        %get3A_471 = arith.index_cast %add3A_470 : i32 to index
        %get3A_472 = tpu.vector_load %arg21[%get3A_471] {strides = array<i32>} : memref<3280xi32, #tpu.memory_space<vmem>>, vector<16xi32>,
        %add3A_473 = arith.constant 192 : i32
        %add3A_474 = arith.addi %mul3A_249, %add3A_473 : i32
        %get3A_475 = arith.index_cast %add3A_474 : i32 to index
        %get3A_476 = tpu.vector_load %arg22[%get3A_475] {strides = array<i32>} : memref<3280xf32, #tpu.memory_space<vmem>>, vector<16xf32>,
        %ne3A_477 = arith.cmpi ne, %get3A_466, %get3A_472 : vector<16xi32>
        %and3A_478 = arith.constant 32767 : i32
        %and3A_479 = vector.broadcast %and3A_478 : i32 to vector<16xi32>
        %and3A_480 = arith.andi %get3A_466, %and3A_479 : vector<16xi32>
        tpu.vector_store_idx %arg20[%and3A_480], %get3A_476 masked %ne3A_477 : memref<32768xf32, #tpu.memory_space<vmem>>[vector<16xi32>], vector<16xf32>, vector<16xi1>
        %add3A_481 = arith.constant 208 : i32
        %add3A_482 = arith.addi %mul3A_249, %add3A_481 : i32
        %get3A_483 = arith.index_cast %add3A_482 : i32 to index
        %get3A_484 = tpu.vector_load %arg21[%get3A_483] {strides = array<i32>} : memref<3280xi32, #tpu.memory_space<vmem>>, vector<16xi32>,
        %add3A_485 = arith.constant 208 : i32
        %add3A_486 = arith.addi %mul3A_249, %add3A_485 : i32
        %add3A_487 = arith.constant 1 : i32
        %add3A_488 = arith.addi %add3A_486, %add3A_487 : i32
        %get3A_489 = arith.index_cast %add3A_488 : i32 to index
        %get3A_490 = tpu.vector_load %arg21[%get3A_489] {strides = array<i32>} : memref<3280xi32, #tpu.memory_space<vmem>>, vector<16xi32>,
        %add3A_491 = arith.constant 208 : i32
        %add3A_492 = arith.addi %mul3A_249, %add3A_491 : i32
        %get3A_493 = arith.index_cast %add3A_492 : i32 to index
        %get3A_494 = tpu.vector_load %arg22[%get3A_493] {strides = array<i32>} : memref<3280xf32, #tpu.memory_space<vmem>>, vector<16xf32>,
        %ne3A_495 = arith.cmpi ne, %get3A_484, %get3A_490 : vector<16xi32>
        %and3A_496 = arith.constant 32767 : i32
        %and3A_497 = vector.broadcast %and3A_496 : i32 to vector<16xi32>
        %and3A_498 = arith.andi %get3A_484, %and3A_497 : vector<16xi32>
        tpu.vector_store_idx %arg20[%and3A_498], %get3A_494 masked %ne3A_495 : memref<32768xf32, #tpu.memory_space<vmem>>[vector<16xi32>], vector<16xf32>, vector<16xi1>
        %add3A_499 = arith.constant 224 : i32
        %add3A_500 = arith.addi %mul3A_249, %add3A_499 : i32
        %get3A_501 = arith.index_cast %add3A_500 : i32 to index
        %get3A_502 = tpu.vector_load %arg21[%get3A_501] {strides = array<i32>} : memref<3280xi32, #tpu.memory_space<vmem>>, vector<16xi32>,
        %add3A_503 = arith.constant 224 : i32
        %add3A_504 = arith.addi %mul3A_249, %add3A_503 : i32
        %add3A_505 = arith.constant 1 : i32
        %add3A_506 = arith.addi %add3A_504, %add3A_505 : i32
        %get3A_507 = arith.index_cast %add3A_506 : i32 to index
        %get3A_508 = tpu.vector_load %arg21[%get3A_507] {strides = array<i32>} : memref<3280xi32, #tpu.memory_space<vmem>>, vector<16xi32>,
        %add3A_509 = arith.constant 224 : i32
        %add3A_510 = arith.addi %mul3A_249, %add3A_509 : i32
        %get3A_511 = arith.index_cast %add3A_510 : i32 to index
        %get3A_512 = tpu.vector_load %arg22[%get3A_511] {strides = array<i32>} : memref<3280xf32, #tpu.memory_space<vmem>>, vector<16xf32>,
        %ne3A_513 = arith.cmpi ne, %get3A_502, %get3A_508 : vector<16xi32>
        %and3A_514 = arith.constant 32767 : i32
        %and3A_515 = vector.broadcast %and3A_514 : i32 to vector<16xi32>
        %and3A_516 = arith.andi %get3A_502, %and3A_515 : vector<16xi32>
        tpu.vector_store_idx %arg20[%and3A_516], %get3A_512 masked %ne3A_513 : memref<32768xf32, #tpu.memory_space<vmem>>[vector<16xi32>], vector<16xf32>, vector<16xi1>
        %add3A_517 = arith.constant 240 : i32
        %add3A_518 = arith.addi %mul3A_249, %add3A_517 : i32
        %get3A_519 = arith.index_cast %add3A_518 : i32 to index
        %get3A_520 = tpu.vector_load %arg21[%get3A_519] {strides = array<i32>} : memref<3280xi32, #tpu.memory_space<vmem>>, vector<16xi32>,
        %add3A_521 = arith.constant 240 : i32
        %add3A_522 = arith.addi %mul3A_249, %add3A_521 : i32
        %add3A_523 = arith.constant 1 : i32
        %add3A_524 = arith.addi %add3A_522, %add3A_523 : i32
        %get3A_525 = arith.index_cast %add3A_524 : i32 to index
        %get3A_526 = tpu.vector_load %arg21[%get3A_525] {strides = array<i32>} : memref<3280xi32, #tpu.memory_space<vmem>>, vector<16xi32>,
        %add3A_527 = arith.constant 240 : i32
        %add3A_528 = arith.addi %mul3A_249, %add3A_527 : i32
        %get3A_529 = arith.index_cast %add3A_528 : i32 to index
        %get3A_530 = tpu.vector_load %arg22[%get3A_529] {strides = array<i32>} : memref<3280xf32, #tpu.memory_space<vmem>>, vector<16xf32>,
        %ne3A_531 = arith.cmpi ne, %get3A_520, %get3A_526 : vector<16xi32>
        %and3A_532 = arith.constant 32767 : i32
        %and3A_533 = vector.broadcast %and3A_532 : i32 to vector<16xi32>
        %and3A_534 = arith.andi %get3A_520, %and3A_533 : vector<16xi32>
        tpu.vector_store_idx %arg20[%and3A_534], %get3A_530 masked %ne3A_531 : memref<32768xf32, #tpu.memory_space<vmem>>[vector<16xi32>], vector<16xf32>, vector<16xi1>
        %add3A_535 = arith.constant 256 : i32
        %add3A_536 = arith.addi %mul3A_249, %add3A_535 : i32
        %get3A_537 = arith.index_cast %add3A_536 : i32 to index
        %get3A_538 = tpu.vector_load %arg21[%get3A_537] {strides = array<i32>} : memref<3280xi32, #tpu.memory_space<vmem>>, vector<16xi32>,
        %add3A_539 = arith.constant 256 : i32
        %add3A_540 = arith.addi %mul3A_249, %add3A_539 : i32
        %add3A_541 = arith.constant 1 : i32
        %add3A_542 = arith.addi %add3A_540, %add3A_541 : i32
        %get3A_543 = arith.index_cast %add3A_542 : i32 to index
        %get3A_544 = tpu.vector_load %arg21[%get3A_543] {strides = array<i32>} : memref<3280xi32, #tpu.memory_space<vmem>>, vector<16xi32>,
        %add3A_545 = arith.constant 256 : i32
        %add3A_546 = arith.addi %mul3A_249, %add3A_545 : i32
        %get3A_547 = arith.index_cast %add3A_546 : i32 to index
        %get3A_548 = tpu.vector_load %arg22[%get3A_547] {strides = array<i32>} : memref<3280xf32, #tpu.memory_space<vmem>>, vector<16xf32>,
        %ne3A_549 = arith.cmpi ne, %get3A_538, %get3A_544 : vector<16xi32>
        %and3A_550 = arith.constant 32767 : i32
        %and3A_551 = vector.broadcast %and3A_550 : i32 to vector<16xi32>
        %and3A_552 = arith.andi %get3A_538, %and3A_551 : vector<16xi32>
        tpu.vector_store_idx %arg20[%and3A_552], %get3A_548 masked %ne3A_549 : memref<32768xf32, #tpu.memory_space<vmem>>[vector<16xi32>], vector<16xf32>, vector<16xi1>
        %add3A_553 = arith.constant 272 : i32
        %add3A_554 = arith.addi %mul3A_249, %add3A_553 : i32
        %get3A_555 = arith.index_cast %add3A_554 : i32 to index
        %get3A_556 = tpu.vector_load %arg21[%get3A_555] {strides = array<i32>} : memref<3280xi32, #tpu.memory_space<vmem>>, vector<16xi32>,
        %add3A_557 = arith.constant 272 : i32
        %add3A_558 = arith.addi %mul3A_249, %add3A_557 : i32
        %add3A_559 = arith.constant 1 : i32
        %add3A_560 = arith.addi %add3A_558, %add3A_559 : i32
        %get3A_561 = arith.index_cast %add3A_560 : i32 to index
        %get3A_562 = tpu.vector_load %arg21[%get3A_561] {strides = array<i32>} : memref<3280xi32, #tpu.memory_space<vmem>>, vector<16xi32>,
        %add3A_563 = arith.constant 272 : i32
        %add3A_564 = arith.addi %mul3A_249, %add3A_563 : i32
        %get3A_565 = arith.index_cast %add3A_564 : i32 to index
        %get3A_566 = tpu.vector_load %arg22[%get3A_565] {strides = array<i32>} : memref<3280xf32, #tpu.memory_space<vmem>>, vector<16xf32>,
        %ne3A_567 = arith.cmpi ne, %get3A_556, %get3A_562 : vector<16xi32>
        %and3A_568 = arith.constant 32767 : i32
        %and3A_569 = vector.broadcast %and3A_568 : i32 to vector<16xi32>
        %and3A_570 = arith.andi %get3A_556, %and3A_569 : vector<16xi32>
        tpu.vector_store_idx %arg20[%and3A_570], %get3A_566 masked %ne3A_567 : memref<32768xf32, #tpu.memory_space<vmem>>[vector<16xi32>], vector<16xf32>, vector<16xi1>
        %add3A_571 = arith.constant 288 : i32
        %add3A_572 = arith.addi %mul3A_249, %add3A_571 : i32
        %get3A_573 = arith.index_cast %add3A_572 : i32 to index
        %get3A_574 = tpu.vector_load %arg21[%get3A_573] {strides = array<i32>} : memref<3280xi32, #tpu.memory_space<vmem>>, vector<16xi32>,
        %add3A_575 = arith.constant 288 : i32
        %add3A_576 = arith.addi %mul3A_249, %add3A_575 : i32
        %add3A_577 = arith.constant 1 : i32
        %add3A_578 = arith.addi %add3A_576, %add3A_577 : i32
        %get3A_579 = arith.index_cast %add3A_578 : i32 to index
        %get3A_580 = tpu.vector_load %arg21[%get3A_579] {strides = array<i32>} : memref<3280xi32, #tpu.memory_space<vmem>>, vector<16xi32>,
        %add3A_581 = arith.constant 288 : i32
        %add3A_582 = arith.addi %mul3A_249, %add3A_581 : i32
        %get3A_583 = arith.index_cast %add3A_582 : i32 to index
        %get3A_584 = tpu.vector_load %arg22[%get3A_583] {strides = array<i32>} : memref<3280xf32, #tpu.memory_space<vmem>>, vector<16xf32>,
        %ne3A_585 = arith.cmpi ne, %get3A_574, %get3A_580 : vector<16xi32>
        %and3A_586 = arith.constant 32767 : i32
        %and3A_587 = vector.broadcast %and3A_586 : i32 to vector<16xi32>
        %and3A_588 = arith.andi %get3A_574, %and3A_587 : vector<16xi32>
        tpu.vector_store_idx %arg20[%and3A_588], %get3A_584 masked %ne3A_585 : memref<32768xf32, #tpu.memory_space<vmem>>[vector<16xi32>], vector<16xf32>, vector<16xi1>
        %add3A_589 = arith.constant 304 : i32
        %add3A_590 = arith.addi %mul3A_249, %add3A_589 : i32
        %get3A_591 = arith.index_cast %add3A_590 : i32 to index
        %get3A_592 = tpu.vector_load %arg21[%get3A_591] {strides = array<i32>} : memref<3280xi32, #tpu.memory_space<vmem>>, vector<16xi32>,
        %add3A_593 = arith.constant 304 : i32
        %add3A_594 = arith.addi %mul3A_249, %add3A_593 : i32
        %add3A_595 = arith.constant 1 : i32
        %add3A_596 = arith.addi %add3A_594, %add3A_595 : i32
        %get3A_597 = arith.index_cast %add3A_596 : i32 to index
        %get3A_598 = tpu.vector_load %arg21[%get3A_597] {strides = array<i32>} : memref<3280xi32, #tpu.memory_space<vmem>>, vector<16xi32>,
        %add3A_599 = arith.constant 304 : i32
        %add3A_600 = arith.addi %mul3A_249, %add3A_599 : i32
        %get3A_601 = arith.index_cast %add3A_600 : i32 to index
        %get3A_602 = tpu.vector_load %arg22[%get3A_601] {strides = array<i32>} : memref<3280xf32, #tpu.memory_space<vmem>>, vector<16xf32>,
        %ne3A_603 = arith.cmpi ne, %get3A_592, %get3A_598 : vector<16xi32>
        %and3A_604 = arith.constant 32767 : i32
        %and3A_605 = vector.broadcast %and3A_604 : i32 to vector<16xi32>
        %and3A_606 = arith.andi %get3A_592, %and3A_605 : vector<16xi32>
        tpu.vector_store_idx %arg20[%and3A_606], %get3A_602 masked %ne3A_603 : memref<32768xf32, #tpu.memory_space<vmem>>[vector<16xi32>], vector<16xf32>, vector<16xi1>
        %add3A_607 = arith.constant 320 : i32
        %add3A_608 = arith.addi %mul3A_249, %add3A_607 : i32
        %get3A_609 = arith.index_cast %add3A_608 : i32 to index
        %get3A_610 = tpu.vector_load %arg21[%get3A_609] {strides = array<i32>} : memref<3280xi32, #tpu.memory_space<vmem>>, vector<16xi32>,
        %add3A_611 = arith.constant 320 : i32
        %add3A_612 = arith.addi %mul3A_249, %add3A_611 : i32
        %add3A_613 = arith.constant 1 : i32
        %add3A_614 = arith.addi %add3A_612, %add3A_613 : i32
        %get3A_615 = arith.index_cast %add3A_614 : i32 to index
        %get3A_616 = tpu.vector_load %arg21[%get3A_615] {strides = array<i32>} : memref<3280xi32, #tpu.memory_space<vmem>>, vector<16xi32>,
        %add3A_617 = arith.constant 320 : i32
        %add3A_618 = arith.addi %mul3A_249, %add3A_617 : i32
        %get3A_619 = arith.index_cast %add3A_618 : i32 to index
        %get3A_620 = tpu.vector_load %arg22[%get3A_619] {strides = array<i32>} : memref<3280xf32, #tpu.memory_space<vmem>>, vector<16xf32>,
        %ne3A_621 = arith.cmpi ne, %get3A_610, %get3A_616 : vector<16xi32>
        %and3A_622 = arith.constant 32767 : i32
        %and3A_623 = vector.broadcast %and3A_622 : i32 to vector<16xi32>
        %and3A_624 = arith.andi %get3A_610, %and3A_623 : vector<16xi32>
        tpu.vector_store_idx %arg20[%and3A_624], %get3A_620 masked %ne3A_621 : memref<32768xf32, #tpu.memory_space<vmem>>[vector<16xi32>], vector<16xf32>, vector<16xi1>
        %add3A_625 = arith.constant 336 : i32
        %add3A_626 = arith.addi %mul3A_249, %add3A_625 : i32
        %get3A_627 = arith.index_cast %add3A_626 : i32 to index
        %get3A_628 = tpu.vector_load %arg21[%get3A_627] {strides = array<i32>} : memref<3280xi32, #tpu.memory_space<vmem>>, vector<16xi32>,
        %add3A_629 = arith.constant 336 : i32
        %add3A_630 = arith.addi %mul3A_249, %add3A_629 : i32
        %add3A_631 = arith.constant 1 : i32
        %add3A_632 = arith.addi %add3A_630, %add3A_631 : i32
        %get3A_633 = arith.index_cast %add3A_632 : i32 to index
        %get3A_634 = tpu.vector_load %arg21[%get3A_633] {strides = array<i32>} : memref<3280xi32, #tpu.memory_space<vmem>>, vector<16xi32>,
        %add3A_635 = arith.constant 336 : i32
        %add3A_636 = arith.addi %mul3A_249, %add3A_635 : i32
        %get3A_637 = arith.index_cast %add3A_636 : i32 to index
        %get3A_638 = tpu.vector_load %arg22[%get3A_637] {strides = array<i32>} : memref<3280xf32, #tpu.memory_space<vmem>>, vector<16xf32>,
        %ne3A_639 = arith.cmpi ne, %get3A_628, %get3A_634 : vector<16xi32>
        %and3A_640 = arith.constant 32767 : i32
        %and3A_641 = vector.broadcast %and3A_640 : i32 to vector<16xi32>
        %and3A_642 = arith.andi %get3A_628, %and3A_641 : vector<16xi32>
        tpu.vector_store_idx %arg20[%and3A_642], %get3A_638 masked %ne3A_639 : memref<32768xf32, #tpu.memory_space<vmem>>[vector<16xi32>], vector<16xf32>, vector<16xi1>
        %add3A_643 = arith.constant 352 : i32
        %add3A_644 = arith.addi %mul3A_249, %add3A_643 : i32
        %get3A_645 = arith.index_cast %add3A_644 : i32 to index
        %get3A_646 = tpu.vector_load %arg21[%get3A_645] {strides = array<i32>} : memref<3280xi32, #tpu.memory_space<vmem>>, vector<16xi32>,
        %add3A_647 = arith.constant 352 : i32
        %add3A_648 = arith.addi %mul3A_249, %add3A_647 : i32
        %add3A_649 = arith.constant 1 : i32
        %add3A_650 = arith.addi %add3A_648, %add3A_649 : i32
        %get3A_651 = arith.index_cast %add3A_650 : i32 to index
        %get3A_652 = tpu.vector_load %arg21[%get3A_651] {strides = array<i32>} : memref<3280xi32, #tpu.memory_space<vmem>>, vector<16xi32>,
        %add3A_653 = arith.constant 352 : i32
        %add3A_654 = arith.addi %mul3A_249, %add3A_653 : i32
        %get3A_655 = arith.index_cast %add3A_654 : i32 to index
        %get3A_656 = tpu.vector_load %arg22[%get3A_655] {strides = array<i32>} : memref<3280xf32, #tpu.memory_space<vmem>>, vector<16xf32>,
        %ne3A_657 = arith.cmpi ne, %get3A_646, %get3A_652 : vector<16xi32>
        %and3A_658 = arith.constant 32767 : i32
        %and3A_659 = vector.broadcast %and3A_658 : i32 to vector<16xi32>
        %and3A_660 = arith.andi %get3A_646, %and3A_659 : vector<16xi32>
        tpu.vector_store_idx %arg20[%and3A_660], %get3A_656 masked %ne3A_657 : memref<32768xf32, #tpu.memory_space<vmem>>[vector<16xi32>], vector<16xf32>, vector<16xi1>
        %add3A_661 = arith.constant 368 : i32
        %add3A_662 = arith.addi %mul3A_249, %add3A_661 : i32
        %get3A_663 = arith.index_cast %add3A_662 : i32 to index
        %get3A_664 = tpu.vector_load %arg21[%get3A_663] {strides = array<i32>} : memref<3280xi32, #tpu.memory_space<vmem>>, vector<16xi32>,
        %add3A_665 = arith.constant 368 : i32
        %add3A_666 = arith.addi %mul3A_249, %add3A_665 : i32
        %add3A_667 = arith.constant 1 : i32
        %add3A_668 = arith.addi %add3A_666, %add3A_667 : i32
        %get3A_669 = arith.index_cast %add3A_668 : i32 to index
        %get3A_670 = tpu.vector_load %arg21[%get3A_669] {strides = array<i32>} : memref<3280xi32, #tpu.memory_space<vmem>>, vector<16xi32>,
        %add3A_671 = arith.constant 368 : i32
        %add3A_672 = arith.addi %mul3A_249, %add3A_671 : i32
        %get3A_673 = arith.index_cast %add3A_672 : i32 to index
        %get3A_674 = tpu.vector_load %arg22[%get3A_673] {strides = array<i32>} : memref<3280xf32, #tpu.memory_space<vmem>>, vector<16xf32>,
        %ne3A_675 = arith.cmpi ne, %get3A_664, %get3A_670 : vector<16xi32>
        %and3A_676 = arith.constant 32767 : i32
        %and3A_677 = vector.broadcast %and3A_676 : i32 to vector<16xi32>
        %and3A_678 = arith.andi %get3A_664, %and3A_677 : vector<16xi32>
        tpu.vector_store_idx %arg20[%and3A_678], %get3A_674 masked %ne3A_675 : memref<32768xf32, #tpu.memory_space<vmem>>[vector<16xi32>], vector<16xf32>, vector<16xi1>
        %add3A_679 = arith.constant 384 : i32
        %add3A_680 = arith.addi %mul3A_249, %add3A_679 : i32
        %get3A_681 = arith.index_cast %add3A_680 : i32 to index
        %get3A_682 = tpu.vector_load %arg21[%get3A_681] {strides = array<i32>} : memref<3280xi32, #tpu.memory_space<vmem>>, vector<16xi32>,
        %add3A_683 = arith.constant 384 : i32
        %add3A_684 = arith.addi %mul3A_249, %add3A_683 : i32
        %add3A_685 = arith.constant 1 : i32
        %add3A_686 = arith.addi %add3A_684, %add3A_685 : i32
        %get3A_687 = arith.index_cast %add3A_686 : i32 to index
        %get3A_688 = tpu.vector_load %arg21[%get3A_687] {strides = array<i32>} : memref<3280xi32, #tpu.memory_space<vmem>>, vector<16xi32>,
        %add3A_689 = arith.constant 384 : i32
        %add3A_690 = arith.addi %mul3A_249, %add3A_689 : i32
        %get3A_691 = arith.index_cast %add3A_690 : i32 to index
        %get3A_692 = tpu.vector_load %arg22[%get3A_691] {strides = array<i32>} : memref<3280xf32, #tpu.memory_space<vmem>>, vector<16xf32>,
        %ne3A_693 = arith.cmpi ne, %get3A_682, %get3A_688 : vector<16xi32>
        %and3A_694 = arith.constant 32767 : i32
        %and3A_695 = vector.broadcast %and3A_694 : i32 to vector<16xi32>
        %and3A_696 = arith.andi %get3A_682, %and3A_695 : vector<16xi32>
        tpu.vector_store_idx %arg20[%and3A_696], %get3A_692 masked %ne3A_693 : memref<32768xf32, #tpu.memory_space<vmem>>[vector<16xi32>], vector<16xf32>, vector<16xi1>
        %add3A_697 = arith.constant 400 : i32
        %add3A_698 = arith.addi %mul3A_249, %add3A_697 : i32
        %get3A_699 = arith.index_cast %add3A_698 : i32 to index
        %get3A_700 = tpu.vector_load %arg21[%get3A_699] {strides = array<i32>} : memref<3280xi32, #tpu.memory_space<vmem>>, vector<16xi32>,
        %add3A_701 = arith.constant 400 : i32
        %add3A_702 = arith.addi %mul3A_249, %add3A_701 : i32
        %add3A_703 = arith.constant 1 : i32
        %add3A_704 = arith.addi %add3A_702, %add3A_703 : i32
        %get3A_705 = arith.index_cast %add3A_704 : i32 to index
        %get3A_706 = tpu.vector_load %arg21[%get3A_705] {strides = array<i32>} : memref<3280xi32, #tpu.memory_space<vmem>>, vector<16xi32>,
        %add3A_707 = arith.constant 400 : i32
        %add3A_708 = arith.addi %mul3A_249, %add3A_707 : i32
        %get3A_709 = arith.index_cast %add3A_708 : i32 to index
        %get3A_710 = tpu.vector_load %arg22[%get3A_709] {strides = array<i32>} : memref<3280xf32, #tpu.memory_space<vmem>>, vector<16xf32>,
        %ne3A_711 = arith.cmpi ne, %get3A_700, %get3A_706 : vector<16xi32>
        %and3A_712 = arith.andi %lt3A_4, %ne3A_711 : vector<16xi1>
        %or3A = arith.ori %eq3A_6, %and3A_712 : vector<16xi1>
        %and3A_713 = arith.constant 32767 : i32
        %and3A_714 = vector.broadcast %and3A_713 : i32 to vector<16xi32>
        %and3A_715 = arith.andi %get3A_700, %and3A_714 : vector<16xi32>
        tpu.vector_store_idx %arg20[%and3A_715], %get3A_710 masked %or3A : memref<32768xf32, #tpu.memory_space<vmem>>[vector<16xi32>], vector<16xf32>, vector<16xi1>
      }
      %scan3A_229 = arith.constant 8 : i32
      %mul3A_230 = arith.constant 8 : i32
      %mul3A_231 = arith.muli %add3A_200, %mul3A_230 : i32
      %add3A_232 = arith.addi %mul3A_2, %mul3A_231 : i32
      %mul3A_233 = arith.constant 4096 : i32
      %mul3A_234 = arith.muli %add3A_232, %mul3A_233 : i32
      %dma_start3A_235 = tpu.memref_slice %arg5[%mul3A_234] : memref<67108864xf32, #tpu.memory_space<hbm>> -> memref<32768xf32, #tpu.memory_space<hbm>>
      %dma_start3A_236 = tpu.memref_slice %arg5[%mul3A_234] : memref<67108864xf32, #tpu.memory_space<hbm>> -> memref<32768xf32, #tpu.memory_space<hbm>>
      tpu.enqueue_dma source(%arg20 : memref<32768xf32, #tpu.memory_space<vmem>>) target(%dma_start3A_236 : memref<32768xf32, #tpu.memory_space<hbm>>) target_semaphore(%arg26 : memref<!tpu.dma_semaphore, #tpu.memory_space<semaphore_mem>>)
      %ge3A_237 = arith.constant 1 : i32
      %ge3A_238 = arith.cmpi sge, %add3A_200, %ge3A_237 : i32
      %convert_element_type3A_239 = arith.extui %ge3A_238 : i1 to i32
      %cond3A_240 = arith.constant 0 : i32
      %cond3A_241 = arith.cmpi ne, %convert_element_type3A_239, %cond3A_240 : i32
      scf.if %cond3A_241 {
        %sub3A = arith.constant 1 : i32
        %sub3A_247 = arith.subi %add3A_200, %sub3A : i32
        %mul3A_248 = arith.constant 8 : i32
        %mul3A_249 = arith.muli %sub3A_247, %mul3A_248 : i32
        %add3A_250 = arith.addi %mul3A_2, %mul3A_249 : i32
        %mul3A_251 = arith.constant 4096 : i32
        %mul3A_252 = arith.muli %add3A_250, %mul3A_251 : i32
        %dma_wait3A_253 = tpu.memref_slice %arg5[%mul3A_252] : memref<67108864xf32, #tpu.memory_space<hbm>> -> memref<32768xf32, #tpu.memory_space<hbm>>
        %dma_wait3A_254 = tpu.memref_slice %arg5[%mul3A_252] : memref<67108864xf32, #tpu.memory_space<hbm>> -> memref<32768xf32, #tpu.memory_space<hbm>>
        tpu.wait_dma2 semaphore(%arg19 : memref<!tpu.dma_semaphore, #tpu.memory_space<semaphore_mem>>) src(%arg13 : memref<32768xf32, #tpu.memory_space<vmem>>) dst(%dma_wait3A_254 : memref<32768xf32, #tpu.memory_space<hbm>>)
      } else {
      }
      %le3A_242 = arith.constant 61 : i32
      %le3A_243 = arith.cmpi sle, %add3A_200, %le3A_242 : i32
      %convert_element_type3A_244 = arith.extui %le3A_243 : i1 to i32
      %cond3A_245 = arith.constant 0 : i32
      %cond3A_246 = arith.cmpi ne, %convert_element_type3A_244, %cond3A_245 : i32
      scf.if %cond3A_246 {
        %add3A_247 = arith.constant 2 : i32
        %add3A_248 = arith.addi %add3A_200, %add3A_247 : i32
        %mul3A_249 = arith.constant 8 : i32
        %mul3A_250 = arith.muli %add3A_248, %mul3A_249 : i32
        %add3A_251 = arith.addi %mul3A_2, %mul3A_250 : i32
        %mul3A_252 = arith.constant 4096 : i32
        %mul3A_253 = arith.muli %add3A_251, %mul3A_252 : i32
        %mul3A_254 = arith.constant 409 : i32
        %mul3A_255 = arith.muli %add3A_251, %mul3A_254 : i32
        %mul3A_256 = arith.constant 409 : i32
        %mul3A_257 = arith.muli %add3A_251, %mul3A_256 : i32
        %dma_start3A_258 = tpu.memref_slice %arg2[%mul3A_253] : memref<67108864xf32, #tpu.memory_space<hbm>> -> memref<32768xf32, #tpu.memory_space<hbm>>
        %dma_start3A_259 = tpu.memref_slice %arg2[%mul3A_253] : memref<67108864xf32, #tpu.memory_space<hbm>> -> memref<32768xf32, #tpu.memory_space<hbm>>
        tpu.enqueue_dma source(%dma_start3A_259 : memref<32768xf32, #tpu.memory_space<hbm>>) target(%arg13 : memref<32768xf32, #tpu.memory_space<vmem>>) target_semaphore(%arg16 : memref<!tpu.dma_semaphore, #tpu.memory_space<semaphore_mem>>)
        %dma_start3A_260 = arith.constant 0 : i32
        %dma_start3A_261 = tpu.memref_slice %arg14[%dma_start3A_260] : memref<3280xi32, #tpu.memory_space<vmem>> -> memref<3272xi32, #tpu.memory_space<vmem>>
        %dma_start3A_262 = tpu.memref_slice %arg3[%mul3A_255] : memref<6701056xi32, #tpu.memory_space<hbm>> -> memref<3272xi32, #tpu.memory_space<hbm>>
        %dma_start3A_263 = arith.constant 0 : i32
        %dma_start3A_264 = tpu.memref_slice %arg14[%dma_start3A_263] : memref<3280xi32, #tpu.memory_space<vmem>> -> memref<3272xi32, #tpu.memory_space<vmem>>
        %dma_start3A_265 = tpu.memref_slice %arg3[%mul3A_255] : memref<6701056xi32, #tpu.memory_space<hbm>> -> memref<3272xi32, #tpu.memory_space<hbm>>
        tpu.enqueue_dma source(%dma_start3A_265 : memref<3272xi32, #tpu.memory_space<hbm>>) target(%dma_start3A_264 : memref<3272xi32, #tpu.memory_space<vmem>>) target_semaphore(%arg17 : memref<!tpu.dma_semaphore, #tpu.memory_space<semaphore_mem>>)
        %dma_start3A_266 = arith.constant 0 : i32
        %dma_start3A_267 = tpu.memref_slice %arg15[%dma_start3A_266] : memref<3280xf32, #tpu.memory_space<vmem>> -> memref<3272xf32, #tpu.memory_space<vmem>>
        %dma_start3A_268 = tpu.memref_slice %arg4[%mul3A_257] : memref<6701056xf32, #tpu.memory_space<hbm>> -> memref<3272xf32, #tpu.memory_space<hbm>>
        %dma_start3A_269 = arith.constant 0 : i32
        %dma_start3A_270 = tpu.memref_slice %arg15[%dma_start3A_269] : memref<3280xf32, #tpu.memory_space<vmem>> -> memref<3272xf32, #tpu.memory_space<vmem>>
        %dma_start3A_271 = tpu.memref_slice %arg4[%mul3A_257] : memref<6701056xf32, #tpu.memory_space<hbm>> -> memref<3272xf32, #tpu.memory_space<hbm>>
        tpu.enqueue_dma source(%dma_start3A_271 : memref<3272xf32, #tpu.memory_space<hbm>>) target(%dma_start3A_270 : memref<3272xf32, #tpu.memory_space<vmem>>) target_semaphore(%arg18 : memref<!tpu.dma_semaphore, #tpu.memory_space<semaphore_mem>>)
      } else {
      }
    }
    %scan3A_54 = arith.constant 21 : i32
    %add3A_55 = arith.constant 504 : i32
    %add3A_56 = arith.addi %mul3A_2, %add3A_55 : i32
    %mul3A_57 = arith.constant 4096 : i32
    %mul3A_58 = arith.muli %add3A_56, %mul3A_57 : i32
    %mul3A_59 = arith.constant 409 : i32
    %mul3A_60 = arith.muli %add3A_56, %mul3A_59 : i32
    %mul3A_61 = arith.constant 409 : i32
    %mul3A_62 = arith.muli %add3A_56, %mul3A_61 : i32
    %dma_wait3A = tpu.memref_slice %arg2[%mul3A_58] : memref<67108864xf32, #tpu.memory_space<hbm>> -> memref<32768xf32, #tpu.memory_space<hbm>>
    %dma_wait3A_63 = tpu.memref_slice %arg2[%mul3A_58] : memref<67108864xf32, #tpu.memory_space<hbm>> -> memref<32768xf32, #tpu.memory_space<hbm>>
    tpu.wait_dma2 semaphore(%arg9 : memref<!tpu.dma_semaphore, #tpu.memory_space<semaphore_mem>>) src(%dma_wait3A_63 : memref<32768xf32, #tpu.memory_space<hbm>>) dst(%arg6 : memref<32768xf32, #tpu.memory_space<vmem>>)
    %dma_wait3A_64 = arith.constant 0 : i32
    %dma_wait3A_65 = tpu.memref_slice %arg7[%dma_wait3A_64] : memref<3280xi32, #tpu.memory_space<vmem>> -> memref<3272xi32, #tpu.memory_space<vmem>>
    %dma_wait3A_66 = tpu.memref_slice %arg3[%mul3A_60] : memref<6701056xi32, #tpu.memory_space<hbm>> -> memref<3272xi32, #tpu.memory_space<hbm>>
    %dma_wait3A_67 = arith.constant 0 : i32
    %dma_wait3A_68 = tpu.memref_slice %arg7[%dma_wait3A_67] : memref<3280xi32, #tpu.memory_space<vmem>> -> memref<3272xi32, #tpu.memory_space<vmem>>
    %dma_wait3A_69 = tpu.memref_slice %arg3[%mul3A_60] : memref<6701056xi32, #tpu.memory_space<hbm>> -> memref<3272xi32, #tpu.memory_space<hbm>>
    tpu.wait_dma2 semaphore(%arg10 : memref<!tpu.dma_semaphore, #tpu.memory_space<semaphore_mem>>) src(%dma_wait3A_69 : memref<3272xi32, #tpu.memory_space<hbm>>) dst(%dma_wait3A_68 : memref<3272xi32, #tpu.memory_space<vmem>>)
    %dma_wait3A_70 = arith.constant 0 : i32
    %dma_wait3A_71 = tpu.memref_slice %arg8[%dma_wait3A_70] : memref<3280xf32, #tpu.memory_space<vmem>> -> memref<3272xf32, #tpu.memory_space<vmem>>
    %dma_wait3A_72 = tpu.memref_slice %arg4[%mul3A_62] : memref<6701056xf32, #tpu.memory_space<hbm>> -> memref<3272xf32, #tpu.memory_space<hbm>>
    %dma_wait3A_73 = arith.constant 0 : i32
    %dma_wait3A_74 = tpu.memref_slice %arg8[%dma_wait3A_73] : memref<3280xf32, #tpu.memory_space<vmem>> -> memref<3272xf32, #tpu.memory_space<vmem>>
    %dma_wait3A_75 = tpu.memref_slice %arg4[%mul3A_62] : memref<6701056xf32, #tpu.memory_space<hbm>> -> memref<3272xf32, #tpu.memory_space<hbm>>
    tpu.wait_dma2 semaphore(%arg11 : memref<!tpu.dma_semaphore, #tpu.memory_space<semaphore_mem>>) src(%dma_wait3A_75 : memref<3272xf32, #tpu.memory_space<hbm>>) dst(%dma_wait3A_74 : memref<3272xf32, #tpu.memory_space<vmem>>)
    %scan3A_76 = arith.constant 0 : i32
    %scan3A_77 = arith.constant 0 : i32
    %scan3A_78 = arith.constant 8 : i32
    %scan3A_79 = arith.addi %scan3A_77, %scan3A_78 : i32
    %scan3A_80 = arith.constant 1 : i32
    scf.for %scan3A_100 = %scan3A_77 to %scan3A_79 step %scan3A_80  : i32 {
      %mul3A_101 = arith.constant 409 : i32
      %mul3A_102 = arith.muli %scan3A_100, %mul3A_101 : i32
      %add3A_103 = arith.constant 0 : i32
      %add3A_104 = arith.addi %mul3A_102, %add3A_103 : i32
      %get3A = arith.index_cast %add3A_104 : i32 to index
      %get3A_105 = tpu.vector_load %arg7[%get3A] {strides = array<i32>} : memref<3280xi32, #tpu.memory_space<vmem>>, vector<16xi32>,
      %add3A_106 = arith.constant 0 : i32
      %add3A_107 = arith.addi %mul3A_102, %add3A_106 : i32
      %add3A_108 = arith.constant 1 : i32
      %add3A_109 = arith.addi %add3A_107, %add3A_108 : i32
      %get3A_110 = arith.index_cast %add3A_109 : i32 to index
      %get3A_111 = tpu.vector_load %arg7[%get3A_110] {strides = array<i32>} : memref<3280xi32, #tpu.memory_space<vmem>>, vector<16xi32>,
      %add3A_112 = arith.constant 0 : i32
      %add3A_113 = arith.addi %mul3A_102, %add3A_112 : i32
      %get3A_114 = arith.index_cast %add3A_113 : i32 to index
      %get3A_115 = tpu.vector_load %arg8[%get3A_114] {strides = array<i32>} : memref<3280xf32, #tpu.memory_space<vmem>>, vector<16xf32>,
      %ne3A = arith.cmpi ne, %get3A_105, %get3A_111 : vector<16xi32>
      %and3A = arith.constant 32767 : i32
      %and3A_116 = vector.broadcast %and3A : i32 to vector<16xi32>
      %and3A_117 = arith.andi %get3A_105, %and3A_116 : vector<16xi32>
      tpu.vector_store_idx %arg6[%and3A_117], %get3A_115 masked %ne3A : memref<32768xf32, #tpu.memory_space<vmem>>[vector<16xi32>], vector<16xf32>, vector<16xi1>
      %add3A_118 = arith.constant 16 : i32
      %add3A_119 = arith.addi %mul3A_102, %add3A_118 : i32
      %get3A_120 = arith.index_cast %add3A_119 : i32 to index
      %get3A_121 = tpu.vector_load %arg7[%get3A_120] {strides = array<i32>} : memref<3280xi32, #tpu.memory_space<vmem>>, vector<16xi32>,
      %add3A_122 = arith.constant 16 : i32
      %add3A_123 = arith.addi %mul3A_102, %add3A_122 : i32
      %add3A_124 = arith.constant 1 : i32
      %add3A_125 = arith.addi %add3A_123, %add3A_124 : i32
      %get3A_126 = arith.index_cast %add3A_125 : i32 to index
      %get3A_127 = tpu.vector_load %arg7[%get3A_126] {strides = array<i32>} : memref<3280xi32, #tpu.memory_space<vmem>>, vector<16xi32>,
      %add3A_128 = arith.constant 16 : i32
      %add3A_129 = arith.addi %mul3A_102, %add3A_128 : i32
      %get3A_130 = arith.index_cast %add3A_129 : i32 to index
      %get3A_131 = tpu.vector_load %arg8[%get3A_130] {strides = array<i32>} : memref<3280xf32, #tpu.memory_space<vmem>>, vector<16xf32>,
      %ne3A_132 = arith.cmpi ne, %get3A_121, %get3A_127 : vector<16xi32>
      %and3A_133 = arith.constant 32767 : i32
      %and3A_134 = vector.broadcast %and3A_133 : i32 to vector<16xi32>
      %and3A_135 = arith.andi %get3A_121, %and3A_134 : vector<16xi32>
      tpu.vector_store_idx %arg6[%and3A_135], %get3A_131 masked %ne3A_132 : memref<32768xf32, #tpu.memory_space<vmem>>[vector<16xi32>], vector<16xf32>, vector<16xi1>
      %add3A_136 = arith.constant 32 : i32
      %add3A_137 = arith.addi %mul3A_102, %add3A_136 : i32
      %get3A_138 = arith.index_cast %add3A_137 : i32 to index
      %get3A_139 = tpu.vector_load %arg7[%get3A_138] {strides = array<i32>} : memref<3280xi32, #tpu.memory_space<vmem>>, vector<16xi32>,
      %add3A_140 = arith.constant 32 : i32
      %add3A_141 = arith.addi %mul3A_102, %add3A_140 : i32
      %add3A_142 = arith.constant 1 : i32
      %add3A_143 = arith.addi %add3A_141, %add3A_142 : i32
      %get3A_144 = arith.index_cast %add3A_143 : i32 to index
      %get3A_145 = tpu.vector_load %arg7[%get3A_144] {strides = array<i32>} : memref<3280xi32, #tpu.memory_space<vmem>>, vector<16xi32>,
      %add3A_146 = arith.constant 32 : i32
      %add3A_147 = arith.addi %mul3A_102, %add3A_146 : i32
      %get3A_148 = arith.index_cast %add3A_147 : i32 to index
      %get3A_149 = tpu.vector_load %arg8[%get3A_148] {strides = array<i32>} : memref<3280xf32, #tpu.memory_space<vmem>>, vector<16xf32>,
      %ne3A_150 = arith.cmpi ne, %get3A_139, %get3A_145 : vector<16xi32>
      %and3A_151 = arith.constant 32767 : i32
      %and3A_152 = vector.broadcast %and3A_151 : i32 to vector<16xi32>
      %and3A_153 = arith.andi %get3A_139, %and3A_152 : vector<16xi32>
      tpu.vector_store_idx %arg6[%and3A_153], %get3A_149 masked %ne3A_150 : memref<32768xf32, #tpu.memory_space<vmem>>[vector<16xi32>], vector<16xf32>, vector<16xi1>
      %add3A_154 = arith.constant 48 : i32
      %add3A_155 = arith.addi %mul3A_102, %add3A_154 : i32
      %get3A_156 = arith.index_cast %add3A_155 : i32 to index
      %get3A_157 = tpu.vector_load %arg7[%get3A_156] {strides = array<i32>} : memref<3280xi32, #tpu.memory_space<vmem>>, vector<16xi32>,
      %add3A_158 = arith.constant 48 : i32
      %add3A_159 = arith.addi %mul3A_102, %add3A_158 : i32
      %add3A_160 = arith.constant 1 : i32
      %add3A_161 = arith.addi %add3A_159, %add3A_160 : i32
      %get3A_162 = arith.index_cast %add3A_161 : i32 to index
      %get3A_163 = tpu.vector_load %arg7[%get3A_162] {strides = array<i32>} : memref<3280xi32, #tpu.memory_space<vmem>>, vector<16xi32>,
      %add3A_164 = arith.constant 48 : i32
      %add3A_165 = arith.addi %mul3A_102, %add3A_164 : i32
      %get3A_166 = arith.index_cast %add3A_165 : i32 to index
      %get3A_167 = tpu.vector_load %arg8[%get3A_166] {strides = array<i32>} : memref<3280xf32, #tpu.memory_space<vmem>>, vector<16xf32>,
      %ne3A_168 = arith.cmpi ne, %get3A_157, %get3A_163 : vector<16xi32>
      %and3A_169 = arith.constant 32767 : i32
      %and3A_170 = vector.broadcast %and3A_169 : i32 to vector<16xi32>
      %and3A_171 = arith.andi %get3A_157, %and3A_170 : vector<16xi32>
      tpu.vector_store_idx %arg6[%and3A_171], %get3A_167 masked %ne3A_168 : memref<32768xf32, #tpu.memory_space<vmem>>[vector<16xi32>], vector<16xf32>, vector<16xi1>
      %add3A_172 = arith.constant 64 : i32
      %add3A_173 = arith.addi %mul3A_102, %add3A_172 : i32
      %get3A_174 = arith.index_cast %add3A_173 : i32 to index
      %get3A_175 = tpu.vector_load %arg7[%get3A_174] {strides = array<i32>} : memref<3280xi32, #tpu.memory_space<vmem>>, vector<16xi32>,
      %add3A_176 = arith.constant 64 : i32
      %add3A_177 = arith.addi %mul3A_102, %add3A_176 : i32
      %add3A_178 = arith.constant 1 : i32
      %add3A_179 = arith.addi %add3A_177, %add3A_178 : i32
      %get3A_180 = arith.index_cast %add3A_179 : i32 to index
      %get3A_181 = tpu.vector_load %arg7[%get3A_180] {strides = array<i32>} : memref<3280xi32, #tpu.memory_space<vmem>>, vector<16xi32>,
      %add3A_182 = arith.constant 64 : i32
      %add3A_183 = arith.addi %mul3A_102, %add3A_182 : i32
      %get3A_184 = arith.index_cast %add3A_183 : i32 to index
      %get3A_185 = tpu.vector_load %arg8[%get3A_184] {strides = array<i32>} : memref<3280xf32, #tpu.memory_space<vmem>>, vector<16xf32>,
      %ne3A_186 = arith.cmpi ne, %get3A_175, %get3A_181 : vector<16xi32>
      %and3A_187 = arith.constant 32767 : i32
      %and3A_188 = vector.broadcast %and3A_187 : i32 to vector<16xi32>
      %and3A_189 = arith.andi %get3A_175, %and3A_188 : vector<16xi32>
      tpu.vector_store_idx %arg6[%and3A_189], %get3A_185 masked %ne3A_186 : memref<32768xf32, #tpu.memory_space<vmem>>[vector<16xi32>], vector<16xf32>, vector<16xi1>
      %add3A_190 = arith.constant 80 : i32
      %add3A_191 = arith.addi %mul3A_102, %add3A_190 : i32
      %get3A_192 = arith.index_cast %add3A_191 : i32 to index
      %get3A_193 = tpu.vector_load %arg7[%get3A_192] {strides = array<i32>} : memref<3280xi32, #tpu.memory_space<vmem>>, vector<16xi32>,
      %add3A_194 = arith.constant 80 : i32
      %add3A_195 = arith.addi %mul3A_102, %add3A_194 : i32
      %add3A_196 = arith.constant 1 : i32
      %add3A_197 = arith.addi %add3A_195, %add3A_196 : i32
      %get3A_198 = arith.index_cast %add3A_197 : i32 to index
      %get3A_199 = tpu.vector_load %arg7[%get3A_198] {strides = array<i32>} : memref<3280xi32, #tpu.memory_space<vmem>>, vector<16xi32>,
      %add3A_200 = arith.constant 80 : i32
      %add3A_201 = arith.addi %mul3A_102, %add3A_200 : i32
      %get3A_202 = arith.index_cast %add3A_201 : i32 to index
      %get3A_203 = tpu.vector_load %arg8[%get3A_202] {strides = array<i32>} : memref<3280xf32, #tpu.memory_space<vmem>>, vector<16xf32>,
      %ne3A_204 = arith.cmpi ne, %get3A_193, %get3A_199 : vector<16xi32>
      %and3A_205 = arith.constant 32767 : i32
      %and3A_206 = vector.broadcast %and3A_205 : i32 to vector<16xi32>
      %and3A_207 = arith.andi %get3A_193, %and3A_206 : vector<16xi32>
      tpu.vector_store_idx %arg6[%and3A_207], %get3A_203 masked %ne3A_204 : memref<32768xf32, #tpu.memory_space<vmem>>[vector<16xi32>], vector<16xf32>, vector<16xi1>
      %add3A_208 = arith.constant 96 : i32
      %add3A_209 = arith.addi %mul3A_102, %add3A_208 : i32
      %get3A_210 = arith.index_cast %add3A_209 : i32 to index
      %get3A_211 = tpu.vector_load %arg7[%get3A_210] {strides = array<i32>} : memref<3280xi32, #tpu.memory_space<vmem>>, vector<16xi32>,
      %add3A_212 = arith.constant 96 : i32
      %add3A_213 = arith.addi %mul3A_102, %add3A_212 : i32
      %add3A_214 = arith.constant 1 : i32
      %add3A_215 = arith.addi %add3A_213, %add3A_214 : i32
      %get3A_216 = arith.index_cast %add3A_215 : i32 to index
      %get3A_217 = tpu.vector_load %arg7[%get3A_216] {strides = array<i32>} : memref<3280xi32, #tpu.memory_space<vmem>>, vector<16xi32>,
      %add3A_218 = arith.constant 96 : i32
      %add3A_219 = arith.addi %mul3A_102, %add3A_218 : i32
      %get3A_220 = arith.index_cast %add3A_219 : i32 to index
      %get3A_221 = tpu.vector_load %arg8[%get3A_220] {strides = array<i32>} : memref<3280xf32, #tpu.memory_space<vmem>>, vector<16xf32>,
      %ne3A_222 = arith.cmpi ne, %get3A_211, %get3A_217 : vector<16xi32>
      %and3A_223 = arith.constant 32767 : i32
      %and3A_224 = vector.broadcast %and3A_223 : i32 to vector<16xi32>
      %and3A_225 = arith.andi %get3A_211, %and3A_224 : vector<16xi32>
      tpu.vector_store_idx %arg6[%and3A_225], %get3A_221 masked %ne3A_222 : memref<32768xf32, #tpu.memory_space<vmem>>[vector<16xi32>], vector<16xf32>, vector<16xi1>
      %add3A_226 = arith.constant 112 : i32
      %add3A_227 = arith.addi %mul3A_102, %add3A_226 : i32
      %get3A_228 = arith.index_cast %add3A_227 : i32 to index
      %get3A_229 = tpu.vector_load %arg7[%get3A_228] {strides = array<i32>} : memref<3280xi32, #tpu.memory_space<vmem>>, vector<16xi32>,
      %add3A_230 = arith.constant 112 : i32
      %add3A_231 = arith.addi %mul3A_102, %add3A_230 : i32
      %add3A_232 = arith.constant 1 : i32
      %add3A_233 = arith.addi %add3A_231, %add3A_232 : i32
      %get3A_234 = arith.index_cast %add3A_233 : i32 to index
      %get3A_235 = tpu.vector_load %arg7[%get3A_234] {strides = array<i32>} : memref<3280xi32, #tpu.memory_space<vmem>>, vector<16xi32>,
      %add3A_236 = arith.constant 112 : i32
      %add3A_237 = arith.addi %mul3A_102, %add3A_236 : i32
      %get3A_238 = arith.index_cast %add3A_237 : i32 to index
      %get3A_239 = tpu.vector_load %arg8[%get3A_238] {strides = array<i32>} : memref<3280xf32, #tpu.memory_space<vmem>>, vector<16xf32>,
      %ne3A_240 = arith.cmpi ne, %get3A_229, %get3A_235 : vector<16xi32>
      %and3A_241 = arith.constant 32767 : i32
      %and3A_242 = vector.broadcast %and3A_241 : i32 to vector<16xi32>
      %and3A_243 = arith.andi %get3A_229, %and3A_242 : vector<16xi32>
      tpu.vector_store_idx %arg6[%and3A_243], %get3A_239 masked %ne3A_240 : memref<32768xf32, #tpu.memory_space<vmem>>[vector<16xi32>], vector<16xf32>, vector<16xi1>
      %add3A_244 = arith.constant 128 : i32
      %add3A_245 = arith.addi %mul3A_102, %add3A_244 : i32
      %get3A_246 = arith.index_cast %add3A_245 : i32 to index
      %get3A_247 = tpu.vector_load %arg7[%get3A_246] {strides = array<i32>} : memref<3280xi32, #tpu.memory_space<vmem>>, vector<16xi32>,
      %add3A_248 = arith.constant 128 : i32
      %add3A_249 = arith.addi %mul3A_102, %add3A_248 : i32
      %add3A_250 = arith.constant 1 : i32
      %add3A_251 = arith.addi %add3A_249, %add3A_250 : i32
      %get3A_252 = arith.index_cast %add3A_251 : i32 to index
      %get3A_253 = tpu.vector_load %arg7[%get3A_252] {strides = array<i32>} : memref<3280xi32, #tpu.memory_space<vmem>>, vector<16xi32>,
      %add3A_254 = arith.constant 128 : i32
      %add3A_255 = arith.addi %mul3A_102, %add3A_254 : i32
      %get3A_256 = arith.index_cast %add3A_255 : i32 to index
      %get3A_257 = tpu.vector_load %arg8[%get3A_256] {strides = array<i32>} : memref<3280xf32, #tpu.memory_space<vmem>>, vector<16xf32>,
      %ne3A_258 = arith.cmpi ne, %get3A_247, %get3A_253 : vector<16xi32>
      %and3A_259 = arith.constant 32767 : i32
      %and3A_260 = vector.broadcast %and3A_259 : i32 to vector<16xi32>
      %and3A_261 = arith.andi %get3A_247, %and3A_260 : vector<16xi32>
      tpu.vector_store_idx %arg6[%and3A_261], %get3A_257 masked %ne3A_258 : memref<32768xf32, #tpu.memory_space<vmem>>[vector<16xi32>], vector<16xf32>, vector<16xi1>
      %add3A_262 = arith.constant 144 : i32
      %add3A_263 = arith.addi %mul3A_102, %add3A_262 : i32
      %get3A_264 = arith.index_cast %add3A_263 : i32 to index
      %get3A_265 = tpu.vector_load %arg7[%get3A_264] {strides = array<i32>} : memref<3280xi32, #tpu.memory_space<vmem>>, vector<16xi32>,
      %add3A_266 = arith.constant 144 : i32
      %add3A_267 = arith.addi %mul3A_102, %add3A_266 : i32
      %add3A_268 = arith.constant 1 : i32
      %add3A_269 = arith.addi %add3A_267, %add3A_268 : i32
      %get3A_270 = arith.index_cast %add3A_269 : i32 to index
      %get3A_271 = tpu.vector_load %arg7[%get3A_270] {strides = array<i32>} : memref<3280xi32, #tpu.memory_space<vmem>>, vector<16xi32>,
      %add3A_272 = arith.constant 144 : i32
      %add3A_273 = arith.addi %mul3A_102, %add3A_272 : i32
      %get3A_274 = arith.index_cast %add3A_273 : i32 to index
      %get3A_275 = tpu.vector_load %arg8[%get3A_274] {strides = array<i32>} : memref<3280xf32, #tpu.memory_space<vmem>>, vector<16xf32>,
      %ne3A_276 = arith.cmpi ne, %get3A_265, %get3A_271 : vector<16xi32>
      %and3A_277 = arith.constant 32767 : i32
      %and3A_278 = vector.broadcast %and3A_277 : i32 to vector<16xi32>
      %and3A_279 = arith.andi %get3A_265, %and3A_278 : vector<16xi32>
      tpu.vector_store_idx %arg6[%and3A_279], %get3A_275 masked %ne3A_276 : memref<32768xf32, #tpu.memory_space<vmem>>[vector<16xi32>], vector<16xf32>, vector<16xi1>
      %add3A_280 = arith.constant 160 : i32
      %add3A_281 = arith.addi %mul3A_102, %add3A_280 : i32
      %get3A_282 = arith.index_cast %add3A_281 : i32 to index
      %get3A_283 = tpu.vector_load %arg7[%get3A_282] {strides = array<i32>} : memref<3280xi32, #tpu.memory_space<vmem>>, vector<16xi32>,
      %add3A_284 = arith.constant 160 : i32
      %add3A_285 = arith.addi %mul3A_102, %add3A_284 : i32
      %add3A_286 = arith.constant 1 : i32
      %add3A_287 = arith.addi %add3A_285, %add3A_286 : i32
      %get3A_288 = arith.index_cast %add3A_287 : i32 to index
      %get3A_289 = tpu.vector_load %arg7[%get3A_288] {strides = array<i32>} : memref<3280xi32, #tpu.memory_space<vmem>>, vector<16xi32>,
      %add3A_290 = arith.constant 160 : i32
      %add3A_291 = arith.addi %mul3A_102, %add3A_290 : i32
      %get3A_292 = arith.index_cast %add3A_291 : i32 to index
      %get3A_293 = tpu.vector_load %arg8[%get3A_292] {strides = array<i32>} : memref<3280xf32, #tpu.memory_space<vmem>>, vector<16xf32>,
      %ne3A_294 = arith.cmpi ne, %get3A_283, %get3A_289 : vector<16xi32>
      %and3A_295 = arith.constant 32767 : i32
      %and3A_296 = vector.broadcast %and3A_295 : i32 to vector<16xi32>
      %and3A_297 = arith.andi %get3A_283, %and3A_296 : vector<16xi32>
      tpu.vector_store_idx %arg6[%and3A_297], %get3A_293 masked %ne3A_294 : memref<32768xf32, #tpu.memory_space<vmem>>[vector<16xi32>], vector<16xf32>, vector<16xi1>
      %add3A_298 = arith.constant 176 : i32
      %add3A_299 = arith.addi %mul3A_102, %add3A_298 : i32
      %get3A_300 = arith.index_cast %add3A_299 : i32 to index
      %get3A_301 = tpu.vector_load %arg7[%get3A_300] {strides = array<i32>} : memref<3280xi32, #tpu.memory_space<vmem>>, vector<16xi32>,
      %add3A_302 = arith.constant 176 : i32
      %add3A_303 = arith.addi %mul3A_102, %add3A_302 : i32
      %add3A_304 = arith.constant 1 : i32
      %add3A_305 = arith.addi %add3A_303, %add3A_304 : i32
      %get3A_306 = arith.index_cast %add3A_305 : i32 to index
      %get3A_307 = tpu.vector_load %arg7[%get3A_306] {strides = array<i32>} : memref<3280xi32, #tpu.memory_space<vmem>>, vector<16xi32>,
      %add3A_308 = arith.constant 176 : i32
      %add3A_309 = arith.addi %mul3A_102, %add3A_308 : i32
      %get3A_310 = arith.index_cast %add3A_309 : i32 to index
      %get3A_311 = tpu.vector_load %arg8[%get3A_310] {strides = array<i32>} : memref<3280xf32, #tpu.memory_space<vmem>>, vector<16xf32>,
      %ne3A_312 = arith.cmpi ne, %get3A_301, %get3A_307 : vector<16xi32>
      %and3A_313 = arith.constant 32767 : i32
      %and3A_314 = vector.broadcast %and3A_313 : i32 to vector<16xi32>
      %and3A_315 = arith.andi %get3A_301, %and3A_314 : vector<16xi32>
      tpu.vector_store_idx %arg6[%and3A_315], %get3A_311 masked %ne3A_312 : memref<32768xf32, #tpu.memory_space<vmem>>[vector<16xi32>], vector<16xf32>, vector<16xi1>
      %add3A_316 = arith.constant 192 : i32
      %add3A_317 = arith.addi %mul3A_102, %add3A_316 : i32
      %get3A_318 = arith.index_cast %add3A_317 : i32 to index
      %get3A_319 = tpu.vector_load %arg7[%get3A_318] {strides = array<i32>} : memref<3280xi32, #tpu.memory_space<vmem>>, vector<16xi32>,
      %add3A_320 = arith.constant 192 : i32
      %add3A_321 = arith.addi %mul3A_102, %add3A_320 : i32
      %add3A_322 = arith.constant 1 : i32
      %add3A_323 = arith.addi %add3A_321, %add3A_322 : i32
      %get3A_324 = arith.index_cast %add3A_323 : i32 to index
      %get3A_325 = tpu.vector_load %arg7[%get3A_324] {strides = array<i32>} : memref<3280xi32, #tpu.memory_space<vmem>>, vector<16xi32>,
      %add3A_326 = arith.constant 192 : i32
      %add3A_327 = arith.addi %mul3A_102, %add3A_326 : i32
      %get3A_328 = arith.index_cast %add3A_327 : i32 to index
      %get3A_329 = tpu.vector_load %arg8[%get3A_328] {strides = array<i32>} : memref<3280xf32, #tpu.memory_space<vmem>>, vector<16xf32>,
      %ne3A_330 = arith.cmpi ne, %get3A_319, %get3A_325 : vector<16xi32>
      %and3A_331 = arith.constant 32767 : i32
      %and3A_332 = vector.broadcast %and3A_331 : i32 to vector<16xi32>
      %and3A_333 = arith.andi %get3A_319, %and3A_332 : vector<16xi32>
      tpu.vector_store_idx %arg6[%and3A_333], %get3A_329 masked %ne3A_330 : memref<32768xf32, #tpu.memory_space<vmem>>[vector<16xi32>], vector<16xf32>, vector<16xi1>
      %add3A_334 = arith.constant 208 : i32
      %add3A_335 = arith.addi %mul3A_102, %add3A_334 : i32
      %get3A_336 = arith.index_cast %add3A_335 : i32 to index
      %get3A_337 = tpu.vector_load %arg7[%get3A_336] {strides = array<i32>} : memref<3280xi32, #tpu.memory_space<vmem>>, vector<16xi32>,
      %add3A_338 = arith.constant 208 : i32
      %add3A_339 = arith.addi %mul3A_102, %add3A_338 : i32
      %add3A_340 = arith.constant 1 : i32
      %add3A_341 = arith.addi %add3A_339, %add3A_340 : i32
      %get3A_342 = arith.index_cast %add3A_341 : i32 to index
      %get3A_343 = tpu.vector_load %arg7[%get3A_342] {strides = array<i32>} : memref<3280xi32, #tpu.memory_space<vmem>>, vector<16xi32>,
      %add3A_344 = arith.constant 208 : i32
      %add3A_345 = arith.addi %mul3A_102, %add3A_344 : i32
      %get3A_346 = arith.index_cast %add3A_345 : i32 to index
      %get3A_347 = tpu.vector_load %arg8[%get3A_346] {strides = array<i32>} : memref<3280xf32, #tpu.memory_space<vmem>>, vector<16xf32>,
      %ne3A_348 = arith.cmpi ne, %get3A_337, %get3A_343 : vector<16xi32>
      %and3A_349 = arith.constant 32767 : i32
      %and3A_350 = vector.broadcast %and3A_349 : i32 to vector<16xi32>
      %and3A_351 = arith.andi %get3A_337, %and3A_350 : vector<16xi32>
      tpu.vector_store_idx %arg6[%and3A_351], %get3A_347 masked %ne3A_348 : memref<32768xf32, #tpu.memory_space<vmem>>[vector<16xi32>], vector<16xf32>, vector<16xi1>
      %add3A_352 = arith.constant 224 : i32
      %add3A_353 = arith.addi %mul3A_102, %add3A_352 : i32
      %get3A_354 = arith.index_cast %add3A_353 : i32 to index
      %get3A_355 = tpu.vector_load %arg7[%get3A_354] {strides = array<i32>} : memref<3280xi32, #tpu.memory_space<vmem>>, vector<16xi32>,
      %add3A_356 = arith.constant 224 : i32
      %add3A_357 = arith.addi %mul3A_102, %add3A_356 : i32
      %add3A_358 = arith.constant 1 : i32
      %add3A_359 = arith.addi %add3A_357, %add3A_358 : i32
      %get3A_360 = arith.index_cast %add3A_359 : i32 to index
      %get3A_361 = tpu.vector_load %arg7[%get3A_360] {strides = array<i32>} : memref<3280xi32, #tpu.memory_space<vmem>>, vector<16xi32>,
      %add3A_362 = arith.constant 224 : i32
      %add3A_363 = arith.addi %mul3A_102, %add3A_362 : i32
      %get3A_364 = arith.index_cast %add3A_363 : i32 to index
      %get3A_365 = tpu.vector_load %arg8[%get3A_364] {strides = array<i32>} : memref<3280xf32, #tpu.memory_space<vmem>>, vector<16xf32>,
      %ne3A_366 = arith.cmpi ne, %get3A_355, %get3A_361 : vector<16xi32>
      %and3A_367 = arith.constant 32767 : i32
      %and3A_368 = vector.broadcast %and3A_367 : i32 to vector<16xi32>
      %and3A_369 = arith.andi %get3A_355, %and3A_368 : vector<16xi32>
      tpu.vector_store_idx %arg6[%and3A_369], %get3A_365 masked %ne3A_366 : memref<32768xf32, #tpu.memory_space<vmem>>[vector<16xi32>], vector<16xf32>, vector<16xi1>
      %add3A_370 = arith.constant 240 : i32
      %add3A_371 = arith.addi %mul3A_102, %add3A_370 : i32
      %get3A_372 = arith.index_cast %add3A_371 : i32 to index
      %get3A_373 = tpu.vector_load %arg7[%get3A_372] {strides = array<i32>} : memref<3280xi32, #tpu.memory_space<vmem>>, vector<16xi32>,
      %add3A_374 = arith.constant 240 : i32
      %add3A_375 = arith.addi %mul3A_102, %add3A_374 : i32
      %add3A_376 = arith.constant 1 : i32
      %add3A_377 = arith.addi %add3A_375, %add3A_376 : i32
      %get3A_378 = arith.index_cast %add3A_377 : i32 to index
      %get3A_379 = tpu.vector_load %arg7[%get3A_378] {strides = array<i32>} : memref<3280xi32, #tpu.memory_space<vmem>>, vector<16xi32>,
      %add3A_380 = arith.constant 240 : i32
      %add3A_381 = arith.addi %mul3A_102, %add3A_380 : i32
      %get3A_382 = arith.index_cast %add3A_381 : i32 to index
      %get3A_383 = tpu.vector_load %arg8[%get3A_382] {strides = array<i32>} : memref<3280xf32, #tpu.memory_space<vmem>>, vector<16xf32>,
      %ne3A_384 = arith.cmpi ne, %get3A_373, %get3A_379 : vector<16xi32>
      %and3A_385 = arith.constant 32767 : i32
      %and3A_386 = vector.broadcast %and3A_385 : i32 to vector<16xi32>
      %and3A_387 = arith.andi %get3A_373, %and3A_386 : vector<16xi32>
      tpu.vector_store_idx %arg6[%and3A_387], %get3A_383 masked %ne3A_384 : memref<32768xf32, #tpu.memory_space<vmem>>[vector<16xi32>], vector<16xf32>, vector<16xi1>
      %add3A_388 = arith.constant 256 : i32
      %add3A_389 = arith.addi %mul3A_102, %add3A_388 : i32
      %get3A_390 = arith.index_cast %add3A_389 : i32 to index
      %get3A_391 = tpu.vector_load %arg7[%get3A_390] {strides = array<i32>} : memref<3280xi32, #tpu.memory_space<vmem>>, vector<16xi32>,
      %add3A_392 = arith.constant 256 : i32
      %add3A_393 = arith.addi %mul3A_102, %add3A_392 : i32
      %add3A_394 = arith.constant 1 : i32
      %add3A_395 = arith.addi %add3A_393, %add3A_394 : i32
      %get3A_396 = arith.index_cast %add3A_395 : i32 to index
      %get3A_397 = tpu.vector_load %arg7[%get3A_396] {strides = array<i32>} : memref<3280xi32, #tpu.memory_space<vmem>>, vector<16xi32>,
      %add3A_398 = arith.constant 256 : i32
      %add3A_399 = arith.addi %mul3A_102, %add3A_398 : i32
      %get3A_400 = arith.index_cast %add3A_399 : i32 to index
      %get3A_401 = tpu.vector_load %arg8[%get3A_400] {strides = array<i32>} : memref<3280xf32, #tpu.memory_space<vmem>>, vector<16xf32>,
      %ne3A_402 = arith.cmpi ne, %get3A_391, %get3A_397 : vector<16xi32>
      %and3A_403 = arith.constant 32767 : i32
      %and3A_404 = vector.broadcast %and3A_403 : i32 to vector<16xi32>
      %and3A_405 = arith.andi %get3A_391, %and3A_404 : vector<16xi32>
      tpu.vector_store_idx %arg6[%and3A_405], %get3A_401 masked %ne3A_402 : memref<32768xf32, #tpu.memory_space<vmem>>[vector<16xi32>], vector<16xf32>, vector<16xi1>
      %add3A_406 = arith.constant 272 : i32
      %add3A_407 = arith.addi %mul3A_102, %add3A_406 : i32
      %get3A_408 = arith.index_cast %add3A_407 : i32 to index
      %get3A_409 = tpu.vector_load %arg7[%get3A_408] {strides = array<i32>} : memref<3280xi32, #tpu.memory_space<vmem>>, vector<16xi32>,
      %add3A_410 = arith.constant 272 : i32
      %add3A_411 = arith.addi %mul3A_102, %add3A_410 : i32
      %add3A_412 = arith.constant 1 : i32
      %add3A_413 = arith.addi %add3A_411, %add3A_412 : i32
      %get3A_414 = arith.index_cast %add3A_413 : i32 to index
      %get3A_415 = tpu.vector_load %arg7[%get3A_414] {strides = array<i32>} : memref<3280xi32, #tpu.memory_space<vmem>>, vector<16xi32>,
      %add3A_416 = arith.constant 272 : i32
      %add3A_417 = arith.addi %mul3A_102, %add3A_416 : i32
      %get3A_418 = arith.index_cast %add3A_417 : i32 to index
      %get3A_419 = tpu.vector_load %arg8[%get3A_418] {strides = array<i32>} : memref<3280xf32, #tpu.memory_space<vmem>>, vector<16xf32>,
      %ne3A_420 = arith.cmpi ne, %get3A_409, %get3A_415 : vector<16xi32>
      %and3A_421 = arith.constant 32767 : i32
      %and3A_422 = vector.broadcast %and3A_421 : i32 to vector<16xi32>
      %and3A_423 = arith.andi %get3A_409, %and3A_422 : vector<16xi32>
      tpu.vector_store_idx %arg6[%and3A_423], %get3A_419 masked %ne3A_420 : memref<32768xf32, #tpu.memory_space<vmem>>[vector<16xi32>], vector<16xf32>, vector<16xi1>
      %add3A_424 = arith.constant 288 : i32
      %add3A_425 = arith.addi %mul3A_102, %add3A_424 : i32
      %get3A_426 = arith.index_cast %add3A_425 : i32 to index
      %get3A_427 = tpu.vector_load %arg7[%get3A_426] {strides = array<i32>} : memref<3280xi32, #tpu.memory_space<vmem>>, vector<16xi32>,
      %add3A_428 = arith.constant 288 : i32
      %add3A_429 = arith.addi %mul3A_102, %add3A_428 : i32
      %add3A_430 = arith.constant 1 : i32
      %add3A_431 = arith.addi %add3A_429, %add3A_430 : i32
      %get3A_432 = arith.index_cast %add3A_431 : i32 to index
      %get3A_433 = tpu.vector_load %arg7[%get3A_432] {strides = array<i32>} : memref<3280xi32, #tpu.memory_space<vmem>>, vector<16xi32>,
      %add3A_434 = arith.constant 288 : i32
      %add3A_435 = arith.addi %mul3A_102, %add3A_434 : i32
      %get3A_436 = arith.index_cast %add3A_435 : i32 to index
      %get3A_437 = tpu.vector_load %arg8[%get3A_436] {strides = array<i32>} : memref<3280xf32, #tpu.memory_space<vmem>>, vector<16xf32>,
      %ne3A_438 = arith.cmpi ne, %get3A_427, %get3A_433 : vector<16xi32>
      %and3A_439 = arith.constant 32767 : i32
      %and3A_440 = vector.broadcast %and3A_439 : i32 to vector<16xi32>
      %and3A_441 = arith.andi %get3A_427, %and3A_440 : vector<16xi32>
      tpu.vector_store_idx %arg6[%and3A_441], %get3A_437 masked %ne3A_438 : memref<32768xf32, #tpu.memory_space<vmem>>[vector<16xi32>], vector<16xf32>, vector<16xi1>
      %add3A_442 = arith.constant 304 : i32
      %add3A_443 = arith.addi %mul3A_102, %add3A_442 : i32
      %get3A_444 = arith.index_cast %add3A_443 : i32 to index
      %get3A_445 = tpu.vector_load %arg7[%get3A_444] {strides = array<i32>} : memref<3280xi32, #tpu.memory_space<vmem>>, vector<16xi32>,
      %add3A_446 = arith.constant 304 : i32
      %add3A_447 = arith.addi %mul3A_102, %add3A_446 : i32
      %add3A_448 = arith.constant 1 : i32
      %add3A_449 = arith.addi %add3A_447, %add3A_448 : i32
      %get3A_450 = arith.index_cast %add3A_449 : i32 to index
      %get3A_451 = tpu.vector_load %arg7[%get3A_450] {strides = array<i32>} : memref<3280xi32, #tpu.memory_space<vmem>>, vector<16xi32>,
      %add3A_452 = arith.constant 304 : i32
      %add3A_453 = arith.addi %mul3A_102, %add3A_452 : i32
      %get3A_454 = arith.index_cast %add3A_453 : i32 to index
      %get3A_455 = tpu.vector_load %arg8[%get3A_454] {strides = array<i32>} : memref<3280xf32, #tpu.memory_space<vmem>>, vector<16xf32>,
      %ne3A_456 = arith.cmpi ne, %get3A_445, %get3A_451 : vector<16xi32>
      %and3A_457 = arith.constant 32767 : i32
      %and3A_458 = vector.broadcast %and3A_457 : i32 to vector<16xi32>
      %and3A_459 = arith.andi %get3A_445, %and3A_458 : vector<16xi32>
      tpu.vector_store_idx %arg6[%and3A_459], %get3A_455 masked %ne3A_456 : memref<32768xf32, #tpu.memory_space<vmem>>[vector<16xi32>], vector<16xf32>, vector<16xi1>
      %add3A_460 = arith.constant 320 : i32
      %add3A_461 = arith.addi %mul3A_102, %add3A_460 : i32
      %get3A_462 = arith.index_cast %add3A_461 : i32 to index
      %get3A_463 = tpu.vector_load %arg7[%get3A_462] {strides = array<i32>} : memref<3280xi32, #tpu.memory_space<vmem>>, vector<16xi32>,
      %add3A_464 = arith.constant 320 : i32
      %add3A_465 = arith.addi %mul3A_102, %add3A_464 : i32
      %add3A_466 = arith.constant 1 : i32
      %add3A_467 = arith.addi %add3A_465, %add3A_466 : i32
      %get3A_468 = arith.index_cast %add3A_467 : i32 to index
      %get3A_469 = tpu.vector_load %arg7[%get3A_468] {strides = array<i32>} : memref<3280xi32, #tpu.memory_space<vmem>>, vector<16xi32>,
      %add3A_470 = arith.constant 320 : i32
      %add3A_471 = arith.addi %mul3A_102, %add3A_470 : i32
      %get3A_472 = arith.index_cast %add3A_471 : i32 to index
      %get3A_473 = tpu.vector_load %arg8[%get3A_472] {strides = array<i32>} : memref<3280xf32, #tpu.memory_space<vmem>>, vector<16xf32>,
      %ne3A_474 = arith.cmpi ne, %get3A_463, %get3A_469 : vector<16xi32>
      %and3A_475 = arith.constant 32767 : i32
      %and3A_476 = vector.broadcast %and3A_475 : i32 to vector<16xi32>
      %and3A_477 = arith.andi %get3A_463, %and3A_476 : vector<16xi32>
      tpu.vector_store_idx %arg6[%and3A_477], %get3A_473 masked %ne3A_474 : memref<32768xf32, #tpu.memory_space<vmem>>[vector<16xi32>], vector<16xf32>, vector<16xi1>
      %add3A_478 = arith.constant 336 : i32
      %add3A_479 = arith.addi %mul3A_102, %add3A_478 : i32
      %get3A_480 = arith.index_cast %add3A_479 : i32 to index
      %get3A_481 = tpu.vector_load %arg7[%get3A_480] {strides = array<i32>} : memref<3280xi32, #tpu.memory_space<vmem>>, vector<16xi32>,
      %add3A_482 = arith.constant 336 : i32
      %add3A_483 = arith.addi %mul3A_102, %add3A_482 : i32
      %add3A_484 = arith.constant 1 : i32
      %add3A_485 = arith.addi %add3A_483, %add3A_484 : i32
      %get3A_486 = arith.index_cast %add3A_485 : i32 to index
      %get3A_487 = tpu.vector_load %arg7[%get3A_486] {strides = array<i32>} : memref<3280xi32, #tpu.memory_space<vmem>>, vector<16xi32>,
      %add3A_488 = arith.constant 336 : i32
      %add3A_489 = arith.addi %mul3A_102, %add3A_488 : i32
      %get3A_490 = arith.index_cast %add3A_489 : i32 to index
      %get3A_491 = tpu.vector_load %arg8[%get3A_490] {strides = array<i32>} : memref<3280xf32, #tpu.memory_space<vmem>>, vector<16xf32>,
      %ne3A_492 = arith.cmpi ne, %get3A_481, %get3A_487 : vector<16xi32>
      %and3A_493 = arith.constant 32767 : i32
      %and3A_494 = vector.broadcast %and3A_493 : i32 to vector<16xi32>
      %and3A_495 = arith.andi %get3A_481, %and3A_494 : vector<16xi32>
      tpu.vector_store_idx %arg6[%and3A_495], %get3A_491 masked %ne3A_492 : memref<32768xf32, #tpu.memory_space<vmem>>[vector<16xi32>], vector<16xf32>, vector<16xi1>
      %add3A_496 = arith.constant 352 : i32
      %add3A_497 = arith.addi %mul3A_102, %add3A_496 : i32
      %get3A_498 = arith.index_cast %add3A_497 : i32 to index
      %get3A_499 = tpu.vector_load %arg7[%get3A_498] {strides = array<i32>} : memref<3280xi32, #tpu.memory_space<vmem>>, vector<16xi32>,
      %add3A_500 = arith.constant 352 : i32
      %add3A_501 = arith.addi %mul3A_102, %add3A_500 : i32
      %add3A_502 = arith.constant 1 : i32
      %add3A_503 = arith.addi %add3A_501, %add3A_502 : i32
      %get3A_504 = arith.index_cast %add3A_503 : i32 to index
      %get3A_505 = tpu.vector_load %arg7[%get3A_504] {strides = array<i32>} : memref<3280xi32, #tpu.memory_space<vmem>>, vector<16xi32>,
      %add3A_506 = arith.constant 352 : i32
      %add3A_507 = arith.addi %mul3A_102, %add3A_506 : i32
      %get3A_508 = arith.index_cast %add3A_507 : i32 to index
      %get3A_509 = tpu.vector_load %arg8[%get3A_508] {strides = array<i32>} : memref<3280xf32, #tpu.memory_space<vmem>>, vector<16xf32>,
      %ne3A_510 = arith.cmpi ne, %get3A_499, %get3A_505 : vector<16xi32>
      %and3A_511 = arith.constant 32767 : i32
      %and3A_512 = vector.broadcast %and3A_511 : i32 to vector<16xi32>
      %and3A_513 = arith.andi %get3A_499, %and3A_512 : vector<16xi32>
      tpu.vector_store_idx %arg6[%and3A_513], %get3A_509 masked %ne3A_510 : memref<32768xf32, #tpu.memory_space<vmem>>[vector<16xi32>], vector<16xf32>, vector<16xi1>
      %add3A_514 = arith.constant 368 : i32
      %add3A_515 = arith.addi %mul3A_102, %add3A_514 : i32
      %get3A_516 = arith.index_cast %add3A_515 : i32 to index
      %get3A_517 = tpu.vector_load %arg7[%get3A_516] {strides = array<i32>} : memref<3280xi32, #tpu.memory_space<vmem>>, vector<16xi32>,
      %add3A_518 = arith.constant 368 : i32
      %add3A_519 = arith.addi %mul3A_102, %add3A_518 : i32
      %add3A_520 = arith.constant 1 : i32
      %add3A_521 = arith.addi %add3A_519, %add3A_520 : i32
      %get3A_522 = arith.index_cast %add3A_521 : i32 to index
      %get3A_523 = tpu.vector_load %arg7[%get3A_522] {strides = array<i32>} : memref<3280xi32, #tpu.memory_space<vmem>>, vector<16xi32>,
      %add3A_524 = arith.constant 368 : i32
      %add3A_525 = arith.addi %mul3A_102, %add3A_524 : i32
      %get3A_526 = arith.index_cast %add3A_525 : i32 to index
      %get3A_527 = tpu.vector_load %arg8[%get3A_526] {strides = array<i32>} : memref<3280xf32, #tpu.memory_space<vmem>>, vector<16xf32>,
      %ne3A_528 = arith.cmpi ne, %get3A_517, %get3A_523 : vector<16xi32>
      %and3A_529 = arith.constant 32767 : i32
      %and3A_530 = vector.broadcast %and3A_529 : i32 to vector<16xi32>
      %and3A_531 = arith.andi %get3A_517, %and3A_530 : vector<16xi32>
      tpu.vector_store_idx %arg6[%and3A_531], %get3A_527 masked %ne3A_528 : memref<32768xf32, #tpu.memory_space<vmem>>[vector<16xi32>], vector<16xf32>, vector<16xi1>
      %add3A_532 = arith.constant 384 : i32
      %add3A_533 = arith.addi %mul3A_102, %add3A_532 : i32
      %get3A_534 = arith.index_cast %add3A_533 : i32 to index
      %get3A_535 = tpu.vector_load %arg7[%get3A_534] {strides = array<i32>} : memref<3280xi32, #tpu.memory_space<vmem>>, vector<16xi32>,
      %add3A_536 = arith.constant 384 : i32
      %add3A_537 = arith.addi %mul3A_102, %add3A_536 : i32
      %add3A_538 = arith.constant 1 : i32
      %add3A_539 = arith.addi %add3A_537, %add3A_538 : i32
      %get3A_540 = arith.index_cast %add3A_539 : i32 to index
      %get3A_541 = tpu.vector_load %arg7[%get3A_540] {strides = array<i32>} : memref<3280xi32, #tpu.memory_space<vmem>>, vector<16xi32>,
      %add3A_542 = arith.constant 384 : i32
      %add3A_543 = arith.addi %mul3A_102, %add3A_542 : i32
      %get3A_544 = arith.index_cast %add3A_543 : i32 to index
      %get3A_545 = tpu.vector_load %arg8[%get3A_544] {strides = array<i32>} : memref<3280xf32, #tpu.memory_space<vmem>>, vector<16xf32>,
      %ne3A_546 = arith.cmpi ne, %get3A_535, %get3A_541 : vector<16xi32>
      %and3A_547 = arith.constant 32767 : i32
      %and3A_548 = vector.broadcast %and3A_547 : i32 to vector<16xi32>
      %and3A_549 = arith.andi %get3A_535, %and3A_548 : vector<16xi32>
      tpu.vector_store_idx %arg6[%and3A_549], %get3A_545 masked %ne3A_546 : memref<32768xf32, #tpu.memory_space<vmem>>[vector<16xi32>], vector<16xf32>, vector<16xi1>
      %add3A_550 = arith.constant 400 : i32
      %add3A_551 = arith.addi %mul3A_102, %add3A_550 : i32
      %get3A_552 = arith.index_cast %add3A_551 : i32 to index
      %get3A_553 = tpu.vector_load %arg7[%get3A_552] {strides = array<i32>} : memref<3280xi32, #tpu.memory_space<vmem>>, vector<16xi32>,
      %add3A_554 = arith.constant 400 : i32
      %add3A_555 = arith.addi %mul3A_102, %add3A_554 : i32
      %add3A_556 = arith.constant 1 : i32
      %add3A_557 = arith.addi %add3A_555, %add3A_556 : i32
      %get3A_558 = arith.index_cast %add3A_557 : i32 to index
      %get3A_559 = tpu.vector_load %arg7[%get3A_558] {strides = array<i32>} : memref<3280xi32, #tpu.memory_space<vmem>>, vector<16xi32>,
      %add3A_560 = arith.constant 400 : i32
      %add3A_561 = arith.addi %mul3A_102, %add3A_560 : i32
      %get3A_562 = arith.index_cast %add3A_561 : i32 to index
      %get3A_563 = tpu.vector_load %arg8[%get3A_562] {strides = array<i32>} : memref<3280xf32, #tpu.memory_space<vmem>>, vector<16xf32>,
      %ne3A_564 = arith.cmpi ne, %get3A_553, %get3A_559 : vector<16xi32>
      %and3A_565 = arith.andi %lt3A_4, %ne3A_564 : vector<16xi1>
      %or3A = arith.ori %eq3A_6, %and3A_565 : vector<16xi1>
      %and3A_566 = arith.constant 32767 : i32
      %and3A_567 = vector.broadcast %and3A_566 : i32 to vector<16xi32>
      %and3A_568 = arith.andi %get3A_553, %and3A_567 : vector<16xi32>
      tpu.vector_store_idx %arg6[%and3A_568], %get3A_563 masked %or3A : memref<32768xf32, #tpu.memory_space<vmem>>[vector<16xi32>], vector<16xf32>, vector<16xi1>
    }
    %scan3A_81 = arith.constant 8 : i32
    %add3A_82 = arith.constant 504 : i32
    %add3A_83 = arith.addi %mul3A_2, %add3A_82 : i32
    %mul3A_84 = arith.constant 4096 : i32
    %mul3A_85 = arith.muli %add3A_83, %mul3A_84 : i32
    %dma_start3A_86 = tpu.memref_slice %arg5[%mul3A_85] : memref<67108864xf32, #tpu.memory_space<hbm>> -> memref<32768xf32, #tpu.memory_space<hbm>>
    %dma_start3A_87 = tpu.memref_slice %arg5[%mul3A_85] : memref<67108864xf32, #tpu.memory_space<hbm>> -> memref<32768xf32, #tpu.memory_space<hbm>>
    tpu.enqueue_dma source(%arg6 : memref<32768xf32, #tpu.memory_space<vmem>>) target(%dma_start3A_87 : memref<32768xf32, #tpu.memory_space<hbm>>) target_semaphore(%arg12 : memref<!tpu.dma_semaphore, #tpu.memory_space<semaphore_mem>>)
    %add3A_88 = arith.constant 496 : i32
    %add3A_89 = arith.addi %mul3A_2, %add3A_88 : i32
    %mul3A_90 = arith.constant 4096 : i32
    %mul3A_91 = arith.muli %add3A_89, %mul3A_90 : i32
    %dma_wait3A_92 = tpu.memref_slice %arg5[%mul3A_91] : memref<67108864xf32, #tpu.memory_space<hbm>> -> memref<32768xf32, #tpu.memory_space<hbm>>
    %dma_wait3A_93 = tpu.memref_slice %arg5[%mul3A_91] : memref<67108864xf32, #tpu.memory_space<hbm>> -> memref<32768xf32, #tpu.memory_space<hbm>>
    tpu.wait_dma2 semaphore(%arg26 : memref<!tpu.dma_semaphore, #tpu.memory_space<semaphore_mem>>) src(%arg20 : memref<32768xf32, #tpu.memory_space<vmem>>) dst(%dma_wait3A_93 : memref<32768xf32, #tpu.memory_space<hbm>>)
    %add3A_94 = arith.constant 504 : i32
    %add3A_95 = arith.addi %mul3A_2, %add3A_94 : i32
    %mul3A_96 = arith.constant 4096 : i32
    %mul3A_97 = arith.muli %add3A_95, %mul3A_96 : i32
    %dma_wait3A_98 = tpu.memref_slice %arg5[%mul3A_97] : memref<67108864xf32, #tpu.memory_space<hbm>> -> memref<32768xf32, #tpu.memory_space<hbm>>
    %dma_wait3A_99 = tpu.memref_slice %arg5[%mul3A_97] : memref<67108864xf32, #tpu.memory_space<hbm>> -> memref<32768xf32, #tpu.memory_space<hbm>>
    tpu.wait_dma2 semaphore(%arg12 : memref<!tpu.dma_semaphore, #tpu.memory_space<semaphore_mem>>) src(%arg6 : memref<32768xf32, #tpu.memory_space<vmem>>) dst(%dma_wait3A_99 : memref<32768xf32, #tpu.memory_space<hbm>>)
    return
  }
}

</mosaic_0001>

<sc_bundles>
// kernel: kernel.3.cloned.1.call-start
scs
__scs_entry_jumppad:
0x0: {  	(pc) =	sbr.rel $0x88, $3  }
0x1: {  	(tag) =	ssettag $0x0;
	lr =	simm.s32 $0x1  }
0x2: {  	[smem:$0x3F9E] =	sst lr;
	_ =	strace $0xD0000000  }
0x3: {  	_ = 	snop  }
0x4: {  	_ = 	snop  }
0x5: {  	_ = 	snop  }
0x6: {  	_ = 	snop  }
0x7: {  	_ = 	snop  }
__scs_overlays_trampoline_lowered:
0x8: {  	[smem:$0x3FAD] =	sst s0  }
0x9: {  	[smem:$0x3FAE] =	sst s1  }
0xa: {  	[smem:$0x3FAF] =	sst s2  }
0xb: {  	[smem:$0x3FB0] =	sst s3  }
0xc: {  	[smem:$0x3FB1] =	sst s4  }
0xd: {  	[smem:$0x3FB2] =	sst s5  }
0xe: {  	[smem:$0x3FB3] =	sst s6  }
0xf: {  	[smem:$0x3FB4] =	sst s7  }
0x10: {  	[smem:$0x3FB5] =	sst s8  }
0x11: {  	[smem:$0x3FB6] =	sst s9;
	s0 =	simm.s32 @!p0 $0x0  }
0x12: {  	s1 =	sld [smem:$0x3F9C];
	s0 =	simm.s32 @p0 $0x1  }
0x13: {  	[smem:$0x3FB7] =	sst s0;
	s0 =	simm.s32 @!p1 $0x0  }
0x14: {  	s2 =	sld [smem:$0x3F9B];
	s0 =	simm.s32 @p1 $0x1  }
0x15: {  	[smem:$0x3FB8] =	sst s0;
	s0 =	simm.s32 @!p2 $0x0  }
0x16: {  	s3 =	sld [smem:$0x3FDB];
	s0 =	simm.s32 @p2 $0x1  }
0x17: {  	s4 =	simm.s32 $0x1BF5;
	[smem:$0x3FBA] =	sst s0  }
0x18: {  	s0 =	sld [smem:$0x3F9D];
	_ =	swait.ge [sflag:s4], $0x0  }
0x19: {  	s7 =	sld [smem:$0x3F9E]  }
0x1a: {  	s8 =	sadd.s32 $0xFFFFE003, lr  }
0x1b: {  	s9 =	sadd.s32 $0xFFFFFEF7, lr;
	s5 =	simm.s32 $0xFFFFFFFF;
	p2 =	slt.u32 s8, $0xFFFFF086  }
0x1c: {  	p1 =	slt.u32 s9, $0xF7A;
	s5 =	simm.s32 @!p2 $0x0  }
0x1d: {  	s5 =	simm.s32 @p1 $0x1;
	p0 =	seq.s32 s7, s2  }
0x1e: {  	s7 =	smul.u32 @!p0 $0xF7A, s2;
	p2 =	seq.s32 @!p0 s5, $0x0  }
0x1f: {  	s9 =	smul.u32 $0xF7A, s1;
	s8 =	simm.s32 @!p0 $0x1BF5;
	p2 =	por !p2, p0  }
0x20: {  	[sflag:s8] =	ssyncset.s32 @!p0 $0xFFFFF086;
	s6 =	sadd.s32 @!p0 s3, s7;
	s7 =	simm.s32 @!p0 $0x108  }
0x21: {  	s3 =	sadd.s32 s3, s9;
	s6 =	sadd.s32 @!p0 $0x88, s6;
	s7 =	simm.s32 @p2 $0x1082  }
0x22: {  	[simem:s7], [sflag:s8] =	dma.local @!p0 [hbm:s6], $0xF7A  }
0x23: {  	s9 =	sor.u32 $0xD0000000, s2;
	s6 =	simm.s32 $0x108;
	_ =	swait.ge @!p0 [sflag:s8], $0x0  }
0x24: {  	s3 =	sadd.s32 $0x88, s3;
	s6 =	simm.s32 @!p1 $0x1082;
	[sflag:s4] =	ssyncset.s32 $0xFFFFF086  }
0x25: {  	[simem:s6], [sflag:s4] =	dma.local [hbm:s3], $0xF7A  }
0x26: {  	[smem:$0x3F9E] =	sst s1;
	(tag) =	ssettag s2;
	_ =	strace s9  }
0x27: {  	s1 =	sld [smem:$0x3FAE]  }
0x28: {  	s2 =	sld [smem:$0x3FAF]  }
0x29: {  	s4 =	sld [smem:$0x3FB1]  }
0x2a: {  	p0 =	seq.s32 s5, $0x0;
	s5 =	sld [smem:$0x3FB2]  }
0x2b: {  	s6 =	sld [smem:$0x3FB3]  }
0x2c: {  	s7 =	sld [smem:$0x3FB4]  }
0x2d: {  	s3 =	simm.s32 $0x108;
	s8 =	sld [smem:$0x3FB5]  }
0x2e: {  	s3 =	simm.s32 @!p0 $0x1082;
	s9 =	sld [smem:$0x3FB6]  }
0x2f: {  	lr =	sadd.s32 s0, s3;
	s0 =	sld [smem:$0x3FAD]  }
0x30: {  	s3 =	sld [smem:$0x3FB0]  }
0x31: {  	[smem:$0x3FB9] =	sst s10  }
0x32: {  	s10 =	sld [smem:$0x3FB7];
	_ =	sdelay $0x3  }
0x33: {  	p0 =	seq.s32 s10, $0x1;
	s10 =	sld [smem:$0x3FB9];
	_ =	sdelay $0x3  }
0x34: {  	[smem:$0x3FB9] =	sst s10  }
0x35: {  	s10 =	sld [smem:$0x3FB8];
	_ =	sdelay $0x3  }
0x36: {  	p1 =	seq.s32 s10, $0x1;
	s10 =	sld [smem:$0x3FB9];
	_ =	sdelay $0x3  }
0x37: {  	[smem:$0x3FB9] =	sst s10  }
0x38: {  	s10 =	sld [smem:$0x3FBA]  }
0x39: {  	_ = 	snop;
	(pc) =	sbr.ind lr, $3  }
0x3a: {  	_ = 	snop  }
0x3b: {  	_ = 	snop  }
0x3c: {  	p2 =	seq.s32 s10, $0x1;
	s10 =	sld [smem:$0x3FB9]  }
0x3d: {  	_ =	shalt  }
0x3e: {  	_ =	shalt  }
0x3f: {  	_ =	shalt  }
0x40: {  	_ =	shalt  }
0x41: {  	_ =	shalt  }
0x42: {  	_ =	shalt  }
0x43: {  	_ =	shalt  }
0x44: {  	_ =	shalt  }
0x45: {  	_ =	shalt  }
0x46: {  	_ =	shalt  }
0x47: {  	_ =	shalt  }
0x48: {  	_ =	shalt  }
0x49: {  	_ =	shalt  }
0x4a: {  	_ =	shalt  }
0x4b: {  	_ =	shalt  }
0x4c: {  	_ =	shalt  }
0x4d: {  	_ =	shalt  }
0x4e: {  	_ =	shalt  }
0x4f: {  	_ =	shalt  }
0x50: {  	_ =	shalt  }
0x51: {  	_ =	shalt  }
0x52: {  	_ =	shalt  }
0x53: {  	_ =	shalt  }
0x54: {  	_ =	shalt  }
0x55: {  	_ =	shalt  }
0x56: {  	_ =	shalt  }
0x57: {  	_ =	shalt  }
0x58: {  	_ =	shalt  }
0x59: {  	_ =	shalt  }
0x5a: {  	_ =	shalt  }
0x5b: {  	_ =	shalt  }
0x5c: {  	_ =	shalt  }
0x5d: {  	_ =	shalt  }
0x5e: {  	_ =	shalt  }
0x5f: {  	_ =	shalt  }
0x60: {  	_ =	shalt  }
0x61: {  	_ =	shalt  }
0x62: {  	_ =	shalt  }
0x63: {  	_ =	shalt  }
0x64: {  	_ =	shalt  }
0x65: {  	_ =	shalt  }
0x66: {  	_ =	shalt  }
0x67: {  	_ =	shalt  }
0x68: {  	_ =	shalt  }
0x69: {  	_ =	shalt  }
0x6a: {  	_ =	shalt  }
0x6b: {  	_ =	shalt  }
0x6c: {  	_ =	shalt  }
0x6d: {  	_ =	shalt  }
0x6e: {  	_ =	shalt  }
0x6f: {  	_ =	shalt  }
0x70: {  	_ =	shalt  }
0x71: {  	_ =	shalt  }
0x72: {  	_ =	shalt  }
0x73: {  	_ =	shalt  }
0x74: {  	_ =	shalt  }
0x75: {  	_ =	shalt  }
0x76: {  	_ =	shalt  }
0x77: {  	_ =	shalt  }
0x78: {  	_ =	shalt  }
0x79: {  	_ =	shalt  }
0x7a: {  	_ =	shalt  }
0x7b: {  	_ =	shalt  }
0x7c: {  	_ =	shalt  }
0x7d: {  	_ =	shalt  }
0x7e: {  	_ =	shalt  }
0x7f: {  	_ =	shalt  }
0x80: {  	_ =	shalt  }
0x81: {  	_ =	shalt  }
0x82: {  	_ =	shalt  }
0x83: {  	_ =	shalt  }
0x84: {  	_ =	shalt  }
0x85: {  	_ =	shalt  }
0x86: {  	_ =	shalt  }
0x87: {  	_ =	shalt  }
.Lfunc_end0:
.L_simem_size_0:
called_computation_lowered:
.L_overlay_start_0:
0x88: {  	s2 =	sld [smem:$0x3FD9]  }
0x89: {  	s3 =	sld [smem:$0x3FFE];
	_ =	sdelay $0x1  }
0x8a: {  	s1 =	srdreg.scid  }
0x8b: {  	s0 =	sand.u32 $0x1, s1  }
0x8c: {  	s17 =	sshll.u32 s0, $0xA;
	s2 =	sadd.s32 s3, s2  }
0x8d: {  	s2 =	sadd.s32 s2, s17  }
0x8e: {  	[smem:$0x3FC5] =	sst s2  }
0x8f: {  	_ = 	snop  }
0x90: {  	s2 =	sld [smem:$0x3FC9]  }
0x91: {  	s18 =	sld [smem:$0x3FD0];
	(tm) =	ssettm $0x1  }
0x92: {  	s4 =	sld [smem:$0x3FFB];
	_ =	sdelay $0x3  }
0x93: {  	_ =	strace s4  }
0x94: {  	s4 =	sld [smem:$0x3FFC];
	_ =	sdelay $0x3  }
0x95: {  	_ =	strace s4  }
0x96: {  	s4 =	sld [smem:$0x3FFD];
	_ =	sdelay $0x3  }
0x97: {  	_ =	strace s4  }
0x98: {  	_ =	strace $0x8FFFFFFF  }
0x99: {  	s19 =	sld [smem:$0x3FDB];
	_ =	sdelay $0x1  }
0x9a: {  	s5 =	simm.s32 $_scs_section_size  }
0x9b: {  	s6 =	simm.s32 $_size__tile_overlayer_lowered;
	s7 =	simm.s32 $_tile_overlayer_lowered  }
0x9c: {  	s22 =	simm.s32 $0x1BFF;
	s21 =	sshll.u32 s7, $0x1;
	s4 =	sadd.s32 s5, s19  }
0x9d: {  	s8 =	simm.s32 $0x0;
	s20 =	sshll.u32 s6, $0x1;
	s6 =	sadd.s32 s21, s4  }
0x9e: {  	[timem:s8], [sflag:s22] =	dma.local [hbm:s6], s20  }
0x9f: {  	_ =	swait.ge [sflag:s22], s20  }
0xa0: {  	s5 =	ssub.s32 $0x0, s20;
	[sflag:s22] =	ssyncset.done $0x0  }
0xa1: {  	[sflag:s22] =	ssyncadd.s32 s5;
	_ =	sdelay $0x1  }
0xa2: {  	s23 =	simm.s32 $0x1B8B  }
0xa3: {  	_ =	swait.ge [sflag:s23], $0x1  }
0xa4: {  	[sflag:s23] =	ssyncset.done $0x0  }
0xa5: {  	s25 =	simm.s32 $0x1B8E;
	s24 =	sld [smem:$0x3FFE];
	[sflag:s23] =	ssyncadd.s32 $0xFFFFFFFF  }
0xa6: {  	s26 =	simm.s32 $execute0_lowered;
	[smem:$0x3FD2] =	sst s25  }
0xa7: {  	s6 =	sshll.u32 s26, $0x1;
	_ =	strace $0x80000046;
	[dreg:$0x1] =	wrdreg $0xFFFFFFFF  }
0xa8: {  	s28 =	simm.s32 $_size_execute0_lowered;
	s4 =	sadd.s32 s4, s6;
	[dreg:$0x0] =	wrdreg $0x0  }
0xa9: {  	s6 =	sshll.u32 s28, $0x1;
	[dreg:$0x2] =	wrdreg s4  }
0xaa: {  	[dreg:$0x3] =	wrdreg s6  }
0xab: {  	[dreg:$0x4] =	wrdreg $0xC0  }
0xac: {  	_ =	task [dreg:s8], $0x5FFFF  }
0xad: {  	[dreg:$0x1] =	wrdreg $0xFFFFFFFF  }
0xae: {  	[dreg:$0x0] =	wrdreg $0x60  }
0xaf: {  	[dreg:$0x2] =	wrdreg s2  }
0xb0: {  	[dreg:$0x3] =	wrdreg s24  }
0xb1: {  	[dreg:$0x4] =	wrdreg s18  }
0xb2: {  	[dreg:$0x5] =	wrdreg $0x9  }
0xb3: {  	_ =	task.clear_ibuf [dreg:s8], $0x6FFFF;
	_ =	strace $0x90000046  }
0xb4: {  	s29 =	simm.s32 $0x9;
	_ =	strace $0x80000048  }
0xb5: {  	_ =	swait.ge [sflag:s29], $0x1  }
0xb6: {  	[sflag:s29] =	ssyncadd.s32 $0xFFFFFFFF  }
0xb7: {  	_ =	strace $0x90000048  }
0xb8: {  	_ =	sfence  }
0xb9: {  	s30 =	sld [smem:$0x0];
	_ =	sdelay $0x2  }
0xba: {  	s31 =	sshll.u32 s1, $0xD;
	s1 =	sshrl.u32 s1, $0x2  }
0xbb: {  	s3 =	sand.u32 $0x4000, s31;
	s1 =	sadd.s32 s1, s30  }
0xbc: {  	s0 =	sor.u32 s3, s0;
	s1 =	sshll.u32 s1, $0x11  }
0xbd: {  	s0 =	sor.u32 s1, s0  }
0xbe: {  	s0 =	sadd.s32 $0x8F2B, s0  }
0xbf: {  	[sflag:s0] =	ssyncadd.remote.s32 $0x1  }
0xc0: {  	_ =	sfence.sel $0xFFFF  }
0xc1: {  	[dreg:$0x0] =	wrdreg $0xFFFFFFFF;
	(pc) =	sbr.abs _section_cstart, $3  }
0xc2: {  	[dreg:$0x1] =	wrdreg $0xFFFFFFFF  }
0xc3: {  	_ =	task.clear_ibuf [dreg:s8], $0x2FFFF;
	_ =	strace $0x9FFFFFFF  }
0xc4: {  	(tm) =	ssettm $0x7FFFFFFF  }
0xc5: {  	_ =	shalt  }
tec
execute0_lowered:
.L_overlay_start_1:
0x0: {  	(tag) =	ssettag $0x1  }
0x1: {  	s1 =	rddreg [dreg:$0x0]  }
0x2: {  	s0 =	rddreg [dreg:$0x1]  }
0x3: {  	s12 =	rddreg [dreg:$0x2]  }
0x4: {  	s2 =	srdreg.scid;
	s3 =	stileid.u32;
	s4 =	simm.s32 $0x0  }
0x5: {  	s28 =	simm.s32 $0x2;
	s29 =	simm.s32 $0x3;
	s30 =	simm.s32 $0x13400  }
0x6: {  	s13 =	simm.s32 $0xB;
	s19 =	simm.s32 $0x8;
	s2 =	sand.u32 $0x1, s2  }
0x7: {  	s3 =	sshll.u32 s3, $0x1;
	[smem:$0x7FF] =	sst s4;
	s5 =	sadd.s32 $0x66400, s0  }
0x8: {  	s7 =	sadd.s32 $0x132C00, s0;
	s3 =	sor.u32 s2, s3;
	_ =	strace $0x80000047  }
0x9: {  	s2 =	ssub.s32 $0x2, s2;
	s6 =	sshll.u32 s3, $0x9;
	s8 =	smul.u32 $0x6640, s3  }
0xa: {  	s10 =	sshrl.u32 s2, $0x1;
	s3 =	sshll.u32 s3, $0x12;
	s9 =	sor.u32 $0x8, s6  }
0xb: {  	s20 =	ssub.s32 s2, s10;
	s21 =	sadd.s32 s1, s3;
	s14 =	sor.u32 $0x10, s6  }
0xc: {  	s31 =	sadd.s32 s3, s12;
	s16 =	sor.u32 $0x18, s6;
	s18 =	sor.u32 $0x20, s6  }
0xd: {  	s10 =	simm.s32 $0x4;
	s12 =	simm.s32 $0xA;
	s3 =	simm.s32 $0x0  }
0xe: {  	s11 =	smul.u32 $0x199, s9;
	[dreg:$0x4] =	wrdreg s21;
	s22 =	sadd.s32 s5, s8  }
0xf: {  	s23 =	sshll.u32 s9, $0x9;
	s8 =	sadd.s32 s7, s8;
	s15 =	sadd.s32 $0x1000, s31  }
0x10: {  	s17 =	sadd.s32 $0x2000, s31;
	s0 =	smax.u32 s20, $0x1;
	[dreg:$0x5] =	wrdreg s22  }
0x11: {  	s9 =	simm.s32 $0x7;
	[dreg:$0x6] =	wrdreg s8;
	s2 =	sadd.s32 s1, s23  }
0x12: {  	[dreg:$0xb] =	wrdreg s0;
	s22 =	simm.s32 $0x8D00;
	s23 =	simm.s32 $0x9A00  }
0x13: {  	s24 =	sshrl.u32 s11, $0x3;
	[dreg:$0x7] =	wrdreg s2;
	s2 =	sadd.s32 $0x3F000, s31  }
0x14: {  	s8 =	simm.s32 $0x6;
	s25 =	sadd.s32 s5, s24;
	[dreg:$0xa] =	wrdreg s2  }
0x15: {  	s11 =	simm.s32 $0x9;
	s26 =	sadd.s32 s7, s24;
	[dreg:$0x8] =	wrdreg s25  }
0x16: {  	vm0 =	vmmov $0xff;
	vm1 =	vcmask $0x2320;
	s2 =	simm.s32 $0x5;
	[dreg:$0x9] =	wrdreg s26;
	s26 =	simm.s32 $0x1  }
.LBB2_1:
0x17: {  	[dreg:$0xc] =	wrdreg s3  }
0x18: {  	s0 =	rddreg [dreg:$0x4]  }
0x19: {  	[tilespmem:s4], [sflag:$0x1] =	stream.linear.gather [hbm4b:s0+s4], $0x8000, $0x38;
	[tilespmem:$0x1CE00] =	vst v63  }
0x1a: {  	s25 =	rddreg [dreg:$0x5];
	s31 =	simm.s32 $0x8000  }
0x1b: {  	[tilespmem:s31], [sflag:$0x2] =	stream.linear.gather [hbm4b:s25+s4], $0xCC8, $0x38;
	[tilespmem:$0x1CE00] =	vst v63  }
0x1c: {  	s3 =	rddreg [dreg:$0x6]  }
0x1d: {  	[tilespmem:s22], [sflag:$0x3] =	stream.linear.gather [hbm4b:s3+s4], $0xCC8, $0x38;
	[tilespmem:$0x1CE00] =	vst v63  }
0x1e: {  	s20 =	rddreg [dreg:$0x7]  }
0x1f: {  	[tilespmem:s23], [sflag:$0x5] =	stream.linear.gather [hbm4b:s20+s4], $0x8000, $0x38;
	[tilespmem:$0x1CE00] =	vst v63  }
0x20: {  	s21 =	rddreg [dreg:$0x8];
	s24 =	simm.s32 $0x11A00  }
0x21: {  	[tilespmem:s24], [sflag:$0x6] =	stream.linear.gather [hbm4b:s21+s4], $0xCC8, $0x38;
	[tilespmem:$0x1CE00] =	vst v63  }
0x22: {  	s25 =	rddreg [dreg:$0x9];
	s31 =	simm.s32 $0x12700;
	s20 =	simm.s32 $0x0  }
0x23: {  	[tilespmem:s31], [sflag:$0x7] =	stream.linear.gather [hbm4b:s25+s4], $0xCC8, $0x38;
	[tilespmem:$0x1CE00] =	vst v63  }
.LBB2_2:
0x24: {  	_ =	swait.ge [sflag:s26], $0x8000  }
0x25: {  	[sflag:s26] =	ssyncset.done $0x0  }
0x26: {  	[sflag:s26] =	ssyncadd.s32 $0xFFFF8000  }
0x27: {  	_ =	swait.ge [sflag:s28], $0xCC8  }
0x28: {  	[sflag:s28] =	ssyncset.done $0x0  }
0x29: {  	[sflag:s28] =	ssyncadd.s32 $0xFFFFF338  }
0x2a: {  	_ =	swait.ge [sflag:s29], $0xCC8  }
0x2b: {  	s3 =	simm.s32 $0x0;
	[sflag:s29] =	ssyncset.done $0x0  }
0x2c: {  	s24 =	simm.s32 $0x8DD0;
	s25 =	simm.s32 $0x80D0;
	[sflag:s29] =	ssyncadd.s32 $0xFFFFF338  }
.LBB2_3:
0x2d: {  	v0 =	vld [tilespmem:s25+$0xFFFFFF30]  }
0x2e: {  	v1 =	vld [tilespmem:s25+$0xFFFFFF31];
	_ =	sdelay $0x4  }
0x2f: {  	vm2 =	vne.s32 v0, v1  }
0x30: {  	v38 =	vld [tilespmem:s24+$0xFFFFFF30];
	v0 =	vand.u32 $0x7FFF, v0;
	_ =	sdelay $0x4  }
0x31: {  	[tilespmem:v0+s4+$0x0] =	vst.idx.msk vm2, v38  }
0x32: {  	v0 =	vld [tilespmem:s25+$0xFFFFFF40]  }
0x33: {  	v1 =	vld [tilespmem:s25+$0xFFFFFF41];
	_ =	sdelay $0x4  }
0x34: {  	vm2 =	vne.s32 v0, v1  }
0x35: {  	v39 =	vld [tilespmem:s24+$0xFFFFFF40];
	v0 =	vand.u32 $0x7FFF, v0;
	_ =	sdelay $0x4  }
0x36: {  	[tilespmem:v0+s4+$0x0] =	vst.idx.msk vm2, v39  }
0x37: {  	v0 =	vld [tilespmem:s25+$0xFFFFFF50]  }
0x38: {  	v1 =	vld [tilespmem:s25+$0xFFFFFF51];
	_ =	sdelay $0x4  }
0x39: {  	vm2 =	vne.s32 v0, v1  }
0x3a: {  	v40 =	vld [tilespmem:s24+$0xFFFFFF50];
	v0 =	vand.u32 $0x7FFF, v0;
	_ =	sdelay $0x4  }
0x3b: {  	[tilespmem:v0+s4+$0x0] =	vst.idx.msk vm2, v40  }
0x3c: {  	v0 =	vld [tilespmem:s25+$0xFFFFFF60]  }
0x3d: {  	v1 =	vld [tilespmem:s25+$0xFFFFFF61];
	_ =	sdelay $0x4  }
0x3e: {  	vm2 =	vne.s32 v0, v1  }
0x3f: {  	v41 =	vld [tilespmem:s24+$0xFFFFFF60];
	v0 =	vand.u32 $0x7FFF, v0;
	_ =	sdelay $0x4  }
0x40: {  	[tilespmem:v0+s4+$0x0] =	vst.idx.msk vm2, v41  }
0x41: {  	v0 =	vld [tilespmem:s25+$0xFFFFFF70]  }
0x42: {  	v1 =	vld [tilespmem:s25+$0xFFFFFF71];
	_ =	sdelay $0x4  }
0x43: {  	vm2 =	vne.s32 v0, v1  }
0x44: {  	v42 =	vld [tilespmem:s24+$0xFFFFFF70];
	v0 =	vand.u32 $0x7FFF, v0;
	_ =	sdelay $0x4  }
0x45: {  	[tilespmem:v0+s4+$0x0] =	vst.idx.msk vm2, v42  }
0x46: {  	v0 =	vld [tilespmem:s25+$0xFFFFFF80]  }
0x47: {  	v1 =	vld [tilespmem:s25+$0xFFFFFF81];
	_ =	sdelay $0x4  }
0x48: {  	vm2 =	vne.s32 v0, v1  }
0x49: {  	v43 =	vld [tilespmem:s24+$0xFFFFFF80];
	v0 =	vand.u32 $0x7FFF, v0;
	_ =	sdelay $0x4  }
0x4a: {  	[tilespmem:v0+s4+$0x0] =	vst.idx.msk vm2, v43  }
0x4b: {  	v0 =	vld [tilespmem:s25+$0xFFFFFF90]  }
0x4c: {  	v1 =	vld [tilespmem:s25+$0xFFFFFF91];
	_ =	sdelay $0x4  }
0x4d: {  	vm2 =	vne.s32 v0, v1  }
0x4e: {  	v44 =	vld [tilespmem:s24+$0xFFFFFF90];
	v0 =	vand.u32 $0x7FFF, v0;
	_ =	sdelay $0x4  }
0x4f: {  	[tilespmem:v0+s4+$0x0] =	vst.idx.msk vm2, v44  }
0x50: {  	v0 =	vld [tilespmem:s25+$0xFFFFFFA0]  }
0x51: {  	v1 =	vld [tilespmem:s25+$0xFFFFFFA1];
	_ =	sdelay $0x4  }
0x52: {  	vm2 =	vne.s32 v0, v1  }
0x53: {  	v45 =	vld [tilespmem:s24+$0xFFFFFFA0];
	v0 =	vand.u32 $0x7FFF, v0;
	_ =	sdelay $0x4  }
0x54: {  	s0 =	sand.u32 $0xFFF, s3;
	[tilespmem:v0+s4+$0x0] =	vst.idx.msk vm2, v45  }
0x55: {  	v0 =	vld [tilespmem:s0+$0x8080]  }
0x56: {  	v1 =	vld [tilespmem:s25+$0xFFFFFFB1];
	_ =	sdelay $0x4  }
0x57: {  	vm2 =	vne.s32 v0, v1  }
0x58: {  	v46 =	vld [tilespmem:s0+$0x8D80];
	v0 =	vand.u32 $0x7FFF, v0;
	_ =	sdelay $0x4  }
0x59: {  	[tilespmem:v0+s4+$0x0] =	vst.idx.msk vm2, v46  }
0x5a: {  	v0 =	vld [tilespmem:s25+$0xFFFFFFC0]  }
0x5b: {  	v1 =	vld [tilespmem:s25+$0xFFFFFFC1];
	_ =	sdelay $0x4  }
0x5c: {  	vm2 =	vne.s32 v0, v1  }
0x5d: {  	v47 =	vld [tilespmem:s24+$0xFFFFFFC0];
	v0 =	vand.u32 $0x7FFF, v0;
	_ =	sdelay $0x4  }
0x5e: {  	[tilespmem:v0+s4+$0x0] =	vst.idx.msk vm2, v47  }
0x5f: {  	v0 =	vld [tilespmem:s25+$0xFFFFFFD0]  }
0x60: {  	v1 =	vld [tilespmem:s25+$0xFFFFFFD1];
	_ =	sdelay $0x4  }
0x61: {  	vm2 =	vne.s32 v0, v1  }
0x62: {  	v48 =	vld [tilespmem:s24+$0xFFFFFFD0];
	v0 =	vand.u32 $0x7FFF, v0;
	_ =	sdelay $0x4  }
0x63: {  	[tilespmem:v0+s4+$0x0] =	vst.idx.msk vm2, v48  }
0x64: {  	v0 =	vld [tilespmem:s25+$0xFFFFFFE0]  }
0x65: {  	v1 =	vld [tilespmem:s25+$0xFFFFFFE1];
	_ =	sdelay $0x4  }
0x66: {  	vm2 =	vne.s32 v0, v1  }
0x67: {  	v49 =	vld [tilespmem:s24+$0xFFFFFFE0];
	v0 =	vand.u32 $0x7FFF, v0;
	_ =	sdelay $0x4  }
0x68: {  	[tilespmem:v0+s4+$0x0] =	vst.idx.msk vm2, v49  }
0x69: {  	v0 =	vld [tilespmem:s25+$0xFFFFFFF0]  }
0x6a: {  	v1 =	vld [tilespmem:s25+$0xFFFFFFF1];
	_ =	sdelay $0x4  }
0x6b: {  	vm2 =	vne.s32 v0, v1  }
0x6c: {  	v50 =	vld [tilespmem:s24+$0xFFFFFFF0];
	v0 =	vand.u32 $0x7FFF, v0;
	_ =	sdelay $0x4  }
0x6d: {  	[tilespmem:v0+s4+$0x0] =	vst.idx.msk vm2, v50  }
0x6e: {  	v0 =	vld [tilespmem:s25+$0x0]  }
0x6f: {  	v1 =	vld [tilespmem:s25+$0x1];
	_ =	sdelay $0x4  }
0x70: {  	vm2 =	vne.s32 v0, v1  }
0x71: {  	v51 =	vld [tilespmem:s24+$0x0];
	v0 =	vand.u32 $0x7FFF, v0;
	_ =	sdelay $0x4  }
0x72: {  	[tilespmem:v0+s4+$0x0] =	vst.idx.msk vm2, v51  }
0x73: {  	v0 =	vld [tilespmem:s25+$0x10]  }
0x74: {  	v1 =	vld [tilespmem:s25+$0x11];
	_ =	sdelay $0x4  }
0x75: {  	vm2 =	vne.s32 v0, v1  }
0x76: {  	v52 =	vld [tilespmem:s24+$0x10];
	v0 =	vand.u32 $0x7FFF, v0;
	_ =	sdelay $0x4  }
0x77: {  	[tilespmem:v0+s4+$0x0] =	vst.idx.msk vm2, v52  }
0x78: {  	v0 =	vld [tilespmem:s25+$0x20]  }
0x79: {  	v1 =	vld [tilespmem:s25+$0x21];
	_ =	sdelay $0x4  }
0x7a: {  	vm2 =	vne.s32 v0, v1  }
0x7b: {  	v53 =	vld [tilespmem:s24+$0x20];
	v0 =	vand.u32 $0x7FFF, v0;
	_ =	sdelay $0x4  }
0x7c: {  	[tilespmem:v0+s4+$0x0] =	vst.idx.msk vm2, v53  }
0x7d: {  	v0 =	vld [tilespmem:s0+$0x8100]  }
0x7e: {  	v1 =	vld [tilespmem:s25+$0x31];
	_ =	sdelay $0x4  }
0x7f: {  	vm2 =	vne.s32 v0, v1  }
0x80: {  	v54 =	vld [tilespmem:s0+$0x8E00];
	v0 =	vand.u32 $0x7FFF, v0;
	_ =	sdelay $0x4  }
0x81: {  	[tilespmem:v0+s4+$0x0] =	vst.idx.msk vm2, v54  }
0x82: {  	v0 =	vld [tilespmem:s25+$0x40]  }
0x83: {  	v1 =	vld [tilespmem:s25+$0x41];
	_ =	sdelay $0x4  }
0x84: {  	vm2 =	vne.s32 v0, v1  }
0x85: {  	v55 =	vld [tilespmem:s24+$0x40];
	v0 =	vand.u32 $0x7FFF, v0;
	_ =	sdelay $0x4  }
0x86: {  	[tilespmem:v0+s4+$0x0] =	vst.idx.msk vm2, v55  }
0x87: {  	v0 =	vld [tilespmem:s25+$0x50]  }
0x88: {  	v1 =	vld [tilespmem:s25+$0x51];
	_ =	sdelay $0x4  }
0x89: {  	vm2 =	vne.s32 v0, v1  }
0x8a: {  	v56 =	vld [tilespmem:s24+$0x50];
	v0 =	vand.u32 $0x7FFF, v0;
	_ =	sdelay $0x4  }
0x8b: {  	[tilespmem:v0+s4+$0x0] =	vst.idx.msk vm2, v56  }
0x8c: {  	v0 =	vld [tilespmem:s25+$0x60]  }
0x8d: {  	v1 =	vld [tilespmem:s25+$0x61];
	_ =	sdelay $0x4  }
0x8e: {  	vm2 =	vne.s32 v0, v1  }
0x8f: {  	v57 =	vld [tilespmem:s24+$0x60];
	v0 =	vand.u32 $0x7FFF, v0;
	_ =	sdelay $0x4  }
0x90: {  	[tilespmem:v0+s4+$0x0] =	vst.idx.msk vm2, v57  }
0x91: {  	v0 =	vld [tilespmem:s25+$0x70]  }
0x92: {  	v1 =	vld [tilespmem:s25+$0x71];
	_ =	sdelay $0x4  }
0x93: {  	vm2 =	vne.s32 v0, v1  }
0x94: {  	v58 =	vld [tilespmem:s24+$0x70];
	v0 =	vand.u32 $0x7FFF, v0;
	_ =	sdelay $0x4  }
0x95: {  	[tilespmem:v0+s4+$0x0] =	vst.idx.msk vm2, v58  }
0x96: {  	v0 =	vld [tilespmem:s25+$0x80]  }
0x97: {  	v1 =	vld [tilespmem:s25+$0x81];
	_ =	sdelay $0x4  }
0x98: {  	vm2 =	vne.s32 v0, v1  }
0x99: {  	v59 =	vld [tilespmem:s24+$0x80];
	v0 =	vand.u32 $0x7FFF, v0;
	_ =	sdelay $0x4  }
0x9a: {  	[tilespmem:v0+s4+$0x0] =	vst.idx.msk vm2, v59  }
0x9b: {  	v0 =	vld [tilespmem:s25+$0x90]  }
0x9c: {  	v1 =	vld [tilespmem:s25+$0x91];
	_ =	sdelay $0x4  }
0x9d: {  	vm2 =	vne.s32 v0, v1  }
0x9e: {  	v60 =	vld [tilespmem:s24+$0x90];
	v0 =	vand.u32 $0x7FFF, v0;
	_ =	sdelay $0x4  }
0x9f: {  	[tilespmem:v0+s4+$0x0] =	vst.idx.msk vm2, v60  }
0xa0: {  	v0 =	vld [tilespmem:s25+$0xA0]  }
0xa1: {  	v1 =	vld [tilespmem:s25+$0xA1];
	_ =	sdelay $0x4  }
0xa2: {  	vm2 =	vne.s32 v0, v1  }
0xa3: {  	v61 =	vld [tilespmem:s24+$0xA0];
	v0 =	vand.u32 $0x7FFF, v0;
	_ =	sdelay $0x4  }
0xa4: {  	[tilespmem:v0+s4+$0x0] =	vst.idx.msk vm2, v61  }
0xa5: {  	v0 =	vld [tilespmem:s0+$0x8180]  }
0xa6: {  	v1 =	vld [tilespmem:s25+$0xB1];
	_ =	sdelay $0x4  }
0xa7: {  	vm2 =	vne.s32 v0, v1  }
0xa8: {  	v62 =	vld [tilespmem:s0+$0x8E80];
	v0 =	vand.u32 $0x7FFF, v0;
	_ =	sdelay $0x4  }
0xa9: {  	[tilespmem:v0+s4+$0x0] =	vst.idx.msk vm2, v62  }
0xaa: {  	v0 =	vld [tilespmem:s25+$0xC0]  }
0xab: {  	v1 =	vld [tilespmem:s25+$0xC1];
	_ =	sdelay $0x4  }
0xac: {  	vm2 =	vne.s32 v0, v1  }
0xad: {  	vm2 =	vmand vm2, vm0  }
0xae: {  	vm2 =	vmor vm2, vm1  }
0xaf: {  	p0 =	sne.s32 s3, $0xB2F;
	v63 =	vld [tilespmem:s24+$0xC0];
	v0 =	vand.u32 $0x7FFF, v0  }
.Ltmp0:
0xb0: {  	_ = 	snop;
	(pc) =	sbr.rel @p0 .LBB2_3-.Ltmp0, $2  }
0xb1: {  	_ =	sdelay $0x2  }
0xb2: {  	s3 =	sadd.s32 $0x199, s3;
	s24 =	sadd.s32 $0x199, s24;
	s25 =	sadd.s32 $0x199, s25;
	[tilespmem:v0+s4+$0x0] =	vst.idx.msk vm2, v63  }
0xb3: {  	s3 =	smul.u32 $0x18, s20;
	_ =	sdelay $0x1  }
0xb4: {  	s0 =	sadd.s32 s6, s3  }
0xb5: {  	s21 =	rddreg [dreg:$0x2];
	s0 =	sshll.u32 s0, $0x9  }
0xb6: {  	p0 =	seq.s32 s20, $0x0;
	s0 =	sadd.s32 s21, s0  }
0xb7: {  	[hbm4b:s0+s4] =	stream.linear.scatter [tilespmem:s4], [sflag:$0x4], $0x8000, $0x38;
	[tilespmem:$0x1CE00] =	vst v63  }
0xb8: {  	s25 =	sadd.s32 s3, s14;
	s0 =	simm.s32 @!p0 $0xC  }
0xb9: {  	s24 =	sshll.u32 s25, $0x9;
	_ =	swait.ge @!p0 [sflag:s0], $0x8000  }
0xba: {  	s24 =	sand.u32 $0x1FFFF000, s24;
	s21 =	smul.u32 $0x199, s25;
	[sflag:s0] =	ssyncset.done @!p0 $0x0  }
0xbb: {  	[sflag:s0] =	ssyncadd.s32 @!p0 $0xFFFF8000;
	s0 =	sadd.s32 s1, s24;
	s24 =	simm.s32 $0x0  }
0xbc: {  	[tilespmem:s30], [sflag:$0x9] =	stream.linear.gather [hbm4b:s0+s24], $0x8000, $0x38;
	[tilespmem:$0x1CE00] =	vst v63  }
0xbd: {  	s0 =	sshrl.u32 s21, $0x3  }
0xbe: {  	s25 =	simm.s32 $0x1B400;
	s21 =	sadd.s32 s5, s0  }
0xbf: {  	[tilespmem:s25], [sflag:$0xA] =	stream.linear.gather [hbm4b:s21+s24], $0xCC8, $0x38;
	[tilespmem:$0x1CE00] =	vst v63  }
0xc0: {  	s0 =	sadd.s32 s7, s0;
	s25 =	simm.s32 $0x1C100  }
0xc1: {  	[tilespmem:s25], [sflag:$0xB] =	stream.linear.gather [hbm4b:s0+s24], $0xCC8, $0x38;
	[tilespmem:$0x1CE00] =	vst v63  }
0xc2: {  	_ =	swait.ge [sflag:s2], $0x8000  }
0xc3: {  	[sflag:s2] =	ssyncset.done $0x0  }
0xc4: {  	[sflag:s2] =	ssyncadd.s32 $0xFFFF8000  }
0xc5: {  	_ =	swait.ge [sflag:s8], $0xCC8  }
0xc6: {  	[sflag:s8] =	ssyncset.done $0x0  }
0xc7: {  	[sflag:s8] =	ssyncadd.s32 $0xFFFFF338  }
0xc8: {  	_ =	swait.ge [sflag:s9], $0xCC8  }
0xc9: {  	[sflag:s9] =	ssyncset.done $0x0  }
0xca: {  	s31 =	simm.s32 $0x11AD0;
	s25 =	simm.s32 $0x127D0;
	[sflag:s9] =	ssyncadd.s32 $0xFFFFF338  }
.LBB2_5:
0xcb: {  	v0 =	vld [tilespmem:s31+$0xFFFFFF30]  }
0xcc: {  	v1 =	vld [tilespmem:s31+$0xFFFFFF31];
	_ =	sdelay $0x4  }
0xcd: {  	vm2 =	vne.s32 v0, v1  }
0xce: {  	v38 =	vld [tilespmem:s25+$0xFFFFFF30];
	v0 =	vand.u32 $0x7FFF, v0;
	_ =	sdelay $0x4  }
0xcf: {  	[tilespmem:v0+s23+$0x0] =	vst.idx.msk vm2, v38  }
0xd0: {  	v0 =	vld [tilespmem:s31+$0xFFFFFF40]  }
0xd1: {  	v1 =	vld [tilespmem:s31+$0xFFFFFF41];
	_ =	sdelay $0x4  }
0xd2: {  	vm2 =	vne.s32 v0, v1  }
0xd3: {  	v39 =	vld [tilespmem:s25+$0xFFFFFF40];
	v0 =	vand.u32 $0x7FFF, v0;
	_ =	sdelay $0x4  }
0xd4: {  	[tilespmem:v0+s23+$0x0] =	vst.idx.msk vm2, v39  }
0xd5: {  	v0 =	vld [tilespmem:s31+$0xFFFFFF50]  }
0xd6: {  	v1 =	vld [tilespmem:s31+$0xFFFFFF51];
	_ =	sdelay $0x4  }
0xd7: {  	vm2 =	vne.s32 v0, v1  }
0xd8: {  	v40 =	vld [tilespmem:s25+$0xFFFFFF50];
	v0 =	vand.u32 $0x7FFF, v0;
	_ =	sdelay $0x4  }
0xd9: {  	[tilespmem:v0+s23+$0x0] =	vst.idx.msk vm2, v40  }
0xda: {  	v0 =	vld [tilespmem:s31+$0xFFFFFF60]  }
0xdb: {  	v1 =	vld [tilespmem:s31+$0xFFFFFF61];
	_ =	sdelay $0x4  }
0xdc: {  	vm2 =	vne.s32 v0, v1  }
0xdd: {  	v41 =	vld [tilespmem:s25+$0xFFFFFF60];
	v0 =	vand.u32 $0x7FFF, v0;
	_ =	sdelay $0x4  }
0xde: {  	[tilespmem:v0+s23+$0x0] =	vst.idx.msk vm2, v41  }
0xdf: {  	v0 =	vld [tilespmem:s31+$0xFFFFFF70]  }
0xe0: {  	v1 =	vld [tilespmem:s31+$0xFFFFFF71];
	_ =	sdelay $0x4  }
0xe1: {  	vm2 =	vne.s32 v0, v1  }
0xe2: {  	v42 =	vld [tilespmem:s25+$0xFFFFFF70];
	v0 =	vand.u32 $0x7FFF, v0;
	_ =	sdelay $0x4  }
0xe3: {  	[tilespmem:v0+s23+$0x0] =	vst.idx.msk vm2, v42  }
0xe4: {  	v0 =	vld [tilespmem:s31+$0xFFFFFF80]  }
0xe5: {  	v1 =	vld [tilespmem:s31+$0xFFFFFF81];
	_ =	sdelay $0x4  }
0xe6: {  	vm2 =	vne.s32 v0, v1  }
0xe7: {  	v43 =	vld [tilespmem:s25+$0xFFFFFF80];
	v0 =	vand.u32 $0x7FFF, v0;
	_ =	sdelay $0x4  }
0xe8: {  	[tilespmem:v0+s23+$0x0] =	vst.idx.msk vm2, v43  }
0xe9: {  	v0 =	vld [tilespmem:s31+$0xFFFFFF90]  }
0xea: {  	v1 =	vld [tilespmem:s31+$0xFFFFFF91];
	_ =	sdelay $0x4  }
0xeb: {  	vm2 =	vne.s32 v0, v1  }
0xec: {  	v44 =	vld [tilespmem:s25+$0xFFFFFF90];
	v0 =	vand.u32 $0x7FFF, v0;
	_ =	sdelay $0x4  }
0xed: {  	[tilespmem:v0+s23+$0x0] =	vst.idx.msk vm2, v44  }
0xee: {  	v0 =	vld [tilespmem:s31+$0xFFFFFFA0]  }
0xef: {  	v1 =	vld [tilespmem:s31+$0xFFFFFFA1];
	_ =	sdelay $0x4  }
0xf0: {  	vm2 =	vne.s32 v0, v1  }
0xf1: {  	v45 =	vld [tilespmem:s25+$0xFFFFFFA0];
	v0 =	vand.u32 $0x7FFF, v0;
	_ =	sdelay $0x4  }
0xf2: {  	s0 =	sand.u32 $0xFFF, s24;
	[tilespmem:v0+s23+$0x0] =	vst.idx.msk vm2, v45  }
0xf3: {  	v0 =	vld [tilespmem:s0+$0x11A80]  }
0xf4: {  	v1 =	vld [tilespmem:s31+$0xFFFFFFB1];
	_ =	sdelay $0x4  }
0xf5: {  	vm2 =	vne.s32 v0, v1  }
0xf6: {  	v46 =	vld [tilespmem:s0+$0x12780];
	v0 =	vand.u32 $0x7FFF, v0;
	_ =	sdelay $0x4  }
0xf7: {  	[tilespmem:v0+s23+$0x0] =	vst.idx.msk vm2, v46  }
0xf8: {  	v0 =	vld [tilespmem:s31+$0xFFFFFFC0]  }
0xf9: {  	v1 =	vld [tilespmem:s31+$0xFFFFFFC1];
	_ =	sdelay $0x4  }
0xfa: {  	vm2 =	vne.s32 v0, v1  }
0xfb: {  	v47 =	vld [tilespmem:s25+$0xFFFFFFC0];
	v0 =	vand.u32 $0x7FFF, v0;
	_ =	sdelay $0x4  }
0xfc: {  	[tilespmem:v0+s23+$0x0] =	vst.idx.msk vm2, v47  }
0xfd: {  	v0 =	vld [tilespmem:s31+$0xFFFFFFD0]  }
0xfe: {  	v1 =	vld [tilespmem:s31+$0xFFFFFFD1];
	_ =	sdelay $0x4  }
0xff: {  	vm2 =	vne.s32 v0, v1  }
0x100: {  	v48 =	vld [tilespmem:s25+$0xFFFFFFD0];
	v0 =	vand.u32 $0x7FFF, v0;
	_ =	sdelay $0x4  }
0x101: {  	[tilespmem:v0+s23+$0x0] =	vst.idx.msk vm2, v48  }
0x102: {  	v0 =	vld [tilespmem:s31+$0xFFFFFFE0]  }
0x103: {  	v1 =	vld [tilespmem:s31+$0xFFFFFFE1];
	_ =	sdelay $0x4  }
0x104: {  	vm2 =	vne.s32 v0, v1  }
0x105: {  	v49 =	vld [tilespmem:s25+$0xFFFFFFE0];
	v0 =	vand.u32 $0x7FFF, v0;
	_ =	sdelay $0x4  }
0x106: {  	[tilespmem:v0+s23+$0x0] =	vst.idx.msk vm2, v49  }
0x107: {  	v0 =	vld [tilespmem:s31+$0xFFFFFFF0]  }
0x108: {  	v1 =	vld [tilespmem:s31+$0xFFFFFFF1];
	_ =	sdelay $0x4  }
0x109: {  	vm2 =	vne.s32 v0, v1  }
0x10a: {  	v50 =	vld [tilespmem:s25+$0xFFFFFFF0];
	v0 =	vand.u32 $0x7FFF, v0;
	_ =	sdelay $0x4  }
0x10b: {  	[tilespmem:v0+s23+$0x0] =	vst.idx.msk vm2, v50  }
0x10c: {  	v0 =	vld [tilespmem:s31+$0x0]  }
0x10d: {  	v1 =	vld [tilespmem:s31+$0x1];
	_ =	sdelay $0x4  }
0x10e: {  	vm2 =	vne.s32 v0, v1  }
0x10f: {  	v51 =	vld [tilespmem:s25+$0x0];
	v0 =	vand.u32 $0x7FFF, v0;
	_ =	sdelay $0x4  }
0x110: {  	[tilespmem:v0+s23+$0x0] =	vst.idx.msk vm2, v51  }
0x111: {  	v0 =	vld [tilespmem:s31+$0x10]  }
0x112: {  	v1 =	vld [tilespmem:s31+$0x11];
	_ =	sdelay $0x4  }
0x113: {  	vm2 =	vne.s32 v0, v1  }
0x114: {  	v52 =	vld [tilespmem:s25+$0x10];
	v0 =	vand.u32 $0x7FFF, v0;
	_ =	sdelay $0x4  }
0x115: {  	[tilespmem:v0+s23+$0x0] =	vst.idx.msk vm2, v52  }
0x116: {  	v0 =	vld [tilespmem:s31+$0x20]  }
0x117: {  	v1 =	vld [tilespmem:s31+$0x21];
	_ =	sdelay $0x4  }
0x118: {  	vm2 =	vne.s32 v0, v1  }
0x119: {  	v53 =	vld [tilespmem:s25+$0x20];
	v0 =	vand.u32 $0x7FFF, v0;
	_ =	sdelay $0x4  }
0x11a: {  	[tilespmem:v0+s23+$0x0] =	vst.idx.msk vm2, v53  }
0x11b: {  	v0 =	vld [tilespmem:s0+$0x11B00]  }
0x11c: {  	v1 =	vld [tilespmem:s31+$0x31];
	_ =	sdelay $0x4  }
0x11d: {  	vm2 =	vne.s32 v0, v1  }
0x11e: {  	v54 =	vld [tilespmem:s0+$0x12800];
	v0 =	vand.u32 $0x7FFF, v0;
	_ =	sdelay $0x4  }
0x11f: {  	[tilespmem:v0+s23+$0x0] =	vst.idx.msk vm2, v54  }
0x120: {  	v0 =	vld [tilespmem:s31+$0x40]  }
0x121: {  	v1 =	vld [tilespmem:s31+$0x41];
	_ =	sdelay $0x4  }
0x122: {  	vm2 =	vne.s32 v0, v1  }
0x123: {  	v55 =	vld [tilespmem:s25+$0x40];
	v0 =	vand.u32 $0x7FFF, v0;
	_ =	sdelay $0x4  }
0x124: {  	[tilespmem:v0+s23+$0x0] =	vst.idx.msk vm2, v55  }
0x125: {  	v0 =	vld [tilespmem:s31+$0x50]  }
0x126: {  	v1 =	vld [tilespmem:s31+$0x51];
	_ =	sdelay $0x4  }
0x127: {  	vm2 =	vne.s32 v0, v1  }
0x128: {  	v56 =	vld [tilespmem:s25+$0x50];
	v0 =	vand.u32 $0x7FFF, v0;
	_ =	sdelay $0x4  }
0x129: {  	[tilespmem:v0+s23+$0x0] =	vst.idx.msk vm2, v56  }
0x12a: {  	v0 =	vld [tilespmem:s31+$0x60]  }
0x12b: {  	v1 =	vld [tilespmem:s31+$0x61];
	_ =	sdelay $0x4  }
0x12c: {  	vm2 =	vne.s32 v0, v1  }
0x12d: {  	v57 =	vld [tilespmem:s25+$0x60];
	v0 =	vand.u32 $0x7FFF, v0;
	_ =	sdelay $0x4  }
0x12e: {  	[tilespmem:v0+s23+$0x0] =	vst.idx.msk vm2, v57  }
0x12f: {  	v0 =	vld [tilespmem:s31+$0x70]  }
0x130: {  	v1 =	vld [tilespmem:s31+$0x71];
	_ =	sdelay $0x4  }
0x131: {  	vm2 =	vne.s32 v0, v1  }
0x132: {  	v58 =	vld [tilespmem:s25+$0x70];
	v0 =	vand.u32 $0x7FFF, v0;
	_ =	sdelay $0x4  }
0x133: {  	[tilespmem:v0+s23+$0x0] =	vst.idx.msk vm2, v58  }
0x134: {  	v0 =	vld [tilespmem:s31+$0x80]  }
0x135: {  	v1 =	vld [tilespmem:s31+$0x81];
	_ =	sdelay $0x4  }
0x136: {  	vm2 =	vne.s32 v0, v1  }
0x137: {  	v59 =	vld [tilespmem:s25+$0x80];
	v0 =	vand.u32 $0x7FFF, v0;
	_ =	sdelay $0x4  }
0x138: {  	[tilespmem:v0+s23+$0x0] =	vst.idx.msk vm2, v59  }
0x139: {  	v0 =	vld [tilespmem:s31+$0x90]  }
0x13a: {  	v1 =	vld [tilespmem:s31+$0x91];
	_ =	sdelay $0x4  }
0x13b: {  	vm2 =	vne.s32 v0, v1  }
0x13c: {  	v60 =	vld [tilespmem:s25+$0x90];
	v0 =	vand.u32 $0x7FFF, v0;
	_ =	sdelay $0x4  }
0x13d: {  	[tilespmem:v0+s23+$0x0] =	vst.idx.msk vm2, v60  }
0x13e: {  	v0 =	vld [tilespmem:s31+$0xA0]  }
0x13f: {  	v1 =	vld [tilespmem:s31+$0xA1];
	_ =	sdelay $0x4  }
0x140: {  	vm2 =	vne.s32 v0, v1  }
0x141: {  	v61 =	vld [tilespmem:s25+$0xA0];
	v0 =	vand.u32 $0x7FFF, v0;
	_ =	sdelay $0x4  }
0x142: {  	[tilespmem:v0+s23+$0x0] =	vst.idx.msk vm2, v61  }
0x143: {  	v0 =	vld [tilespmem:s0+$0x11B80]  }
0x144: {  	v1 =	vld [tilespmem:s31+$0xB1];
	_ =	sdelay $0x4  }
0x145: {  	vm2 =	vne.s32 v0, v1  }
0x146: {  	v62 =	vld [tilespmem:s0+$0x12880];
	v0 =	vand.u32 $0x7FFF, v0;
	_ =	sdelay $0x4  }
0x147: {  	[tilespmem:v0+s23+$0x0] =	vst.idx.msk vm2, v62  }
0x148: {  	v0 =	vld [tilespmem:s31+$0xC0]  }
0x149: {  	v1 =	vld [tilespmem:s31+$0xC1];
	_ =	sdelay $0x4  }
0x14a: {  	vm2 =	vne.s32 v0, v1  }
0x14b: {  	vm2 =	vmand vm2, vm0  }
0x14c: {  	vm2 =	vmor vm2, vm1  }
0x14d: {  	p0 =	sne.s32 s24, $0xB2F;
	v63 =	vld [tilespmem:s25+$0xC0];
	v0 =	vand.u32 $0x7FFF, v0  }
.Ltmp1:
0x14e: {  	_ = 	snop;
	(pc) =	sbr.rel @p0 .LBB2_5-.Ltmp1, $2  }
0x14f: {  	_ =	sdelay $0x2  }
0x150: {  	s24 =	sadd.s32 $0x199, s24;
	s25 =	sadd.s32 $0x199, s25;
	s31 =	sadd.s32 $0x199, s31;
	[tilespmem:v0+s23+$0x0] =	vst.idx.msk vm2, v63  }
0x151: {  	s24 =	smul.u32 $0x3000, s20;
	_ =	sdelay $0x1  }
0x152: {  	s25 =	simm.s32 $0x0;
	s0 =	sadd.s32 s24, s15  }
0x153: {  	[hbm4b:s0+s25] =	stream.linear.scatter [tilespmem:s23], [sflag:$0x8], $0x8000, $0x38;
	[tilespmem:$0x1CE00] =	vst v63  }
0x154: {  	s0 =	sadd.s32 s3, s16  }
0x155: {  	_ =	swait.ge [sflag:s10], $0x8000;
	s21 =	sshll.u32 s0, $0x9;
	s0 =	smul.u32 $0x199, s0  }
0x156: {  	[sflag:s10] =	ssyncset.done $0x0;
	s21 =	sand.u32 $0x1FFFF000, s21  }
0x157: {  	[sflag:s10] =	ssyncadd.s32 $0xFFFF8000;
	s21 =	sadd.s32 s1, s21;
	s0 =	sshrl.u32 s0, $0x3  }
0x158: {  	[tilespmem:s25], [sflag:$0x1] =	stream.linear.gather [hbm4b:s21+s25], $0x8000, $0x38;
	[tilespmem:$0x1CE00] =	vst v63  }
0x159: {  	s31 =	simm.s32 $0x8000;
	s21 =	sadd.s32 s5, s0  }
0x15a: {  	[tilespmem:s31], [sflag:$0x2] =	stream.linear.gather [hbm4b:s21+s25], $0xCC8, $0x38;
	[tilespmem:$0x1CE00] =	vst v63  }
0x15b: {  	s0 =	sadd.s32 s7, s0  }
0x15c: {  	[tilespmem:s22], [sflag:$0x3] =	stream.linear.gather [hbm4b:s0+s25], $0xCC8, $0x38;
	[tilespmem:$0x1CE00] =	vst v63  }
0x15d: {  	_ =	swait.ge [sflag:s11], $0x8000  }
0x15e: {  	[sflag:s11] =	ssyncset.done $0x0  }
0x15f: {  	[sflag:s11] =	ssyncadd.s32 $0xFFFF8000  }
0x160: {  	_ =	swait.ge [sflag:s12], $0xCC8  }
0x161: {  	[sflag:s12] =	ssyncset.done $0x0  }
0x162: {  	[sflag:s12] =	ssyncadd.s32 $0xFFFFF338  }
0x163: {  	_ =	swait.ge [sflag:s13], $0xCC8  }
0x164: {  	[sflag:s13] =	ssyncset.done $0x0  }
0x165: {  	s31 =	simm.s32 $0x1C1D0;
	s0 =	simm.s32 $0x1B4D0;
	[sflag:s13] =	ssyncadd.s32 $0xFFFFF338  }
.LBB2_7:
0x166: {  	v0 =	vld [tilespmem:s0+$0xFFFFFF30]  }
0x167: {  	v1 =	vld [tilespmem:s0+$0xFFFFFF31];
	_ =	sdelay $0x4  }
0x168: {  	vm2 =	vne.s32 v0, v1  }
0x169: {  	v38 =	vld [tilespmem:s31+$0xFFFFFF30];
	v0 =	vand.u32 $0x7FFF, v0;
	_ =	sdelay $0x4  }
0x16a: {  	[tilespmem:v0+s30+$0x0] =	vst.idx.msk vm2, v38  }
0x16b: {  	v0 =	vld [tilespmem:s0+$0xFFFFFF40]  }
0x16c: {  	v1 =	vld [tilespmem:s0+$0xFFFFFF41];
	_ =	sdelay $0x4  }
0x16d: {  	vm2 =	vne.s32 v0, v1  }
0x16e: {  	v39 =	vld [tilespmem:s31+$0xFFFFFF40];
	v0 =	vand.u32 $0x7FFF, v0;
	_ =	sdelay $0x4  }
0x16f: {  	[tilespmem:v0+s30+$0x0] =	vst.idx.msk vm2, v39  }
0x170: {  	v0 =	vld [tilespmem:s0+$0xFFFFFF50]  }
0x171: {  	v1 =	vld [tilespmem:s0+$0xFFFFFF51];
	_ =	sdelay $0x4  }
0x172: {  	vm2 =	vne.s32 v0, v1  }
0x173: {  	v40 =	vld [tilespmem:s31+$0xFFFFFF50];
	v0 =	vand.u32 $0x7FFF, v0;
	_ =	sdelay $0x4  }
0x174: {  	[tilespmem:v0+s30+$0x0] =	vst.idx.msk vm2, v40  }
0x175: {  	v0 =	vld [tilespmem:s0+$0xFFFFFF60]  }
0x176: {  	v1 =	vld [tilespmem:s0+$0xFFFFFF61];
	_ =	sdelay $0x4  }
0x177: {  	vm2 =	vne.s32 v0, v1  }
0x178: {  	v41 =	vld [tilespmem:s31+$0xFFFFFF60];
	v0 =	vand.u32 $0x7FFF, v0;
	_ =	sdelay $0x4  }
0x179: {  	[tilespmem:v0+s30+$0x0] =	vst.idx.msk vm2, v41  }
0x17a: {  	v0 =	vld [tilespmem:s0+$0xFFFFFF70]  }
0x17b: {  	v1 =	vld [tilespmem:s0+$0xFFFFFF71];
	_ =	sdelay $0x4  }
0x17c: {  	vm2 =	vne.s32 v0, v1  }
0x17d: {  	v42 =	vld [tilespmem:s31+$0xFFFFFF70];
	v0 =	vand.u32 $0x7FFF, v0;
	_ =	sdelay $0x4  }
0x17e: {  	[tilespmem:v0+s30+$0x0] =	vst.idx.msk vm2, v42  }
0x17f: {  	v0 =	vld [tilespmem:s0+$0xFFFFFF80]  }
0x180: {  	v1 =	vld [tilespmem:s0+$0xFFFFFF81];
	_ =	sdelay $0x4  }
0x181: {  	vm2 =	vne.s32 v0, v1  }
0x182: {  	v43 =	vld [tilespmem:s31+$0xFFFFFF80];
	v0 =	vand.u32 $0x7FFF, v0;
	_ =	sdelay $0x4  }
0x183: {  	[tilespmem:v0+s30+$0x0] =	vst.idx.msk vm2, v43  }
0x184: {  	v0 =	vld [tilespmem:s0+$0xFFFFFF90]  }
0x185: {  	v1 =	vld [tilespmem:s0+$0xFFFFFF91];
	_ =	sdelay $0x4  }
0x186: {  	vm2 =	vne.s32 v0, v1  }
0x187: {  	v44 =	vld [tilespmem:s31+$0xFFFFFF90];
	v0 =	vand.u32 $0x7FFF, v0;
	_ =	sdelay $0x4  }
0x188: {  	[tilespmem:v0+s30+$0x0] =	vst.idx.msk vm2, v44  }
0x189: {  	v0 =	vld [tilespmem:s0+$0xFFFFFFA0]  }
0x18a: {  	v1 =	vld [tilespmem:s0+$0xFFFFFFA1];
	_ =	sdelay $0x4  }
0x18b: {  	vm2 =	vne.s32 v0, v1  }
0x18c: {  	v45 =	vld [tilespmem:s31+$0xFFFFFFA0];
	v0 =	vand.u32 $0x7FFF, v0;
	_ =	sdelay $0x4  }
0x18d: {  	s21 =	sand.u32 $0xFFF, s25;
	[tilespmem:v0+s30+$0x0] =	vst.idx.msk vm2, v45  }
0x18e: {  	v0 =	vld [tilespmem:s21+$0x1B480]  }
0x18f: {  	v1 =	vld [tilespmem:s0+$0xFFFFFFB1];
	_ =	sdelay $0x4  }
0x190: {  	vm2 =	vne.s32 v0, v1  }
0x191: {  	v46 =	vld [tilespmem:s21+$0x1C180];
	v0 =	vand.u32 $0x7FFF, v0;
	_ =	sdelay $0x4  }
0x192: {  	[tilespmem:v0+s30+$0x0] =	vst.idx.msk vm2, v46  }
0x193: {  	v0 =	vld [tilespmem:s0+$0xFFFFFFC0]  }
0x194: {  	v1 =	vld [tilespmem:s0+$0xFFFFFFC1];
	_ =	sdelay $0x4  }
0x195: {  	vm2 =	vne.s32 v0, v1  }
0x196: {  	v47 =	vld [tilespmem:s31+$0xFFFFFFC0];
	v0 =	vand.u32 $0x7FFF, v0;
	_ =	sdelay $0x4  }
0x197: {  	[tilespmem:v0+s30+$0x0] =	vst.idx.msk vm2, v47  }
0x198: {  	v0 =	vld [tilespmem:s0+$0xFFFFFFD0]  }
0x199: {  	v1 =	vld [tilespmem:s0+$0xFFFFFFD1];
	_ =	sdelay $0x4  }
0x19a: {  	vm2 =	vne.s32 v0, v1  }
0x19b: {  	v48 =	vld [tilespmem:s31+$0xFFFFFFD0];
	v0 =	vand.u32 $0x7FFF, v0;
	_ =	sdelay $0x4  }
0x19c: {  	[tilespmem:v0+s30+$0x0] =	vst.idx.msk vm2, v48  }
0x19d: {  	v0 =	vld [tilespmem:s0+$0xFFFFFFE0]  }
0x19e: {  	v1 =	vld [tilespmem:s0+$0xFFFFFFE1];
	_ =	sdelay $0x4  }
0x19f: {  	vm2 =	vne.s32 v0, v1  }
0x1a0: {  	v49 =	vld [tilespmem:s31+$0xFFFFFFE0];
	v0 =	vand.u32 $0x7FFF, v0;
	_ =	sdelay $0x4  }
0x1a1: {  	[tilespmem:v0+s30+$0x0] =	vst.idx.msk vm2, v49  }
0x1a2: {  	v0 =	vld [tilespmem:s0+$0xFFFFFFF0]  }
0x1a3: {  	v1 =	vld [tilespmem:s0+$0xFFFFFFF1];
	_ =	sdelay $0x4  }
0x1a4: {  	vm2 =	vne.s32 v0, v1  }
0x1a5: {  	v50 =	vld [tilespmem:s31+$0xFFFFFFF0];
	v0 =	vand.u32 $0x7FFF, v0;
	_ =	sdelay $0x4  }
0x1a6: {  	[tilespmem:v0+s30+$0x0] =	vst.idx.msk vm2, v50  }
0x1a7: {  	v0 =	vld [tilespmem:s0+$0x0]  }
0x1a8: {  	v1 =	vld [tilespmem:s0+$0x1];
	_ =	sdelay $0x4  }
0x1a9: {  	vm2 =	vne.s32 v0, v1  }
0x1aa: {  	v51 =	vld [tilespmem:s31+$0x0];
	v0 =	vand.u32 $0x7FFF, v0;
	_ =	sdelay $0x4  }
0x1ab: {  	[tilespmem:v0+s30+$0x0] =	vst.idx.msk vm2, v51  }
0x1ac: {  	v0 =	vld [tilespmem:s0+$0x10]  }
0x1ad: {  	v1 =	vld [tilespmem:s0+$0x11];
	_ =	sdelay $0x4  }
0x1ae: {  	vm2 =	vne.s32 v0, v1  }
0x1af: {  	v52 =	vld [tilespmem:s31+$0x10];
	v0 =	vand.u32 $0x7FFF, v0;
	_ =	sdelay $0x4  }
0x1b0: {  	[tilespmem:v0+s30+$0x0] =	vst.idx.msk vm2, v52  }
0x1b1: {  	v0 =	vld [tilespmem:s0+$0x20]  }
0x1b2: {  	v1 =	vld [tilespmem:s0+$0x21];
	_ =	sdelay $0x4  }
0x1b3: {  	vm2 =	vne.s32 v0, v1  }
0x1b4: {  	v53 =	vld [tilespmem:s31+$0x20];
	v0 =	vand.u32 $0x7FFF, v0;
	_ =	sdelay $0x4  }
0x1b5: {  	[tilespmem:v0+s30+$0x0] =	vst.idx.msk vm2, v53  }
0x1b6: {  	v0 =	vld [tilespmem:s21+$0x1B500]  }
0x1b7: {  	v1 =	vld [tilespmem:s0+$0x31];
	_ =	sdelay $0x4  }
0x1b8: {  	vm2 =	vne.s32 v0, v1  }
0x1b9: {  	v54 =	vld [tilespmem:s21+$0x1C200];
	v0 =	vand.u32 $0x7FFF, v0;
	_ =	sdelay $0x4  }
0x1ba: {  	[tilespmem:v0+s30+$0x0] =	vst.idx.msk vm2, v54  }
0x1bb: {  	v0 =	vld [tilespmem:s0+$0x40]  }
0x1bc: {  	v1 =	vld [tilespmem:s0+$0x41];
	_ =	sdelay $0x4  }
0x1bd: {  	vm2 =	vne.s32 v0, v1  }
0x1be: {  	v55 =	vld [tilespmem:s31+$0x40];
	v0 =	vand.u32 $0x7FFF, v0;
	_ =	sdelay $0x4  }
0x1bf: {  	[tilespmem:v0+s30+$0x0] =	vst.idx.msk vm2, v55  }
0x1c0: {  	v0 =	vld [tilespmem:s0+$0x50]  }
0x1c1: {  	v1 =	vld [tilespmem:s0+$0x51];
	_ =	sdelay $0x4  }
0x1c2: {  	vm2 =	vne.s32 v0, v1  }
0x1c3: {  	v56 =	vld [tilespmem:s31+$0x50];
	v0 =	vand.u32 $0x7FFF, v0;
	_ =	sdelay $0x4  }
0x1c4: {  	[tilespmem:v0+s30+$0x0] =	vst.idx.msk vm2, v56  }
0x1c5: {  	v0 =	vld [tilespmem:s0+$0x60]  }
0x1c6: {  	v1 =	vld [tilespmem:s0+$0x61];
	_ =	sdelay $0x4  }
0x1c7: {  	vm2 =	vne.s32 v0, v1  }
0x1c8: {  	v57 =	vld [tilespmem:s31+$0x60];
	v0 =	vand.u32 $0x7FFF, v0;
	_ =	sdelay $0x4  }
0x1c9: {  	[tilespmem:v0+s30+$0x0] =	vst.idx.msk vm2, v57  }
0x1ca: {  	v0 =	vld [tilespmem:s0+$0x70]  }
0x1cb: {  	v1 =	vld [tilespmem:s0+$0x71];
	_ =	sdelay $0x4  }
0x1cc: {  	vm2 =	vne.s32 v0, v1  }
0x1cd: {  	v58 =	vld [tilespmem:s31+$0x70];
	v0 =	vand.u32 $0x7FFF, v0;
	_ =	sdelay $0x4  }
0x1ce: {  	[tilespmem:v0+s30+$0x0] =	vst.idx.msk vm2, v58  }
0x1cf: {  	v0 =	vld [tilespmem:s0+$0x80]  }
0x1d0: {  	v1 =	vld [tilespmem:s0+$0x81];
	_ =	sdelay $0x4  }
0x1d1: {  	vm2 =	vne.s32 v0, v1  }
0x1d2: {  	v59 =	vld [tilespmem:s31+$0x80];
	v0 =	vand.u32 $0x7FFF, v0;
	_ =	sdelay $0x4  }
0x1d3: {  	[tilespmem:v0+s30+$0x0] =	vst.idx.msk vm2, v59  }
0x1d4: {  	v0 =	vld [tilespmem:s0+$0x90]  }
0x1d5: {  	v1 =	vld [tilespmem:s0+$0x91];
	_ =	sdelay $0x4  }
0x1d6: {  	vm2 =	vne.s32 v0, v1  }
0x1d7: {  	v60 =	vld [tilespmem:s31+$0x90];
	v0 =	vand.u32 $0x7FFF, v0;
	_ =	sdelay $0x4  }
0x1d8: {  	[tilespmem:v0+s30+$0x0] =	vst.idx.msk vm2, v60  }
0x1d9: {  	v0 =	vld [tilespmem:s0+$0xA0]  }
0x1da: {  	v1 =	vld [tilespmem:s0+$0xA1];
	_ =	sdelay $0x4  }
0x1db: {  	vm2 =	vne.s32 v0, v1  }
0x1dc: {  	v61 =	vld [tilespmem:s31+$0xA0];
	v0 =	vand.u32 $0x7FFF, v0;
	_ =	sdelay $0x4  }
0x1dd: {  	[tilespmem:v0+s30+$0x0] =	vst.idx.msk vm2, v61  }
0x1de: {  	v0 =	vld [tilespmem:s21+$0x1B580]  }
0x1df: {  	v1 =	vld [tilespmem:s0+$0xB1];
	_ =	sdelay $0x4  }
0x1e0: {  	vm2 =	vne.s32 v0, v1  }
0x1e1: {  	v62 =	vld [tilespmem:s21+$0x1C280];
	v0 =	vand.u32 $0x7FFF, v0;
	_ =	sdelay $0x4  }
0x1e2: {  	[tilespmem:v0+s30+$0x0] =	vst.idx.msk vm2, v62  }
0x1e3: {  	v0 =	vld [tilespmem:s0+$0xC0]  }
0x1e4: {  	v1 =	vld [tilespmem:s0+$0xC1];
	_ =	sdelay $0x4  }
0x1e5: {  	vm2 =	vne.s32 v0, v1  }
0x1e6: {  	vm2 =	vmand vm2, vm0  }
0x1e7: {  	vm2 =	vmor vm2, vm1  }
0x1e8: {  	p0 =	sne.s32 s25, $0xB2F;
	v63 =	vld [tilespmem:s31+$0xC0];
	v0 =	vand.u32 $0x7FFF, v0  }
.Ltmp2:
0x1e9: {  	_ = 	snop;
	(pc) =	sbr.rel @p0 .LBB2_7-.Ltmp2, $2  }
0x1ea: {  	_ =	sdelay $0x2  }
0x1eb: {  	s25 =	sadd.s32 $0x199, s25;
	s31 =	sadd.s32 $0x199, s31;
	s0 =	sadd.s32 $0x199, s0;
	[tilespmem:v0+s30+$0x0] =	vst.idx.msk vm2, v63  }
0x1ec: {  	p0 =	seq.s32 s20, $0x14  }
.Ltmp3:
0x1ed: {  	s0 =	sadd.s32 s24, s17;
	(pc) =	sbr.rel @p0 .LBB2_10-.Ltmp3, $4  }
0x1ee: {  	[hbm4b:s0+s4] =	stream.linear.scatter [tilespmem:s30], [sflag:$0xC], $0x8000, $0x38;
	[tilespmem:$0x1CE00] =	vst v63  }
0x1ef: {  	_ =	swait.ge [sflag:s19], $0x8000  }
0x1f0: {  	[sflag:s19] =	ssyncset.done $0x0  }
0x1f1: {  	[sflag:s19] =	ssyncadd.s32 $0xFFFF8000  }
0x1f2: {  	s0 =	sadd.s32 s3, s18  }
0x1f3: {  	s3 =	sshll.u32 s0, $0x9  }
0x1f4: {  	s3 =	sand.u32 $0x1FFFF000, s3  }
0x1f5: {  	s0 =	smul.u32 $0x199, s0;
	s3 =	sadd.s32 s1, s3  }
0x1f6: {  	[tilespmem:s23], [sflag:$0x5] =	stream.linear.gather [hbm4b:s3+s4], $0x8000, $0x38;
	[tilespmem:$0x1CE00] =	vst v63  }
.Ltmp4:
0x1f7: {  	s0 =	sshrl.u32 s0, $0x3;
	(pc) =	sbr.rel .LBB2_2-.Ltmp4, $4  }
0x1f8: {  	s21 =	simm.s32 $0x11A00;
	s25 =	sadd.s32 s5, s0  }
0x1f9: {  	[tilespmem:s21], [sflag:$0x6] =	stream.linear.gather [hbm4b:s25+s4], $0xCC8, $0x38;
	[tilespmem:$0x1CE00] =	vst v63  }
0x1fa: {  	s31 =	simm.s32 $0x12700;
	s20 =	sadd.s32 $0x1, s20;
	s0 =	sadd.s32 s7, s0  }
0x1fb: {  	[tilespmem:s31], [sflag:$0x7] =	stream.linear.gather [hbm4b:s0+s4], $0xCC8, $0x38;
	[tilespmem:$0x1CE00] =	vst v63  }
.LBB2_10:
0x1fc: {  	_ =	swait.ge [sflag:s26], $0x8000  }
0x1fd: {  	[sflag:s26] =	ssyncset.done $0x0  }
0x1fe: {  	[sflag:s26] =	ssyncadd.s32 $0xFFFF8000  }
0x1ff: {  	_ =	swait.ge [sflag:s28], $0xCC8  }
0x200: {  	[sflag:s28] =	ssyncset.done $0x0  }
0x201: {  	[sflag:s28] =	ssyncadd.s32 $0xFFFFF338  }
0x202: {  	_ =	swait.ge [sflag:s29], $0xCC8  }
0x203: {  	s3 =	simm.s32 $0x0;
	[sflag:s29] =	ssyncset.done $0x0  }
0x204: {  	s20 =	simm.s32 $0x8DD0;
	s0 =	simm.s32 $0x80D0;
	[sflag:s29] =	ssyncadd.s32 $0xFFFFF338  }
.LBB2_11:
0x205: {  	v0 =	vld [tilespmem:s0+$0xFFFFFF30]  }
0x206: {  	v1 =	vld [tilespmem:s0+$0xFFFFFF31];
	_ =	sdelay $0x4  }
0x207: {  	vm2 =	vne.s32 v0, v1  }
0x208: {  	v38 =	vld [tilespmem:s20+$0xFFFFFF30];
	v0 =	vand.u32 $0x7FFF, v0;
	_ =	sdelay $0x4  }
0x209: {  	[tilespmem:v0+s4+$0x0] =	vst.idx.msk vm2, v38  }
0x20a: {  	v0 =	vld [tilespmem:s0+$0xFFFFFF40]  }
0x20b: {  	v1 =	vld [tilespmem:s0+$0xFFFFFF41];
	_ =	sdelay $0x4  }
0x20c: {  	vm2 =	vne.s32 v0, v1  }
0x20d: {  	v39 =	vld [tilespmem:s20+$0xFFFFFF40];
	v0 =	vand.u32 $0x7FFF, v0;
	_ =	sdelay $0x4  }
0x20e: {  	[tilespmem:v0+s4+$0x0] =	vst.idx.msk vm2, v39  }
0x20f: {  	v0 =	vld [tilespmem:s0+$0xFFFFFF50]  }
0x210: {  	v1 =	vld [tilespmem:s0+$0xFFFFFF51];
	_ =	sdelay $0x4  }
0x211: {  	vm2 =	vne.s32 v0, v1  }
0x212: {  	v40 =	vld [tilespmem:s20+$0xFFFFFF50];
	v0 =	vand.u32 $0x7FFF, v0;
	_ =	sdelay $0x4  }
0x213: {  	[tilespmem:v0+s4+$0x0] =	vst.idx.msk vm2, v40  }
0x214: {  	v0 =	vld [tilespmem:s0+$0xFFFFFF60]  }
0x215: {  	v1 =	vld [tilespmem:s0+$0xFFFFFF61];
	_ =	sdelay $0x4  }
0x216: {  	vm2 =	vne.s32 v0, v1  }
0x217: {  	v41 =	vld [tilespmem:s20+$0xFFFFFF60];
	v0 =	vand.u32 $0x7FFF, v0;
	_ =	sdelay $0x4  }
0x218: {  	[tilespmem:v0+s4+$0x0] =	vst.idx.msk vm2, v41  }
0x219: {  	v0 =	vld [tilespmem:s0+$0xFFFFFF70]  }
0x21a: {  	v1 =	vld [tilespmem:s0+$0xFFFFFF71];
	_ =	sdelay $0x4  }
0x21b: {  	vm2 =	vne.s32 v0, v1  }
0x21c: {  	v42 =	vld [tilespmem:s20+$0xFFFFFF70];
	v0 =	vand.u32 $0x7FFF, v0;
	_ =	sdelay $0x4  }
0x21d: {  	[tilespmem:v0+s4+$0x0] =	vst.idx.msk vm2, v42  }
0x21e: {  	v0 =	vld [tilespmem:s0+$0xFFFFFF80]  }
0x21f: {  	v1 =	vld [tilespmem:s0+$0xFFFFFF81];
	_ =	sdelay $0x4  }
0x220: {  	vm2 =	vne.s32 v0, v1  }
0x221: {  	v43 =	vld [tilespmem:s20+$0xFFFFFF80];
	v0 =	vand.u32 $0x7FFF, v0;
	_ =	sdelay $0x4  }
0x222: {  	[tilespmem:v0+s4+$0x0] =	vst.idx.msk vm2, v43  }
0x223: {  	v0 =	vld [tilespmem:s0+$0xFFFFFF90]  }
0x224: {  	v1 =	vld [tilespmem:s0+$0xFFFFFF91];
	_ =	sdelay $0x4  }
0x225: {  	vm2 =	vne.s32 v0, v1  }
0x226: {  	v44 =	vld [tilespmem:s20+$0xFFFFFF90];
	v0 =	vand.u32 $0x7FFF, v0;
	_ =	sdelay $0x4  }
0x227: {  	[tilespmem:v0+s4+$0x0] =	vst.idx.msk vm2, v44  }
0x228: {  	v0 =	vld [tilespmem:s0+$0xFFFFFFA0]  }
0x229: {  	v1 =	vld [tilespmem:s0+$0xFFFFFFA1];
	_ =	sdelay $0x4  }
0x22a: {  	vm2 =	vne.s32 v0, v1  }
0x22b: {  	v45 =	vld [tilespmem:s20+$0xFFFFFFA0];
	v0 =	vand.u32 $0x7FFF, v0;
	_ =	sdelay $0x4  }
0x22c: {  	s21 =	sand.u32 $0xFFF, s3;
	[tilespmem:v0+s4+$0x0] =	vst.idx.msk vm2, v45  }
0x22d: {  	v0 =	vld [tilespmem:s21+$0x8080]  }
0x22e: {  	v1 =	vld [tilespmem:s0+$0xFFFFFFB1];
	_ =	sdelay $0x4  }
0x22f: {  	vm2 =	vne.s32 v0, v1  }
0x230: {  	v46 =	vld [tilespmem:s21+$0x8D80];
	v0 =	vand.u32 $0x7FFF, v0;
	_ =	sdelay $0x4  }
0x231: {  	[tilespmem:v0+s4+$0x0] =	vst.idx.msk vm2, v46  }
0x232: {  	v0 =	vld [tilespmem:s0+$0xFFFFFFC0]  }
0x233: {  	v1 =	vld [tilespmem:s0+$0xFFFFFFC1];
	_ =	sdelay $0x4  }
0x234: {  	vm2 =	vne.s32 v0, v1  }
0x235: {  	v47 =	vld [tilespmem:s20+$0xFFFFFFC0];
	v0 =	vand.u32 $0x7FFF, v0;
	_ =	sdelay $0x4  }
0x236: {  	[tilespmem:v0+s4+$0x0] =	vst.idx.msk vm2, v47  }
0x237: {  	v0 =	vld [tilespmem:s0+$0xFFFFFFD0]  }
0x238: {  	v1 =	vld [tilespmem:s0+$0xFFFFFFD1];
	_ =	sdelay $0x4  }
0x239: {  	vm2 =	vne.s32 v0, v1  }
0x23a: {  	v48 =	vld [tilespmem:s20+$0xFFFFFFD0];
	v0 =	vand.u32 $0x7FFF, v0;
	_ =	sdelay $0x4  }
0x23b: {  	[tilespmem:v0+s4+$0x0] =	vst.idx.msk vm2, v48  }
0x23c: {  	v0 =	vld [tilespmem:s0+$0xFFFFFFE0]  }
0x23d: {  	v1 =	vld [tilespmem:s0+$0xFFFFFFE1];
	_ =	sdelay $0x4  }
0x23e: {  	vm2 =	vne.s32 v0, v1  }
0x23f: {  	v49 =	vld [tilespmem:s20+$0xFFFFFFE0];
	v0 =	vand.u32 $0x7FFF, v0;
	_ =	sdelay $0x4  }
0x240: {  	[tilespmem:v0+s4+$0x0] =	vst.idx.msk vm2, v49  }
0x241: {  	v0 =	vld [tilespmem:s0+$0xFFFFFFF0]  }
0x242: {  	v1 =	vld [tilespmem:s0+$0xFFFFFFF1];
	_ =	sdelay $0x4  }
0x243: {  	vm2 =	vne.s32 v0, v1  }
0x244: {  	v50 =	vld [tilespmem:s20+$0xFFFFFFF0];
	v0 =	vand.u32 $0x7FFF, v0;
	_ =	sdelay $0x4  }
0x245: {  	[tilespmem:v0+s4+$0x0] =	vst.idx.msk vm2, v50  }
0x246: {  	v0 =	vld [tilespmem:s0+$0x0]  }
0x247: {  	v1 =	vld [tilespmem:s0+$0x1];
	_ =	sdelay $0x4  }
0x248: {  	vm2 =	vne.s32 v0, v1  }
0x249: {  	v51 =	vld [tilespmem:s20+$0x0];
	v0 =	vand.u32 $0x7FFF, v0;
	_ =	sdelay $0x4  }
0x24a: {  	[tilespmem:v0+s4+$0x0] =	vst.idx.msk vm2, v51  }
0x24b: {  	v0 =	vld [tilespmem:s0+$0x10]  }
0x24c: {  	v1 =	vld [tilespmem:s0+$0x11];
	_ =	sdelay $0x4  }
0x24d: {  	vm2 =	vne.s32 v0, v1  }
0x24e: {  	v52 =	vld [tilespmem:s20+$0x10];
	v0 =	vand.u32 $0x7FFF, v0;
	_ =	sdelay $0x4  }
0x24f: {  	[tilespmem:v0+s4+$0x0] =	vst.idx.msk vm2, v52  }
0x250: {  	v0 =	vld [tilespmem:s0+$0x20]  }
0x251: {  	v1 =	vld [tilespmem:s0+$0x21];
	_ =	sdelay $0x4  }
0x252: {  	vm2 =	vne.s32 v0, v1  }
0x253: {  	v53 =	vld [tilespmem:s20+$0x20];
	v0 =	vand.u32 $0x7FFF, v0;
	_ =	sdelay $0x4  }
0x254: {  	[tilespmem:v0+s4+$0x0] =	vst.idx.msk vm2, v53  }
0x255: {  	v0 =	vld [tilespmem:s21+$0x8100]  }
0x256: {  	v1 =	vld [tilespmem:s0+$0x31];
	_ =	sdelay $0x4  }
0x257: {  	vm2 =	vne.s32 v0, v1  }
0x258: {  	v54 =	vld [tilespmem:s21+$0x8E00];
	v0 =	vand.u32 $0x7FFF, v0;
	_ =	sdelay $0x4  }
0x259: {  	[tilespmem:v0+s4+$0x0] =	vst.idx.msk vm2, v54  }
0x25a: {  	v0 =	vld [tilespmem:s0+$0x40]  }
0x25b: {  	v1 =	vld [tilespmem:s0+$0x41];
	_ =	sdelay $0x4  }
0x25c: {  	vm2 =	vne.s32 v0, v1  }
0x25d: {  	v55 =	vld [tilespmem:s20+$0x40];
	v0 =	vand.u32 $0x7FFF, v0;
	_ =	sdelay $0x4  }
0x25e: {  	[tilespmem:v0+s4+$0x0] =	vst.idx.msk vm2, v55  }
0x25f: {  	v0 =	vld [tilespmem:s0+$0x50]  }
0x260: {  	v1 =	vld [tilespmem:s0+$0x51];
	_ =	sdelay $0x4  }
0x261: {  	vm2 =	vne.s32 v0, v1  }
0x262: {  	v56 =	vld [tilespmem:s20+$0x50];
	v0 =	vand.u32 $0x7FFF, v0;
	_ =	sdelay $0x4  }
0x263: {  	[tilespmem:v0+s4+$0x0] =	vst.idx.msk vm2, v56  }
0x264: {  	v0 =	vld [tilespmem:s0+$0x60]  }
0x265: {  	v1 =	vld [tilespmem:s0+$0x61];
	_ =	sdelay $0x4  }
0x266: {  	vm2 =	vne.s32 v0, v1  }
0x267: {  	v57 =	vld [tilespmem:s20+$0x60];
	v0 =	vand.u32 $0x7FFF, v0;
	_ =	sdelay $0x4  }
0x268: {  	[tilespmem:v0+s4+$0x0] =	vst.idx.msk vm2, v57  }
0x269: {  	v0 =	vld [tilespmem:s0+$0x70]  }
0x26a: {  	v1 =	vld [tilespmem:s0+$0x71];
	_ =	sdelay $0x4  }
0x26b: {  	vm2 =	vne.s32 v0, v1  }
0x26c: {  	v58 =	vld [tilespmem:s20+$0x70];
	v0 =	vand.u32 $0x7FFF, v0;
	_ =	sdelay $0x4  }
0x26d: {  	[tilespmem:v0+s4+$0x0] =	vst.idx.msk vm2, v58  }
0x26e: {  	v0 =	vld [tilespmem:s0+$0x80]  }
0x26f: {  	v1 =	vld [tilespmem:s0+$0x81];
	_ =	sdelay $0x4  }
0x270: {  	vm2 =	vne.s32 v0, v1  }
0x271: {  	v59 =	vld [tilespmem:s20+$0x80];
	v0 =	vand.u32 $0x7FFF, v0;
	_ =	sdelay $0x4  }
0x272: {  	[tilespmem:v0+s4+$0x0] =	vst.idx.msk vm2, v59  }
0x273: {  	v0 =	vld [tilespmem:s0+$0x90]  }
0x274: {  	v1 =	vld [tilespmem:s0+$0x91];
	_ =	sdelay $0x4  }
0x275: {  	vm2 =	vne.s32 v0, v1  }
0x276: {  	v60 =	vld [tilespmem:s20+$0x90];
	v0 =	vand.u32 $0x7FFF, v0;
	_ =	sdelay $0x4  }
0x277: {  	[tilespmem:v0+s4+$0x0] =	vst.idx.msk vm2, v60  }
0x278: {  	v0 =	vld [tilespmem:s0+$0xA0]  }
0x279: {  	v1 =	vld [tilespmem:s0+$0xA1];
	_ =	sdelay $0x4  }
0x27a: {  	vm2 =	vne.s32 v0, v1  }
0x27b: {  	v61 =	vld [tilespmem:s20+$0xA0];
	v0 =	vand.u32 $0x7FFF, v0;
	_ =	sdelay $0x4  }
0x27c: {  	[tilespmem:v0+s4+$0x0] =	vst.idx.msk vm2, v61  }
0x27d: {  	v0 =	vld [tilespmem:s21+$0x8180]  }
0x27e: {  	v1 =	vld [tilespmem:s0+$0xB1];
	_ =	sdelay $0x4  }
0x27f: {  	vm2 =	vne.s32 v0, v1  }
0x280: {  	v62 =	vld [tilespmem:s21+$0x8E80];
	v0 =	vand.u32 $0x7FFF, v0;
	_ =	sdelay $0x4  }
0x281: {  	[tilespmem:v0+s4+$0x0] =	vst.idx.msk vm2, v62  }
0x282: {  	v0 =	vld [tilespmem:s0+$0xC0]  }
0x283: {  	v1 =	vld [tilespmem:s0+$0xC1];
	_ =	sdelay $0x4  }
0x284: {  	vm2 =	vne.s32 v0, v1  }
0x285: {  	vm2 =	vmand vm2, vm0  }
0x286: {  	vm2 =	vmor vm2, vm1  }
0x287: {  	p0 =	sne.s32 s3, $0xB2F;
	v63 =	vld [tilespmem:s20+$0xC0];
	v0 =	vand.u32 $0x7FFF, v0  }
.Ltmp5:
0x288: {  	_ = 	snop;
	(pc) =	sbr.rel @p0 .LBB2_11-.Ltmp5, $2  }
0x289: {  	_ =	sdelay $0x2  }
0x28a: {  	s3 =	sadd.s32 $0x199, s3;
	s20 =	sadd.s32 $0x199, s20;
	s0 =	sadd.s32 $0x199, s0;
	[tilespmem:v0+s4+$0x0] =	vst.idx.msk vm2, v63  }
0x28b: {  	s0 =	rddreg [dreg:$0xa];
	s25 =	simm.s32 $0xC  }
0x28c: {  	[hbm4b:s0+s4] =	stream.linear.scatter [tilespmem:s4], [sflag:$0x4], $0x8000, $0x38;
	[tilespmem:$0x1CE00] =	vst v63  }
0x28d: {  	_ =	swait.ge [sflag:s25], $0x8000  }
0x28e: {  	[sflag:s25] =	ssyncset.done $0x0  }
0x28f: {  	[sflag:s25] =	ssyncadd.s32 $0xFFFF8000  }
0x290: {  	_ =	swait.ge [sflag:s10], $0x8000  }
0x291: {  	s3 =	rddreg [dreg:$0xc]  }
0x292: {  	s31 =	rddreg [dreg:$0xb];
	s3 =	sadd.s32 $0x1, s3  }
0x293: {  	p0 =	sne.s32 s3, s31  }
.Ltmp6:
0x294: {  	_ = 	snop;
	(pc) =	sbr.rel @p0 .LBB2_1-.Ltmp6, $3  }
0x295: {  	_ =	sdelay $0x1  }
0x296: {  	[sflag:s10] =	ssyncset.done $0x0  }
0x297: {  	[sflag:s10] =	ssyncadd.s32 $0xFFFF8000  }
0x298: {  	_ =	sfence.sel $0x180000  }
0x299: {  	[bflag:$0x0] =	sbarrier.arrive $0xFFFF  }
0x29a: {  	_ =	strace $0x90000047  }
0x29b: {  	s0 =	stileid.u32;
	[bflag:$0x2] =	sbarrier.arrive $0xFFFF  }
0x29c: {  	p0 =	sne.s32 s0, $0x0;
	s0 =	rddreg [dreg:$0x3]  }
0x29d: {  	s0 =	sadd.s32 @!p0 $0x100000, s0  }
0x29e: {  	[sflag:s0] =	ssyncadd.tile.s32 @!p0 $0x1;
	_ =	shalt  }
.Lfunc_end2:
_tile_overlayer_lowered:
.L_overlay_start_2:
0x29f: {  	(tag) =	ssettag $0x2  }
0x2a0: {  	s0 =	rddreg [dreg:$0x0];
	s2 =	stileid.u32  }
0x2a1: {  	s1 =	rddreg [dreg:$0x1];
	p0 =	sne.s32 s2, $0x0  }
0x2a2: {  	s3 =	rddreg [dreg:$0x2];
	[bflag:$0x3] =	sbarrier.arrive $0xFFFF;
	s2 =	simm.s32 @!p0 $0x1C0D  }
0x2a3: {  	[timem:s3], [sflag:s2] =	dma.local @!p0 [hbm:s0], s1  }
0x2a4: {  	s0 =	simm.s32 @!p0 $0xD  }
0x2a5: {  	_ =	swait.ge @!p0 [sflag:s0], s1  }
0x2a6: {  	s1 =	ssub.s32 @!p0 $0x0, s1;
	[sflag:s0] =	ssyncset.done @!p0 $0x0  }
0x2a7: {  	[sflag:s0] =	ssyncadd.s32 @!p0 s1  }
0x2a8: {  	[bflag:$0x3] =	sbarrier.arrive $0xFFFF  }
0x2a9: {  	_ =	shalt  }

</sc_bundles>
